<compile_context>
chip_gen: v7x
topology: tpu7x:2x2x1
jax: 0.10.2.dev20260603
libtpu: 0.0.44.dev20260713+nightly
codegen_flags: <defaults>
</compile_context>

<pallas_src>
import functools

import jax
import jax.numpy as jnp
from jax import lax
from jax.experimental import pallas as pl
from jax.experimental.pallas import tpu as pltpu
from jax.experimental.pallas import tpu_sc as plsc

F32 = jnp.float32
I32 = jnp.int32

_N_CORES = 2
_N_SUB = 16
_NW = _N_CORES * _N_SUB
_K = 128
_TC_BLK = 1024
_DEG_W = 16


def _ceil_to(v, m):
    return (v + m - 1) // m * m




def _load_tile_indices(idx_hbm, pad_hbm, buf, wid, nchunk, vchunk, sem):
    base = wid * nchunk

    def issue(j, _):
        g = base + j

        @pl.when(g < vchunk)
        def _():
            pltpu.async_copy(idx_hbm.at[0, pl.ds(g * _K, _K)],
                             buf.at[pl.ds(j * _K, _K)], sem)

        @pl.when(g >= vchunk)
        def _():
            pltpu.async_copy(pad_hbm.at[g - vchunk],
                             buf.at[pl.ds(j * _K, _K)], sem)
        return 0

    lax.fori_loop(0, nchunk, issue, 0)

    def drain(j, _):
        pltpu.make_async_copy(
            idx_hbm.at[0, pl.ds(0, _K)], buf.at[pl.ds(0, _K)],
            sem).wait()
        return 0

    lax.fori_loop(0, nchunk, drain, 0)


@functools.lru_cache(maxsize=None)
def _make_deg(n_pad, e_pad, e):
    nchunk = e_pad // (_NW * _K)
    vchunk = e // _K
    rows_pt = n_pad // _N_SUB
    mesh = plsc.VectorSubcoreMesh(core_axis_name="c", subcore_axis_name="s")

    def body(dst_hbm, pad_hbm, zeros_hbm, out_hbm, dstb, ones_v, acc, sem):
        c = lax.axis_index("c")
        s = lax.axis_index("s")
        wid = c * _N_SUB + s

        _load_tile_indices(dst_hbm, pad_hbm, dstb, wid, nchunk, vchunk, sem)

        def fill(i, _):
            ones_v[i, :] = jnp.ones((16,), F32)
            return 0

        lax.fori_loop(0, _K, fill, 0)

        tile_rows = pl.ds(s * rows_pt, rows_pt)
        pltpu.sync_copy(zeros_hbm, acc.at[tile_rows])
        plsc.subcore_barrier()

        def chunk(j, _):
            pltpu.sync_copy(ones_v, acc.at[dstb.at[pl.ds(j * _K, _K)]],
                            add=True)
            return 0

        lax.fori_loop(0, nchunk, chunk, 0)
        plsc.subcore_barrier()

        pltpu.sync_copy(acc.at[tile_rows], out_hbm.at[c, tile_rows])

    return pl.kernel(
        body,
        out_type=jax.ShapeDtypeStruct((_N_CORES, n_pad, _DEG_W), F32),
        mesh=mesh,
        compiler_params=pltpu.CompilerParams(use_tc_tiling_on_sc=False),
        scratch_types=[
            pltpu.VMEM((nchunk * _K,), I32),
            pltpu.VMEM((_K, _DEG_W), F32),
            pltpu.VMEM_SHARED((n_pad, _DEG_W), F32),
            pltpu.SemaphoreType.DMA,
        ],
    )


_NBUF = 2


@functools.lru_cache(maxsize=None)
def _make_agg(n, n_pad, e_pad, e, c_dim):
    nchunk = e_pad // (_NW * _K)
    vchunk = e // _K
    rows_pt = n_pad // _N_SUB
    mesh = plsc.VectorSubcoreMesh(core_axis_name="c", subcore_axis_name="s")

    n_zero = n_pad - n
    ring = 6

    def body(y_hbm, src_hbm, dst_hbm, pad_hbm, out_hbm,
             srcb, dstb, r0v, r1v, acc, s_src, s_dst, s0, s1):
        c = lax.axis_index("c")
        s = lax.axis_index("s")
        wid = c * _N_SUB + s
        rows = (r0v, r1v)
        sems = (s0, s1)
        base = wid * nchunk

        def issue_idx(j):
            g = base + j
            slot = lax.rem(j, ring) if not isinstance(j, int) else j % ring

            @pl.when(g < vchunk)
            def _():
                pltpu.async_copy(src_hbm.at[0, pl.ds(g * _K, _K)],
                                 srcb.at[slot], s_src)
                pltpu.async_copy(dst_hbm.at[0, pl.ds(g * _K, _K)],
                                 dstb.at[slot], s_dst)

            @pl.when(g >= vchunk)
            def _():
                pltpu.async_copy(pad_hbm.at[g - vchunk], srcb.at[slot],
                                 s_src)
                pltpu.async_copy(pad_hbm.at[g - vchunk], dstb.at[slot],
                                 s_dst)

        def wait_one(buf, sem):
            pltpu.make_async_copy(
                src_hbm.at[0, pl.ds(0, _K)], buf.at[0], sem).wait()

        for j in range(min(ring - 1, nchunk)):
            issue_idx(j)
        for b in range(min(_NBUF, nchunk)):
            wait_one(srcb, s_src)
            pltpu.async_copy(y_hbm.at[srcb.at[b]], rows[b], sems[b])

        tile_rows = pl.ds(s * rows_pt, rows_pt)

        @pl.when(c == 0)
        def _():
            pltpu.sync_copy(y_hbm.at[tile_rows], acc.at[tile_rows])

        @pl.when(c == 1)
        def _():
            off = 0
            while off < rows_pt:
                sz = min(n_zero, rows_pt - off)
                pltpu.sync_copy(
                    y_hbm.at[pl.ds(n, sz)],
                    acc.at[pl.ds(s * rows_pt + off, sz)])
                off += sz

        plsc.subcore_barrier()

        def step(j, b, refill=True):
            wait_one(dstb, s_dst)
            pltpu.make_async_copy(
                y_hbm.at[srcb.at[0]], rows[b], sems[b]).wait()
            pltpu.sync_copy(rows[b], acc.at[dstb.at[lax.rem(j, ring)]],
                            add=True)
            if refill:
                @pl.when(j + _NBUF < nchunk)
                def _():
                    wait_one(srcb, s_src)
                    pltpu.async_copy(
                        y_hbm.at[srcb.at[lax.rem(j + _NBUF, ring)]],
                        rows[b], sems[b])

                @pl.when(j + ring - 1 < nchunk)
                def _():
                    issue_idx(j + ring - 1)

        def pair(g, _):
            step(2 * g, 0)
            step(2 * g + 1, 1)
            return 0

        lax.fori_loop(0, nchunk // 2, pair, 0)
        if nchunk % 2:
            step(nchunk - 1, 0, refill=False)
        plsc.subcore_barrier()

        pltpu.sync_copy(acc.at[tile_rows], out_hbm.at[c, tile_rows])

    return pl.kernel(
        body,
        out_type=jax.ShapeDtypeStruct((_N_CORES, n_pad, c_dim), F32),
        mesh=mesh,
        compiler_params=pltpu.CompilerParams(use_tc_tiling_on_sc=False),
        scratch_types=[
            pltpu.VMEM((ring, _K), I32),
            pltpu.VMEM((ring, _K), I32),
            pltpu.VMEM((_K, c_dim), F32),
            pltpu.VMEM((_K, c_dim), F32),
            pltpu.VMEM_SHARED((n_pad, c_dim), F32),
            pltpu.SemaphoreType.DMA,
            pltpu.SemaphoreType.DMA,
            pltpu.SemaphoreType.DMA,
            pltpu.SemaphoreType.DMA,
        ],
    )



def _dinv_of(degp):
    deg = jnp.sum(degp, axis=0)[:, 0:1] + 1.0
    return lax.rsqrt(deg)


def _tc1_body(x_ref, w_ref, degp_ref, y_ref, *, n_valid):
    dinv = _dinv_of(degp_ref[...])
    y = jnp.dot(x_ref[...], w_ref[...], preferred_element_type=F32) * dinv
    ridx = (pl.program_id(0) * _TC_BLK
            + lax.broadcasted_iota(I32, (_TC_BLK, 1), 0))
    y_ref[...] = jnp.where(ridx < n_valid, y, 0.0)


def _tc2_body(p_ref, degp_ref, b_ref, w_ref, y_ref, *, n_valid):
    dinv = _dinv_of(degp_ref[...])
    p = p_ref[...]
    h = jnp.maximum((p[0] + p[1]) * dinv + b_ref[...], 0.0)
    y = jnp.dot(h, w_ref[...], preferred_element_type=F32) * dinv
    ridx = (pl.program_id(0) * _TC_BLK
            + lax.broadcasted_iota(I32, (_TC_BLK, 1), 0))
    y_ref[...] = jnp.where(ridx < n_valid, y, 0.0)


def _tc3_body(q_ref, degp_ref, b_ref, wd_ref, bd_ref, logp_ref, emb_ref):
    dinv = _dinv_of(degp_ref[...])
    q = q_ref[...]
    h = (q[0] + q[1]) * dinv + b_ref[...]
    nrm = jnp.sqrt(jnp.sum(h * h, axis=1, keepdims=True))
    emb = h / (nrm + 1e-12)
    logits = jnp.dot(emb, wd_ref[...], preferred_element_type=F32) + bd_ref[...]
    m = jnp.max(logits, axis=1, keepdims=True)
    lse = jnp.log(jnp.sum(jnp.exp(logits - m), axis=1, keepdims=True)) + m
    logp_ref[...] = logits - lse
    emb_ref[...] = emb



def kernel(x, edge_index, W1, b1, W2, b2, Wd, bd):
    n, in_c = x.shape
    e = edge_index.shape[1]
    h1c = W1.shape[1]
    h2c = W2.shape[1]
    oc = Wd.shape[1]

    n_pad = _ceil_to(n + _K, _N_SUB * _K)
    e_ck = _ceil_to(e, _K)
    e_pad = _ceil_to(e_ck, _NW * _K)
    nchunk = e_pad // (_NW * _K)
    grid = n_pad // _TC_BLK

    rows_pt = n_pad // _N_SUB

    src = edge_index[0].astype(I32)
    dst = edge_index[1].astype(I32)
    if e_ck != e:
        tail = n + jnp.arange(e_ck - e, dtype=I32) % (n_pad - n)
        src = jnp.concatenate([src, tail])
        dst = jnp.concatenate([dst, tail])
    src = src.reshape(1, e_ck)
    dst = dst.reshape(1, e_ck)
    n_pad_ck = max(e_pad - e_ck, _K)
    pad_tab = (n + jnp.arange(n_pad_ck, dtype=I32) % (n_pad - n)
               ).reshape(-1, _K)

    degp = _make_deg(n_pad, e_pad, e_ck)(
        dst, pad_tab, jnp.zeros((rows_pt, _DEG_W), F32))

    y1 = pl.pallas_call(
        functools.partial(_tc1_body, n_valid=n),
        grid=grid,
        in_specs=[
            pl.BlockSpec((_TC_BLK, in_c), lambda i: (i, 0)),
            pl.BlockSpec((in_c, h1c), lambda i: (0, 0)),
            pl.BlockSpec((_N_CORES, _TC_BLK, _DEG_W), lambda i: (0, i, 0)),
        ],
        out_specs=pl.BlockSpec((_TC_BLK, h1c), lambda i: (i, 0)),
        out_shape=jax.ShapeDtypeStruct((n_pad, h1c), F32),
    )(x, W1, degp)

    p1 = _make_agg(n, n_pad, e_pad, e_ck, h1c)(y1, src, dst, pad_tab)

    y2 = pl.pallas_call(
        functools.partial(_tc2_body, n_valid=n),
        grid=grid,
        in_specs=[
            pl.BlockSpec((_N_CORES, _TC_BLK, h1c), lambda i: (0, i, 0)),
            pl.BlockSpec((_N_CORES, _TC_BLK, _DEG_W), lambda i: (0, i, 0)),
            pl.BlockSpec((1, h1c), lambda i: (0, 0)),
            pl.BlockSpec((h1c, h2c), lambda i: (0, 0)),
        ],
        out_specs=pl.BlockSpec((_TC_BLK, h2c), lambda i: (i, 0)),
        out_shape=jax.ShapeDtypeStruct((n_pad, h2c), F32),
    )(p1, degp, b1.reshape(1, h1c), W2)

    p2 = _make_agg(n, n_pad, e_pad, e_ck, h2c)(y2, src, dst, pad_tab)

    logp, emb = pl.pallas_call(
        _tc3_body,
        grid=grid,
        in_specs=[
            pl.BlockSpec((_N_CORES, _TC_BLK, h2c), lambda i: (0, i, 0)),
            pl.BlockSpec((_N_CORES, _TC_BLK, _DEG_W), lambda i: (0, i, 0)),
            pl.BlockSpec((1, h2c), lambda i: (0, 0)),
            pl.BlockSpec((h2c, oc), lambda i: (0, 0)),
            pl.BlockSpec((1, oc), lambda i: (0, 0)),
        ],
        out_specs=[
            pl.BlockSpec((_TC_BLK, oc), lambda i: (i, 0)),
            pl.BlockSpec((_TC_BLK, h2c), lambda i: (i, 0)),
        ],
        out_shape=[
            jax.ShapeDtypeStruct((n, oc), F32),
            jax.ShapeDtypeStruct((n, h2c), F32),
        ],
    )(p2, degp, b2.reshape(1, h2c), Wd, bd.reshape(1, oc))

    return logp, emb

# --- scband reference (transcript-rebuilt; emitter-appended) ---
"""Pipeline reference for scband-prot-di-gcnencoder-decoder-minibatch-15444702396417 (READ-ONLY COPY).

The authoritative reference and input builder live on the scoring server;
editing this copy changes nothing except your own understanding.
"""

import jax, jax.numpy as jnp
import numpy as np

N = 10000
E = 320000
IN_C = 128
H1 = 128
H2 = 64
OUT_C = 64


def gcn_conv(x, edge_index, W, b):
    # Faithful GCNConv: add self-loops, symmetric normalization, scatter-add aggregation
    n = x.shape[0]
    loop = jnp.arange(n, dtype=edge_index.dtype)
    src = jnp.concatenate([edge_index[0], loop])
    dst = jnp.concatenate([edge_index[1], loop])
    xw = x @ W
    deg = jnp.zeros((n,), xw.dtype).at[dst].add(1.0)
    dinv = jnp.where(deg > 0, deg ** -0.5, 0.0)
    norm = dinv[src] * dinv[dst]
    msg = jnp.take(xw, src, axis=0) * norm[:, None]
    out = jnp.zeros((n, W.shape[1]), xw.dtype).at[dst].add(msg)
    return out + b


def setup_inputs(seed: int = 0) -> dict:
    key = jax.random.key(seed)
    ks = jax.random.split(key, 9)
    x = jax.random.normal(ks[0], (N, IN_C), dtype=jnp.float32)
    edge_index = jax.random.randint(ks[1], (2, E), 0, N)
    W1 = jax.random.normal(ks[2], (IN_C, H1), dtype=jnp.float32) * (1.0 / np.sqrt(IN_C))
    b1 = jnp.zeros((H1,), dtype=jnp.float32)
    W2 = jax.random.normal(ks[3], (H1, H2), dtype=jnp.float32) * (1.0 / np.sqrt(H1))
    b2 = jnp.zeros((H2,), dtype=jnp.float32)
    Wd = jax.random.normal(ks[4], (H2, OUT_C), dtype=jnp.float32) * (1.0 / np.sqrt(H2))
    bd = jnp.zeros((OUT_C,), dtype=jnp.float32)
    return {"x": x, "edge_index": edge_index, "W1": W1, "b1": b1, "W2": W2, "b2": b2, "Wd": Wd, "bd": bd}


def reference(x, edge_index, W1, b1, W2, b2, Wd, bd):
    # eval mode: dropout is identity
    h = gcn_conv(x, edge_index, W1, b1)
    h = jax.nn.relu(h)
    h = gcn_conv(h, edge_index, W2, b2)
    nrm = jnp.sqrt(jnp.sum(h * h, axis=1, keepdims=True))
    emb = h / (nrm + 1e-12)
    logits = emb @ Wd + bd
    return (jax.nn.log_softmax(logits, axis=-1), emb)

if __name__ == "__main__":
    import jax
    _d = setup_inputs()
    print(jax.jit(kernel)(*tuple(_d.values())))

</pallas_src>

<mosaic_0001>
#map = affine_map<(d0, d1) -> (0, 0)>
#map1 = affine_map<(d0, d1) -> (0, 0, 0)>
module attributes {stable_mosaic.version = 14 : i64} {
  func.func @body(%arg0: i32, %arg1: i32, %arg2: memref<10240x64xf32, #tpu.memory_space<hbm>>, %arg3: memref<1x320000xi32, #tpu.memory_space<hbm>>, %arg4: memref<1x320000xi32, #tpu.memory_space<hbm>>, %arg5: memref<28x128xi32, #tpu.memory_space<hbm>>, %arg6: memref<2x10240x64xf32, #tpu.memory_space<hbm>>, %arg7: memref<6x128xi32, #tpu.memory_space<vmem>>, %arg8: memref<6x128xi32, #tpu.memory_space<vmem>>, %arg9: memref<128x64xf32, #tpu.memory_space<vmem>>, %arg10: memref<128x64xf32, #tpu.memory_space<vmem>>, %arg11: memref<10240x64xf32, #tpu.memory_space<vmem_shared>>, %arg12: memref<!tpu.dma_semaphore, #tpu.memory_space<semaphore_mem>>, %arg13: memref<!tpu.dma_semaphore, #tpu.memory_space<semaphore_mem>>, %arg14: memref<!tpu.dma_semaphore, #tpu.memory_space<semaphore_mem>>, %arg15: memref<!tpu.dma_semaphore, #tpu.memory_space<semaphore_mem>>) attributes {dimension_semantics = [#tpu.dimension_semantics<core_parallel>, #tpu.dimension_semantics<subcore_parallel>], iteration_bounds = array<i64: 2, 16>, scalar_prefetch = 0 : i64, scratch_operands = 9 : i64, tpu.core_type = #tpu.core_type<sc_vector_subcore>, window_params = [{transform_indices = #map}, {transform_indices = #map}, {transform_indices = #map}, {transform_indices = #map}, {transform_indices = #map1}]} {
    %mul3A = arith.constant 16 : i32
    %mul3A_0 = arith.muli %arg0, %mul3A : i32
    %add3A = arith.addi %mul3A_0, %arg1 : i32
    %mul3A_1 = arith.constant 79 : i32
    %mul3A_2 = arith.muli %add3A, %mul3A_1 : i32
    %add3A_3 = arith.constant 0 : i32
    %add3A_4 = arith.addi %mul3A_2, %add3A_3 : i32
    %lt3A = arith.constant 2500 : i32
    %lt3A_5 = arith.cmpi slt, %add3A_4, %lt3A : i32
    %convert_element_type3A = arith.extui %lt3A_5 : i1 to i32
    %cond3A = arith.constant 0 : i32
    %cond3A_6 = arith.cmpi ne, %convert_element_type3A, %cond3A : i32
    scf.if %cond3A_6 {
      %mul3A_140 = arith.constant 128 : i32
      %mul3A_141 = arith.muli %add3A_4, %mul3A_140 : i32
      %dma_start3A_142 = arith.constant 0 : i32
      %dma_start3A_143 = arith.constant 0 : i32
      %dma_start3A_144 = arith.constant 0 : i32
      %dma_start3A_145 = tpu.memref_slice %arg7[%dma_start3A_143, %dma_start3A_144] : memref<6x128xi32, #tpu.memory_space<vmem>> -> memref<1x128xi32, #tpu.memory_space<vmem>>
      %dma_start3A_146 = tpu.memref_squeeze %dma_start3A_145 : memref<1x128xi32, #tpu.memory_space<vmem>> -> memref<128xi32, #tpu.memory_space<vmem>>
      %dma_start3A_147 = tpu.memref_slice %arg3[%dma_start3A_142, %mul3A_141] : memref<1x320000xi32, #tpu.memory_space<hbm>> -> memref<1x128xi32, #tpu.memory_space<hbm>>
      %dma_start3A_148 = tpu.memref_squeeze %dma_start3A_147 : memref<1x128xi32, #tpu.memory_space<hbm>> -> memref<128xi32, #tpu.memory_space<hbm>>
      %dma_start3A_149 = arith.constant 0 : i32
      %dma_start3A_150 = tpu.memref_slice %arg7[%dma_start3A_143, %dma_start3A_149] : memref<6x128xi32, #tpu.memory_space<vmem>> -> memref<1x128xi32, #tpu.memory_space<vmem>>
      %dma_start3A_151 = tpu.memref_squeeze %dma_start3A_150 : memref<1x128xi32, #tpu.memory_space<vmem>> -> memref<128xi32, #tpu.memory_space<vmem>>
      %dma_start3A_152 = tpu.memref_slice %arg3[%dma_start3A_142, %mul3A_141] : memref<1x320000xi32, #tpu.memory_space<hbm>> -> memref<1x128xi32, #tpu.memory_space<hbm>>
      %dma_start3A_153 = tpu.memref_squeeze %dma_start3A_152 : memref<1x128xi32, #tpu.memory_space<hbm>> -> memref<128xi32, #tpu.memory_space<hbm>>
      tpu.enqueue_dma source(%dma_start3A_153 : memref<128xi32, #tpu.memory_space<hbm>>) target(%dma_start3A_151 : memref<128xi32, #tpu.memory_space<vmem>>) target_semaphore(%arg12 : memref<!tpu.dma_semaphore, #tpu.memory_space<semaphore_mem>>)
      %mul3A_154 = arith.constant 128 : i32
      %mul3A_155 = arith.muli %add3A_4, %mul3A_154 : i32
      %dma_start3A_156 = arith.constant 0 : i32
      %dma_start3A_157 = arith.constant 0 : i32
      %dma_start3A_158 = arith.constant 0 : i32
      %dma_start3A_159 = tpu.memref_slice %arg8[%dma_start3A_157, %dma_start3A_158] : memref<6x128xi32, #tpu.memory_space<vmem>> -> memref<1x128xi32, #tpu.memory_space<vmem>>
      %dma_start3A_160 = tpu.memref_squeeze %dma_start3A_159 : memref<1x128xi32, #tpu.memory_space<vmem>> -> memref<128xi32, #tpu.memory_space<vmem>>
      %dma_start3A_161 = tpu.memref_slice %arg4[%dma_start3A_156, %mul3A_155] : memref<1x320000xi32, #tpu.memory_space<hbm>> -> memref<1x128xi32, #tpu.memory_space<hbm>>
      %dma_start3A_162 = tpu.memref_squeeze %dma_start3A_161 : memref<1x128xi32, #tpu.memory_space<hbm>> -> memref<128xi32, #tpu.memory_space<hbm>>
      %dma_start3A_163 = arith.constant 0 : i32
      %dma_start3A_164 = tpu.memref_slice %arg8[%dma_start3A_157, %dma_start3A_163] : memref<6x128xi32, #tpu.memory_space<vmem>> -> memref<1x128xi32, #tpu.memory_space<vmem>>
      %dma_start3A_165 = tpu.memref_squeeze %dma_start3A_164 : memref<1x128xi32, #tpu.memory_space<vmem>> -> memref<128xi32, #tpu.memory_space<vmem>>
      %dma_start3A_166 = tpu.memref_slice %arg4[%dma_start3A_156, %mul3A_155] : memref<1x320000xi32, #tpu.memory_space<hbm>> -> memref<1x128xi32, #tpu.memory_space<hbm>>
      %dma_start3A_167 = tpu.memref_squeeze %dma_start3A_166 : memref<1x128xi32, #tpu.memory_space<hbm>> -> memref<128xi32, #tpu.memory_space<hbm>>
      tpu.enqueue_dma source(%dma_start3A_167 : memref<128xi32, #tpu.memory_space<hbm>>) target(%dma_start3A_165 : memref<128xi32, #tpu.memory_space<vmem>>) target_semaphore(%arg13 : memref<!tpu.dma_semaphore, #tpu.memory_space<semaphore_mem>>)
    } else {
    }
    %ge3A = arith.constant 2500 : i32
    %ge3A_7 = arith.cmpi sge, %add3A_4, %ge3A : i32
    %convert_element_type3A_8 = arith.extui %ge3A_7 : i1 to i32
    %cond3A_9 = arith.constant 0 : i32
    %cond3A_10 = arith.cmpi ne, %convert_element_type3A_8, %cond3A_9 : i32
    scf.if %cond3A_10 {
      %sub3A = arith.constant 2500 : i32
      %sub3A_140 = arith.subi %add3A_4, %sub3A : i32
      %dma_start3A_141 = arith.constant 0 : i32
      %dma_start3A_142 = arith.constant 0 : i32
      %dma_start3A_143 = tpu.memref_slice %arg7[%dma_start3A_141, %dma_start3A_142] : memref<6x128xi32, #tpu.memory_space<vmem>> -> memref<1x128xi32, #tpu.memory_space<vmem>>
      %dma_start3A_144 = tpu.memref_squeeze %dma_start3A_143 : memref<1x128xi32, #tpu.memory_space<vmem>> -> memref<128xi32, #tpu.memory_space<vmem>>
      %dma_start3A_145 = arith.constant 0 : i32
      %dma_start3A_146 = tpu.memref_slice %arg5[%sub3A_140, %dma_start3A_145] : memref<28x128xi32, #tpu.memory_space<hbm>> -> memref<1x128xi32, #tpu.memory_space<hbm>>
      %dma_start3A_147 = tpu.memref_squeeze %dma_start3A_146 : memref<1x128xi32, #tpu.memory_space<hbm>> -> memref<128xi32, #tpu.memory_space<hbm>>
      %dma_start3A_148 = arith.constant 0 : i32
      %dma_start3A_149 = tpu.memref_slice %arg7[%dma_start3A_141, %dma_start3A_148] : memref<6x128xi32, #tpu.memory_space<vmem>> -> memref<1x128xi32, #tpu.memory_space<vmem>>
      %dma_start3A_150 = tpu.memref_squeeze %dma_start3A_149 : memref<1x128xi32, #tpu.memory_space<vmem>> -> memref<128xi32, #tpu.memory_space<vmem>>
      %dma_start3A_151 = arith.constant 0 : i32
      %dma_start3A_152 = tpu.memref_slice %arg5[%sub3A_140, %dma_start3A_151] : memref<28x128xi32, #tpu.memory_space<hbm>> -> memref<1x128xi32, #tpu.memory_space<hbm>>
      %dma_start3A_153 = tpu.memref_squeeze %dma_start3A_152 : memref<1x128xi32, #tpu.memory_space<hbm>> -> memref<128xi32, #tpu.memory_space<hbm>>
      tpu.enqueue_dma source(%dma_start3A_153 : memref<128xi32, #tpu.memory_space<hbm>>) target(%dma_start3A_150 : memref<128xi32, #tpu.memory_space<vmem>>) target_semaphore(%arg12 : memref<!tpu.dma_semaphore, #tpu.memory_space<semaphore_mem>>)
      %sub3A_154 = arith.constant 2500 : i32
      %sub3A_155 = arith.subi %add3A_4, %sub3A_154 : i32
      %dma_start3A_156 = arith.constant 0 : i32
      %dma_start3A_157 = arith.constant 0 : i32
      %dma_start3A_158 = tpu.memref_slice %arg8[%dma_start3A_156, %dma_start3A_157] : memref<6x128xi32, #tpu.memory_space<vmem>> -> memref<1x128xi32, #tpu.memory_space<vmem>>
      %dma_start3A_159 = tpu.memref_squeeze %dma_start3A_158 : memref<1x128xi32, #tpu.memory_space<vmem>> -> memref<128xi32, #tpu.memory_space<vmem>>
      %dma_start3A_160 = arith.constant 0 : i32
      %dma_start3A_161 = tpu.memref_slice %arg5[%sub3A_155, %dma_start3A_160] : memref<28x128xi32, #tpu.memory_space<hbm>> -> memref<1x128xi32, #tpu.memory_space<hbm>>
      %dma_start3A_162 = tpu.memref_squeeze %dma_start3A_161 : memref<1x128xi32, #tpu.memory_space<hbm>> -> memref<128xi32, #tpu.memory_space<hbm>>
      %dma_start3A_163 = arith.constant 0 : i32
      %dma_start3A_164 = tpu.memref_slice %arg8[%dma_start3A_156, %dma_start3A_163] : memref<6x128xi32, #tpu.memory_space<vmem>> -> memref<1x128xi32, #tpu.memory_space<vmem>>
      %dma_start3A_165 = tpu.memref_squeeze %dma_start3A_164 : memref<1x128xi32, #tpu.memory_space<vmem>> -> memref<128xi32, #tpu.memory_space<vmem>>
      %dma_start3A_166 = arith.constant 0 : i32
      %dma_start3A_167 = tpu.memref_slice %arg5[%sub3A_155, %dma_start3A_166] : memref<28x128xi32, #tpu.memory_space<hbm>> -> memref<1x128xi32, #tpu.memory_space<hbm>>
      %dma_start3A_168 = tpu.memref_squeeze %dma_start3A_167 : memref<1x128xi32, #tpu.memory_space<hbm>> -> memref<128xi32, #tpu.memory_space<hbm>>
      tpu.enqueue_dma source(%dma_start3A_168 : memref<128xi32, #tpu.memory_space<hbm>>) target(%dma_start3A_165 : memref<128xi32, #tpu.memory_space<vmem>>) target_semaphore(%arg13 : memref<!tpu.dma_semaphore, #tpu.memory_space<semaphore_mem>>)
    } else {
    }
    %add3A_11 = arith.constant 1 : i32
    %add3A_12 = arith.addi %mul3A_2, %add3A_11 : i32
    %lt3A_13 = arith.constant 2500 : i32
    %lt3A_14 = arith.cmpi slt, %add3A_12, %lt3A_13 : i32
    %convert_element_type3A_15 = arith.extui %lt3A_14 : i1 to i32
    %cond3A_16 = arith.constant 0 : i32
    %cond3A_17 = arith.cmpi ne, %convert_element_type3A_15, %cond3A_16 : i32
    scf.if %cond3A_17 {
      %mul3A_140 = arith.constant 128 : i32
      %mul3A_141 = arith.muli %add3A_12, %mul3A_140 : i32
      %dma_start3A_142 = arith.constant 0 : i32
      %dma_start3A_143 = arith.constant 1 : i32
      %dma_start3A_144 = arith.constant 0 : i32
      %dma_start3A_145 = tpu.memref_slice %arg7[%dma_start3A_143, %dma_start3A_144] : memref<6x128xi32, #tpu.memory_space<vmem>> -> memref<1x128xi32, #tpu.memory_space<vmem>>
      %dma_start3A_146 = tpu.memref_squeeze %dma_start3A_145 : memref<1x128xi32, #tpu.memory_space<vmem>> -> memref<128xi32, #tpu.memory_space<vmem>>
      %dma_start3A_147 = tpu.memref_slice %arg3[%dma_start3A_142, %mul3A_141] : memref<1x320000xi32, #tpu.memory_space<hbm>> -> memref<1x128xi32, #tpu.memory_space<hbm>>
      %dma_start3A_148 = tpu.memref_squeeze %dma_start3A_147 : memref<1x128xi32, #tpu.memory_space<hbm>> -> memref<128xi32, #tpu.memory_space<hbm>>
      %dma_start3A_149 = arith.constant 0 : i32
      %dma_start3A_150 = tpu.memref_slice %arg7[%dma_start3A_143, %dma_start3A_149] : memref<6x128xi32, #tpu.memory_space<vmem>> -> memref<1x128xi32, #tpu.memory_space<vmem>>
      %dma_start3A_151 = tpu.memref_squeeze %dma_start3A_150 : memref<1x128xi32, #tpu.memory_space<vmem>> -> memref<128xi32, #tpu.memory_space<vmem>>
      %dma_start3A_152 = tpu.memref_slice %arg3[%dma_start3A_142, %mul3A_141] : memref<1x320000xi32, #tpu.memory_space<hbm>> -> memref<1x128xi32, #tpu.memory_space<hbm>>
      %dma_start3A_153 = tpu.memref_squeeze %dma_start3A_152 : memref<1x128xi32, #tpu.memory_space<hbm>> -> memref<128xi32, #tpu.memory_space<hbm>>
      tpu.enqueue_dma source(%dma_start3A_153 : memref<128xi32, #tpu.memory_space<hbm>>) target(%dma_start3A_151 : memref<128xi32, #tpu.memory_space<vmem>>) target_semaphore(%arg12 : memref<!tpu.dma_semaphore, #tpu.memory_space<semaphore_mem>>)
      %mul3A_154 = arith.constant 128 : i32
      %mul3A_155 = arith.muli %add3A_12, %mul3A_154 : i32
      %dma_start3A_156 = arith.constant 0 : i32
      %dma_start3A_157 = arith.constant 1 : i32
      %dma_start3A_158 = arith.constant 0 : i32
      %dma_start3A_159 = tpu.memref_slice %arg8[%dma_start3A_157, %dma_start3A_158] : memref<6x128xi32, #tpu.memory_space<vmem>> -> memref<1x128xi32, #tpu.memory_space<vmem>>
      %dma_start3A_160 = tpu.memref_squeeze %dma_start3A_159 : memref<1x128xi32, #tpu.memory_space<vmem>> -> memref<128xi32, #tpu.memory_space<vmem>>
      %dma_start3A_161 = tpu.memref_slice %arg4[%dma_start3A_156, %mul3A_155] : memref<1x320000xi32, #tpu.memory_space<hbm>> -> memref<1x128xi32, #tpu.memory_space<hbm>>
      %dma_start3A_162 = tpu.memref_squeeze %dma_start3A_161 : memref<1x128xi32, #tpu.memory_space<hbm>> -> memref<128xi32, #tpu.memory_space<hbm>>
      %dma_start3A_163 = arith.constant 0 : i32
      %dma_start3A_164 = tpu.memref_slice %arg8[%dma_start3A_157, %dma_start3A_163] : memref<6x128xi32, #tpu.memory_space<vmem>> -> memref<1x128xi32, #tpu.memory_space<vmem>>
      %dma_start3A_165 = tpu.memref_squeeze %dma_start3A_164 : memref<1x128xi32, #tpu.memory_space<vmem>> -> memref<128xi32, #tpu.memory_space<vmem>>
      %dma_start3A_166 = tpu.memref_slice %arg4[%dma_start3A_156, %mul3A_155] : memref<1x320000xi32, #tpu.memory_space<hbm>> -> memref<1x128xi32, #tpu.memory_space<hbm>>
      %dma_start3A_167 = tpu.memref_squeeze %dma_start3A_166 : memref<1x128xi32, #tpu.memory_space<hbm>> -> memref<128xi32, #tpu.memory_space<hbm>>
      tpu.enqueue_dma source(%dma_start3A_167 : memref<128xi32, #tpu.memory_space<hbm>>) target(%dma_start3A_165 : memref<128xi32, #tpu.memory_space<vmem>>) target_semaphore(%arg13 : memref<!tpu.dma_semaphore, #tpu.memory_space<semaphore_mem>>)
    } else {
    }
    %ge3A_18 = arith.constant 2500 : i32
    %ge3A_19 = arith.cmpi sge, %add3A_12, %ge3A_18 : i32
    %convert_element_type3A_20 = arith.extui %ge3A_19 : i1 to i32
    %cond3A_21 = arith.constant 0 : i32
    %cond3A_22 = arith.cmpi ne, %convert_element_type3A_20, %cond3A_21 : i32
    scf.if %cond3A_22 {
      %sub3A = arith.constant 2500 : i32
      %sub3A_140 = arith.subi %add3A_12, %sub3A : i32
      %dma_start3A_141 = arith.constant 1 : i32
      %dma_start3A_142 = arith.constant 0 : i32
      %dma_start3A_143 = tpu.memref_slice %arg7[%dma_start3A_141, %dma_start3A_142] : memref<6x128xi32, #tpu.memory_space<vmem>> -> memref<1x128xi32, #tpu.memory_space<vmem>>
      %dma_start3A_144 = tpu.memref_squeeze %dma_start3A_143 : memref<1x128xi32, #tpu.memory_space<vmem>> -> memref<128xi32, #tpu.memory_space<vmem>>
      %dma_start3A_145 = arith.constant 0 : i32
      %dma_start3A_146 = tpu.memref_slice %arg5[%sub3A_140, %dma_start3A_145] : memref<28x128xi32, #tpu.memory_space<hbm>> -> memref<1x128xi32, #tpu.memory_space<hbm>>
      %dma_start3A_147 = tpu.memref_squeeze %dma_start3A_146 : memref<1x128xi32, #tpu.memory_space<hbm>> -> memref<128xi32, #tpu.memory_space<hbm>>
      %dma_start3A_148 = arith.constant 0 : i32
      %dma_start3A_149 = tpu.memref_slice %arg7[%dma_start3A_141, %dma_start3A_148] : memref<6x128xi32, #tpu.memory_space<vmem>> -> memref<1x128xi32, #tpu.memory_space<vmem>>
      %dma_start3A_150 = tpu.memref_squeeze %dma_start3A_149 : memref<1x128xi32, #tpu.memory_space<vmem>> -> memref<128xi32, #tpu.memory_space<vmem>>
      %dma_start3A_151 = arith.constant 0 : i32
      %dma_start3A_152 = tpu.memref_slice %arg5[%sub3A_140, %dma_start3A_151] : memref<28x128xi32, #tpu.memory_space<hbm>> -> memref<1x128xi32, #tpu.memory_space<hbm>>
      %dma_start3A_153 = tpu.memref_squeeze %dma_start3A_152 : memref<1x128xi32, #tpu.memory_space<hbm>> -> memref<128xi32, #tpu.memory_space<hbm>>
      tpu.enqueue_dma source(%dma_start3A_153 : memref<128xi32, #tpu.memory_space<hbm>>) target(%dma_start3A_150 : memref<128xi32, #tpu.memory_space<vmem>>) target_semaphore(%arg12 : memref<!tpu.dma_semaphore, #tpu.memory_space<semaphore_mem>>)
      %sub3A_154 = arith.constant 2500 : i32
      %sub3A_155 = arith.subi %add3A_12, %sub3A_154 : i32
      %dma_start3A_156 = arith.constant 1 : i32
      %dma_start3A_157 = arith.constant 0 : i32
      %dma_start3A_158 = tpu.memref_slice %arg8[%dma_start3A_156, %dma_start3A_157] : memref<6x128xi32, #tpu.memory_space<vmem>> -> memref<1x128xi32, #tpu.memory_space<vmem>>
      %dma_start3A_159 = tpu.memref_squeeze %dma_start3A_158 : memref<1x128xi32, #tpu.memory_space<vmem>> -> memref<128xi32, #tpu.memory_space<vmem>>
      %dma_start3A_160 = arith.constant 0 : i32
      %dma_start3A_161 = tpu.memref_slice %arg5[%sub3A_155, %dma_start3A_160] : memref<28x128xi32, #tpu.memory_space<hbm>> -> memref<1x128xi32, #tpu.memory_space<hbm>>
      %dma_start3A_162 = tpu.memref_squeeze %dma_start3A_161 : memref<1x128xi32, #tpu.memory_space<hbm>> -> memref<128xi32, #tpu.memory_space<hbm>>
      %dma_start3A_163 = arith.constant 0 : i32
      %dma_start3A_164 = tpu.memref_slice %arg8[%dma_start3A_156, %dma_start3A_163] : memref<6x128xi32, #tpu.memory_space<vmem>> -> memref<1x128xi32, #tpu.memory_space<vmem>>
      %dma_start3A_165 = tpu.memref_squeeze %dma_start3A_164 : memref<1x128xi32, #tpu.memory_space<vmem>> -> memref<128xi32, #tpu.memory_space<vmem>>
      %dma_start3A_166 = arith.constant 0 : i32
      %dma_start3A_167 = tpu.memref_slice %arg5[%sub3A_155, %dma_start3A_166] : memref<28x128xi32, #tpu.memory_space<hbm>> -> memref<1x128xi32, #tpu.memory_space<hbm>>
      %dma_start3A_168 = tpu.memref_squeeze %dma_start3A_167 : memref<1x128xi32, #tpu.memory_space<hbm>> -> memref<128xi32, #tpu.memory_space<hbm>>
      tpu.enqueue_dma source(%dma_start3A_168 : memref<128xi32, #tpu.memory_space<hbm>>) target(%dma_start3A_165 : memref<128xi32, #tpu.memory_space<vmem>>) target_semaphore(%arg13 : memref<!tpu.dma_semaphore, #tpu.memory_space<semaphore_mem>>)
    } else {
    }
    %add3A_23 = arith.constant 2 : i32
    %add3A_24 = arith.addi %mul3A_2, %add3A_23 : i32
    %lt3A_25 = arith.constant 2500 : i32
    %lt3A_26 = arith.cmpi slt, %add3A_24, %lt3A_25 : i32
    %convert_element_type3A_27 = arith.extui %lt3A_26 : i1 to i32
    %cond3A_28 = arith.constant 0 : i32
    %cond3A_29 = arith.cmpi ne, %convert_element_type3A_27, %cond3A_28 : i32
    scf.if %cond3A_29 {
      %mul3A_140 = arith.constant 128 : i32
      %mul3A_141 = arith.muli %add3A_24, %mul3A_140 : i32
      %dma_start3A_142 = arith.constant 0 : i32
      %dma_start3A_143 = arith.constant 2 : i32
      %dma_start3A_144 = arith.constant 0 : i32
      %dma_start3A_145 = tpu.memref_slice %arg7[%dma_start3A_143, %dma_start3A_144] : memref<6x128xi32, #tpu.memory_space<vmem>> -> memref<1x128xi32, #tpu.memory_space<vmem>>
      %dma_start3A_146 = tpu.memref_squeeze %dma_start3A_145 : memref<1x128xi32, #tpu.memory_space<vmem>> -> memref<128xi32, #tpu.memory_space<vmem>>
      %dma_start3A_147 = tpu.memref_slice %arg3[%dma_start3A_142, %mul3A_141] : memref<1x320000xi32, #tpu.memory_space<hbm>> -> memref<1x128xi32, #tpu.memory_space<hbm>>
      %dma_start3A_148 = tpu.memref_squeeze %dma_start3A_147 : memref<1x128xi32, #tpu.memory_space<hbm>> -> memref<128xi32, #tpu.memory_space<hbm>>
      %dma_start3A_149 = arith.constant 0 : i32
      %dma_start3A_150 = tpu.memref_slice %arg7[%dma_start3A_143, %dma_start3A_149] : memref<6x128xi32, #tpu.memory_space<vmem>> -> memref<1x128xi32, #tpu.memory_space<vmem>>
      %dma_start3A_151 = tpu.memref_squeeze %dma_start3A_150 : memref<1x128xi32, #tpu.memory_space<vmem>> -> memref<128xi32, #tpu.memory_space<vmem>>
      %dma_start3A_152 = tpu.memref_slice %arg3[%dma_start3A_142, %mul3A_141] : memref<1x320000xi32, #tpu.memory_space<hbm>> -> memref<1x128xi32, #tpu.memory_space<hbm>>
      %dma_start3A_153 = tpu.memref_squeeze %dma_start3A_152 : memref<1x128xi32, #tpu.memory_space<hbm>> -> memref<128xi32, #tpu.memory_space<hbm>>
      tpu.enqueue_dma source(%dma_start3A_153 : memref<128xi32, #tpu.memory_space<hbm>>) target(%dma_start3A_151 : memref<128xi32, #tpu.memory_space<vmem>>) target_semaphore(%arg12 : memref<!tpu.dma_semaphore, #tpu.memory_space<semaphore_mem>>)
      %mul3A_154 = arith.constant 128 : i32
      %mul3A_155 = arith.muli %add3A_24, %mul3A_154 : i32
      %dma_start3A_156 = arith.constant 0 : i32
      %dma_start3A_157 = arith.constant 2 : i32
      %dma_start3A_158 = arith.constant 0 : i32
      %dma_start3A_159 = tpu.memref_slice %arg8[%dma_start3A_157, %dma_start3A_158] : memref<6x128xi32, #tpu.memory_space<vmem>> -> memref<1x128xi32, #tpu.memory_space<vmem>>
      %dma_start3A_160 = tpu.memref_squeeze %dma_start3A_159 : memref<1x128xi32, #tpu.memory_space<vmem>> -> memref<128xi32, #tpu.memory_space<vmem>>
      %dma_start3A_161 = tpu.memref_slice %arg4[%dma_start3A_156, %mul3A_155] : memref<1x320000xi32, #tpu.memory_space<hbm>> -> memref<1x128xi32, #tpu.memory_space<hbm>>
      %dma_start3A_162 = tpu.memref_squeeze %dma_start3A_161 : memref<1x128xi32, #tpu.memory_space<hbm>> -> memref<128xi32, #tpu.memory_space<hbm>>
      %dma_start3A_163 = arith.constant 0 : i32
      %dma_start3A_164 = tpu.memref_slice %arg8[%dma_start3A_157, %dma_start3A_163] : memref<6x128xi32, #tpu.memory_space<vmem>> -> memref<1x128xi32, #tpu.memory_space<vmem>>
      %dma_start3A_165 = tpu.memref_squeeze %dma_start3A_164 : memref<1x128xi32, #tpu.memory_space<vmem>> -> memref<128xi32, #tpu.memory_space<vmem>>
      %dma_start3A_166 = tpu.memref_slice %arg4[%dma_start3A_156, %mul3A_155] : memref<1x320000xi32, #tpu.memory_space<hbm>> -> memref<1x128xi32, #tpu.memory_space<hbm>>
      %dma_start3A_167 = tpu.memref_squeeze %dma_start3A_166 : memref<1x128xi32, #tpu.memory_space<hbm>> -> memref<128xi32, #tpu.memory_space<hbm>>
      tpu.enqueue_dma source(%dma_start3A_167 : memref<128xi32, #tpu.memory_space<hbm>>) target(%dma_start3A_165 : memref<128xi32, #tpu.memory_space<vmem>>) target_semaphore(%arg13 : memref<!tpu.dma_semaphore, #tpu.memory_space<semaphore_mem>>)
    } else {
    }
    %ge3A_30 = arith.constant 2500 : i32
    %ge3A_31 = arith.cmpi sge, %add3A_24, %ge3A_30 : i32
    %convert_element_type3A_32 = arith.extui %ge3A_31 : i1 to i32
    %cond3A_33 = arith.constant 0 : i32
    %cond3A_34 = arith.cmpi ne, %convert_element_type3A_32, %cond3A_33 : i32
    scf.if %cond3A_34 {
      %sub3A = arith.constant 2500 : i32
      %sub3A_140 = arith.subi %add3A_24, %sub3A : i32
      %dma_start3A_141 = arith.constant 2 : i32
      %dma_start3A_142 = arith.constant 0 : i32
      %dma_start3A_143 = tpu.memref_slice %arg7[%dma_start3A_141, %dma_start3A_142] : memref<6x128xi32, #tpu.memory_space<vmem>> -> memref<1x128xi32, #tpu.memory_space<vmem>>
      %dma_start3A_144 = tpu.memref_squeeze %dma_start3A_143 : memref<1x128xi32, #tpu.memory_space<vmem>> -> memref<128xi32, #tpu.memory_space<vmem>>
      %dma_start3A_145 = arith.constant 0 : i32
      %dma_start3A_146 = tpu.memref_slice %arg5[%sub3A_140, %dma_start3A_145] : memref<28x128xi32, #tpu.memory_space<hbm>> -> memref<1x128xi32, #tpu.memory_space<hbm>>
      %dma_start3A_147 = tpu.memref_squeeze %dma_start3A_146 : memref<1x128xi32, #tpu.memory_space<hbm>> -> memref<128xi32, #tpu.memory_space<hbm>>
      %dma_start3A_148 = arith.constant 0 : i32
      %dma_start3A_149 = tpu.memref_slice %arg7[%dma_start3A_141, %dma_start3A_148] : memref<6x128xi32, #tpu.memory_space<vmem>> -> memref<1x128xi32, #tpu.memory_space<vmem>>
      %dma_start3A_150 = tpu.memref_squeeze %dma_start3A_149 : memref<1x128xi32, #tpu.memory_space<vmem>> -> memref<128xi32, #tpu.memory_space<vmem>>
      %dma_start3A_151 = arith.constant 0 : i32
      %dma_start3A_152 = tpu.memref_slice %arg5[%sub3A_140, %dma_start3A_151] : memref<28x128xi32, #tpu.memory_space<hbm>> -> memref<1x128xi32, #tpu.memory_space<hbm>>
      %dma_start3A_153 = tpu.memref_squeeze %dma_start3A_152 : memref<1x128xi32, #tpu.memory_space<hbm>> -> memref<128xi32, #tpu.memory_space<hbm>>
      tpu.enqueue_dma source(%dma_start3A_153 : memref<128xi32, #tpu.memory_space<hbm>>) target(%dma_start3A_150 : memref<128xi32, #tpu.memory_space<vmem>>) target_semaphore(%arg12 : memref<!tpu.dma_semaphore, #tpu.memory_space<semaphore_mem>>)
      %sub3A_154 = arith.constant 2500 : i32
      %sub3A_155 = arith.subi %add3A_24, %sub3A_154 : i32
      %dma_start3A_156 = arith.constant 2 : i32
      %dma_start3A_157 = arith.constant 0 : i32
      %dma_start3A_158 = tpu.memref_slice %arg8[%dma_start3A_156, %dma_start3A_157] : memref<6x128xi32, #tpu.memory_space<vmem>> -> memref<1x128xi32, #tpu.memory_space<vmem>>
      %dma_start3A_159 = tpu.memref_squeeze %dma_start3A_158 : memref<1x128xi32, #tpu.memory_space<vmem>> -> memref<128xi32, #tpu.memory_space<vmem>>
      %dma_start3A_160 = arith.constant 0 : i32
      %dma_start3A_161 = tpu.memref_slice %arg5[%sub3A_155, %dma_start3A_160] : memref<28x128xi32, #tpu.memory_space<hbm>> -> memref<1x128xi32, #tpu.memory_space<hbm>>
      %dma_start3A_162 = tpu.memref_squeeze %dma_start3A_161 : memref<1x128xi32, #tpu.memory_space<hbm>> -> memref<128xi32, #tpu.memory_space<hbm>>
      %dma_start3A_163 = arith.constant 0 : i32
      %dma_start3A_164 = tpu.memref_slice %arg8[%dma_start3A_156, %dma_start3A_163] : memref<6x128xi32, #tpu.memory_space<vmem>> -> memref<1x128xi32, #tpu.memory_space<vmem>>
      %dma_start3A_165 = tpu.memref_squeeze %dma_start3A_164 : memref<1x128xi32, #tpu.memory_space<vmem>> -> memref<128xi32, #tpu.memory_space<vmem>>
      %dma_start3A_166 = arith.constant 0 : i32
      %dma_start3A_167 = tpu.memref_slice %arg5[%sub3A_155, %dma_start3A_166] : memref<28x128xi32, #tpu.memory_space<hbm>> -> memref<1x128xi32, #tpu.memory_space<hbm>>
      %dma_start3A_168 = tpu.memref_squeeze %dma_start3A_167 : memref<1x128xi32, #tpu.memory_space<hbm>> -> memref<128xi32, #tpu.memory_space<hbm>>
      tpu.enqueue_dma source(%dma_start3A_168 : memref<128xi32, #tpu.memory_space<hbm>>) target(%dma_start3A_165 : memref<128xi32, #tpu.memory_space<vmem>>) target_semaphore(%arg13 : memref<!tpu.dma_semaphore, #tpu.memory_space<semaphore_mem>>)
    } else {
    }
    %add3A_35 = arith.constant 3 : i32
    %add3A_36 = arith.addi %mul3A_2, %add3A_35 : i32
    %lt3A_37 = arith.constant 2500 : i32
    %lt3A_38 = arith.cmpi slt, %add3A_36, %lt3A_37 : i32
    %convert_element_type3A_39 = arith.extui %lt3A_38 : i1 to i32
    %cond3A_40 = arith.constant 0 : i32
    %cond3A_41 = arith.cmpi ne, %convert_element_type3A_39, %cond3A_40 : i32
    scf.if %cond3A_41 {
      %mul3A_140 = arith.constant 128 : i32
      %mul3A_141 = arith.muli %add3A_36, %mul3A_140 : i32
      %dma_start3A_142 = arith.constant 0 : i32
      %dma_start3A_143 = arith.constant 3 : i32
      %dma_start3A_144 = arith.constant 0 : i32
      %dma_start3A_145 = tpu.memref_slice %arg7[%dma_start3A_143, %dma_start3A_144] : memref<6x128xi32, #tpu.memory_space<vmem>> -> memref<1x128xi32, #tpu.memory_space<vmem>>
      %dma_start3A_146 = tpu.memref_squeeze %dma_start3A_145 : memref<1x128xi32, #tpu.memory_space<vmem>> -> memref<128xi32, #tpu.memory_space<vmem>>
      %dma_start3A_147 = tpu.memref_slice %arg3[%dma_start3A_142, %mul3A_141] : memref<1x320000xi32, #tpu.memory_space<hbm>> -> memref<1x128xi32, #tpu.memory_space<hbm>>
      %dma_start3A_148 = tpu.memref_squeeze %dma_start3A_147 : memref<1x128xi32, #tpu.memory_space<hbm>> -> memref<128xi32, #tpu.memory_space<hbm>>
      %dma_start3A_149 = arith.constant 0 : i32
      %dma_start3A_150 = tpu.memref_slice %arg7[%dma_start3A_143, %dma_start3A_149] : memref<6x128xi32, #tpu.memory_space<vmem>> -> memref<1x128xi32, #tpu.memory_space<vmem>>
      %dma_start3A_151 = tpu.memref_squeeze %dma_start3A_150 : memref<1x128xi32, #tpu.memory_space<vmem>> -> memref<128xi32, #tpu.memory_space<vmem>>
      %dma_start3A_152 = tpu.memref_slice %arg3[%dma_start3A_142, %mul3A_141] : memref<1x320000xi32, #tpu.memory_space<hbm>> -> memref<1x128xi32, #tpu.memory_space<hbm>>
      %dma_start3A_153 = tpu.memref_squeeze %dma_start3A_152 : memref<1x128xi32, #tpu.memory_space<hbm>> -> memref<128xi32, #tpu.memory_space<hbm>>
      tpu.enqueue_dma source(%dma_start3A_153 : memref<128xi32, #tpu.memory_space<hbm>>) target(%dma_start3A_151 : memref<128xi32, #tpu.memory_space<vmem>>) target_semaphore(%arg12 : memref<!tpu.dma_semaphore, #tpu.memory_space<semaphore_mem>>)
      %mul3A_154 = arith.constant 128 : i32
      %mul3A_155 = arith.muli %add3A_36, %mul3A_154 : i32
      %dma_start3A_156 = arith.constant 0 : i32
      %dma_start3A_157 = arith.constant 3 : i32
      %dma_start3A_158 = arith.constant 0 : i32
      %dma_start3A_159 = tpu.memref_slice %arg8[%dma_start3A_157, %dma_start3A_158] : memref<6x128xi32, #tpu.memory_space<vmem>> -> memref<1x128xi32, #tpu.memory_space<vmem>>
      %dma_start3A_160 = tpu.memref_squeeze %dma_start3A_159 : memref<1x128xi32, #tpu.memory_space<vmem>> -> memref<128xi32, #tpu.memory_space<vmem>>
      %dma_start3A_161 = tpu.memref_slice %arg4[%dma_start3A_156, %mul3A_155] : memref<1x320000xi32, #tpu.memory_space<hbm>> -> memref<1x128xi32, #tpu.memory_space<hbm>>
      %dma_start3A_162 = tpu.memref_squeeze %dma_start3A_161 : memref<1x128xi32, #tpu.memory_space<hbm>> -> memref<128xi32, #tpu.memory_space<hbm>>
      %dma_start3A_163 = arith.constant 0 : i32
      %dma_start3A_164 = tpu.memref_slice %arg8[%dma_start3A_157, %dma_start3A_163] : memref<6x128xi32, #tpu.memory_space<vmem>> -> memref<1x128xi32, #tpu.memory_space<vmem>>
      %dma_start3A_165 = tpu.memref_squeeze %dma_start3A_164 : memref<1x128xi32, #tpu.memory_space<vmem>> -> memref<128xi32, #tpu.memory_space<vmem>>
      %dma_start3A_166 = tpu.memref_slice %arg4[%dma_start3A_156, %mul3A_155] : memref<1x320000xi32, #tpu.memory_space<hbm>> -> memref<1x128xi32, #tpu.memory_space<hbm>>
      %dma_start3A_167 = tpu.memref_squeeze %dma_start3A_166 : memref<1x128xi32, #tpu.memory_space<hbm>> -> memref<128xi32, #tpu.memory_space<hbm>>
      tpu.enqueue_dma source(%dma_start3A_167 : memref<128xi32, #tpu.memory_space<hbm>>) target(%dma_start3A_165 : memref<128xi32, #tpu.memory_space<vmem>>) target_semaphore(%arg13 : memref<!tpu.dma_semaphore, #tpu.memory_space<semaphore_mem>>)
    } else {
    }
    %ge3A_42 = arith.constant 2500 : i32
    %ge3A_43 = arith.cmpi sge, %add3A_36, %ge3A_42 : i32
    %convert_element_type3A_44 = arith.extui %ge3A_43 : i1 to i32
    %cond3A_45 = arith.constant 0 : i32
    %cond3A_46 = arith.cmpi ne, %convert_element_type3A_44, %cond3A_45 : i32
    scf.if %cond3A_46 {
      %sub3A = arith.constant 2500 : i32
      %sub3A_140 = arith.subi %add3A_36, %sub3A : i32
      %dma_start3A_141 = arith.constant 3 : i32
      %dma_start3A_142 = arith.constant 0 : i32
      %dma_start3A_143 = tpu.memref_slice %arg7[%dma_start3A_141, %dma_start3A_142] : memref<6x128xi32, #tpu.memory_space<vmem>> -> memref<1x128xi32, #tpu.memory_space<vmem>>
      %dma_start3A_144 = tpu.memref_squeeze %dma_start3A_143 : memref<1x128xi32, #tpu.memory_space<vmem>> -> memref<128xi32, #tpu.memory_space<vmem>>
      %dma_start3A_145 = arith.constant 0 : i32
      %dma_start3A_146 = tpu.memref_slice %arg5[%sub3A_140, %dma_start3A_145] : memref<28x128xi32, #tpu.memory_space<hbm>> -> memref<1x128xi32, #tpu.memory_space<hbm>>
      %dma_start3A_147 = tpu.memref_squeeze %dma_start3A_146 : memref<1x128xi32, #tpu.memory_space<hbm>> -> memref<128xi32, #tpu.memory_space<hbm>>
      %dma_start3A_148 = arith.constant 0 : i32
      %dma_start3A_149 = tpu.memref_slice %arg7[%dma_start3A_141, %dma_start3A_148] : memref<6x128xi32, #tpu.memory_space<vmem>> -> memref<1x128xi32, #tpu.memory_space<vmem>>
      %dma_start3A_150 = tpu.memref_squeeze %dma_start3A_149 : memref<1x128xi32, #tpu.memory_space<vmem>> -> memref<128xi32, #tpu.memory_space<vmem>>
      %dma_start3A_151 = arith.constant 0 : i32
      %dma_start3A_152 = tpu.memref_slice %arg5[%sub3A_140, %dma_start3A_151] : memref<28x128xi32, #tpu.memory_space<hbm>> -> memref<1x128xi32, #tpu.memory_space<hbm>>
      %dma_start3A_153 = tpu.memref_squeeze %dma_start3A_152 : memref<1x128xi32, #tpu.memory_space<hbm>> -> memref<128xi32, #tpu.memory_space<hbm>>
      tpu.enqueue_dma source(%dma_start3A_153 : memref<128xi32, #tpu.memory_space<hbm>>) target(%dma_start3A_150 : memref<128xi32, #tpu.memory_space<vmem>>) target_semaphore(%arg12 : memref<!tpu.dma_semaphore, #tpu.memory_space<semaphore_mem>>)
      %sub3A_154 = arith.constant 2500 : i32
      %sub3A_155 = arith.subi %add3A_36, %sub3A_154 : i32
      %dma_start3A_156 = arith.constant 3 : i32
      %dma_start3A_157 = arith.constant 0 : i32
      %dma_start3A_158 = tpu.memref_slice %arg8[%dma_start3A_156, %dma_start3A_157] : memref<6x128xi32, #tpu.memory_space<vmem>> -> memref<1x128xi32, #tpu.memory_space<vmem>>
      %dma_start3A_159 = tpu.memref_squeeze %dma_start3A_158 : memref<1x128xi32, #tpu.memory_space<vmem>> -> memref<128xi32, #tpu.memory_space<vmem>>
      %dma_start3A_160 = arith.constant 0 : i32
      %dma_start3A_161 = tpu.memref_slice %arg5[%sub3A_155, %dma_start3A_160] : memref<28x128xi32, #tpu.memory_space<hbm>> -> memref<1x128xi32, #tpu.memory_space<hbm>>
      %dma_start3A_162 = tpu.memref_squeeze %dma_start3A_161 : memref<1x128xi32, #tpu.memory_space<hbm>> -> memref<128xi32, #tpu.memory_space<hbm>>
      %dma_start3A_163 = arith.constant 0 : i32
      %dma_start3A_164 = tpu.memref_slice %arg8[%dma_start3A_156, %dma_start3A_163] : memref<6x128xi32, #tpu.memory_space<vmem>> -> memref<1x128xi32, #tpu.memory_space<vmem>>
      %dma_start3A_165 = tpu.memref_squeeze %dma_start3A_164 : memref<1x128xi32, #tpu.memory_space<vmem>> -> memref<128xi32, #tpu.memory_space<vmem>>
      %dma_start3A_166 = arith.constant 0 : i32
      %dma_start3A_167 = tpu.memref_slice %arg5[%sub3A_155, %dma_start3A_166] : memref<28x128xi32, #tpu.memory_space<hbm>> -> memref<1x128xi32, #tpu.memory_space<hbm>>
      %dma_start3A_168 = tpu.memref_squeeze %dma_start3A_167 : memref<1x128xi32, #tpu.memory_space<hbm>> -> memref<128xi32, #tpu.memory_space<hbm>>
      tpu.enqueue_dma source(%dma_start3A_168 : memref<128xi32, #tpu.memory_space<hbm>>) target(%dma_start3A_165 : memref<128xi32, #tpu.memory_space<vmem>>) target_semaphore(%arg13 : memref<!tpu.dma_semaphore, #tpu.memory_space<semaphore_mem>>)
    } else {
    }
    %add3A_47 = arith.constant 4 : i32
    %add3A_48 = arith.addi %mul3A_2, %add3A_47 : i32
    %lt3A_49 = arith.constant 2500 : i32
    %lt3A_50 = arith.cmpi slt, %add3A_48, %lt3A_49 : i32
    %convert_element_type3A_51 = arith.extui %lt3A_50 : i1 to i32
    %cond3A_52 = arith.constant 0 : i32
    %cond3A_53 = arith.cmpi ne, %convert_element_type3A_51, %cond3A_52 : i32
    scf.if %cond3A_53 {
      %mul3A_140 = arith.constant 128 : i32
      %mul3A_141 = arith.muli %add3A_48, %mul3A_140 : i32
      %dma_start3A_142 = arith.constant 0 : i32
      %dma_start3A_143 = arith.constant 4 : i32
      %dma_start3A_144 = arith.constant 0 : i32
      %dma_start3A_145 = tpu.memref_slice %arg7[%dma_start3A_143, %dma_start3A_144] : memref<6x128xi32, #tpu.memory_space<vmem>> -> memref<1x128xi32, #tpu.memory_space<vmem>>
      %dma_start3A_146 = tpu.memref_squeeze %dma_start3A_145 : memref<1x128xi32, #tpu.memory_space<vmem>> -> memref<128xi32, #tpu.memory_space<vmem>>
      %dma_start3A_147 = tpu.memref_slice %arg3[%dma_start3A_142, %mul3A_141] : memref<1x320000xi32, #tpu.memory_space<hbm>> -> memref<1x128xi32, #tpu.memory_space<hbm>>
      %dma_start3A_148 = tpu.memref_squeeze %dma_start3A_147 : memref<1x128xi32, #tpu.memory_space<hbm>> -> memref<128xi32, #tpu.memory_space<hbm>>
      %dma_start3A_149 = arith.constant 0 : i32
      %dma_start3A_150 = tpu.memref_slice %arg7[%dma_start3A_143, %dma_start3A_149] : memref<6x128xi32, #tpu.memory_space<vmem>> -> memref<1x128xi32, #tpu.memory_space<vmem>>
      %dma_start3A_151 = tpu.memref_squeeze %dma_start3A_150 : memref<1x128xi32, #tpu.memory_space<vmem>> -> memref<128xi32, #tpu.memory_space<vmem>>
      %dma_start3A_152 = tpu.memref_slice %arg3[%dma_start3A_142, %mul3A_141] : memref<1x320000xi32, #tpu.memory_space<hbm>> -> memref<1x128xi32, #tpu.memory_space<hbm>>
      %dma_start3A_153 = tpu.memref_squeeze %dma_start3A_152 : memref<1x128xi32, #tpu.memory_space<hbm>> -> memref<128xi32, #tpu.memory_space<hbm>>
      tpu.enqueue_dma source(%dma_start3A_153 : memref<128xi32, #tpu.memory_space<hbm>>) target(%dma_start3A_151 : memref<128xi32, #tpu.memory_space<vmem>>) target_semaphore(%arg12 : memref<!tpu.dma_semaphore, #tpu.memory_space<semaphore_mem>>)
      %mul3A_154 = arith.constant 128 : i32
      %mul3A_155 = arith.muli %add3A_48, %mul3A_154 : i32
      %dma_start3A_156 = arith.constant 0 : i32
      %dma_start3A_157 = arith.constant 4 : i32
      %dma_start3A_158 = arith.constant 0 : i32
      %dma_start3A_159 = tpu.memref_slice %arg8[%dma_start3A_157, %dma_start3A_158] : memref<6x128xi32, #tpu.memory_space<vmem>> -> memref<1x128xi32, #tpu.memory_space<vmem>>
      %dma_start3A_160 = tpu.memref_squeeze %dma_start3A_159 : memref<1x128xi32, #tpu.memory_space<vmem>> -> memref<128xi32, #tpu.memory_space<vmem>>
      %dma_start3A_161 = tpu.memref_slice %arg4[%dma_start3A_156, %mul3A_155] : memref<1x320000xi32, #tpu.memory_space<hbm>> -> memref<1x128xi32, #tpu.memory_space<hbm>>
      %dma_start3A_162 = tpu.memref_squeeze %dma_start3A_161 : memref<1x128xi32, #tpu.memory_space<hbm>> -> memref<128xi32, #tpu.memory_space<hbm>>
      %dma_start3A_163 = arith.constant 0 : i32
      %dma_start3A_164 = tpu.memref_slice %arg8[%dma_start3A_157, %dma_start3A_163] : memref<6x128xi32, #tpu.memory_space<vmem>> -> memref<1x128xi32, #tpu.memory_space<vmem>>
      %dma_start3A_165 = tpu.memref_squeeze %dma_start3A_164 : memref<1x128xi32, #tpu.memory_space<vmem>> -> memref<128xi32, #tpu.memory_space<vmem>>
      %dma_start3A_166 = tpu.memref_slice %arg4[%dma_start3A_156, %mul3A_155] : memref<1x320000xi32, #tpu.memory_space<hbm>> -> memref<1x128xi32, #tpu.memory_space<hbm>>
      %dma_start3A_167 = tpu.memref_squeeze %dma_start3A_166 : memref<1x128xi32, #tpu.memory_space<hbm>> -> memref<128xi32, #tpu.memory_space<hbm>>
      tpu.enqueue_dma source(%dma_start3A_167 : memref<128xi32, #tpu.memory_space<hbm>>) target(%dma_start3A_165 : memref<128xi32, #tpu.memory_space<vmem>>) target_semaphore(%arg13 : memref<!tpu.dma_semaphore, #tpu.memory_space<semaphore_mem>>)
    } else {
    }
    %ge3A_54 = arith.constant 2500 : i32
    %ge3A_55 = arith.cmpi sge, %add3A_48, %ge3A_54 : i32
    %convert_element_type3A_56 = arith.extui %ge3A_55 : i1 to i32
    %cond3A_57 = arith.constant 0 : i32
    %cond3A_58 = arith.cmpi ne, %convert_element_type3A_56, %cond3A_57 : i32
    scf.if %cond3A_58 {
      %sub3A = arith.constant 2500 : i32
      %sub3A_140 = arith.subi %add3A_48, %sub3A : i32
      %dma_start3A_141 = arith.constant 4 : i32
      %dma_start3A_142 = arith.constant 0 : i32
      %dma_start3A_143 = tpu.memref_slice %arg7[%dma_start3A_141, %dma_start3A_142] : memref<6x128xi32, #tpu.memory_space<vmem>> -> memref<1x128xi32, #tpu.memory_space<vmem>>
      %dma_start3A_144 = tpu.memref_squeeze %dma_start3A_143 : memref<1x128xi32, #tpu.memory_space<vmem>> -> memref<128xi32, #tpu.memory_space<vmem>>
      %dma_start3A_145 = arith.constant 0 : i32
      %dma_start3A_146 = tpu.memref_slice %arg5[%sub3A_140, %dma_start3A_145] : memref<28x128xi32, #tpu.memory_space<hbm>> -> memref<1x128xi32, #tpu.memory_space<hbm>>
      %dma_start3A_147 = tpu.memref_squeeze %dma_start3A_146 : memref<1x128xi32, #tpu.memory_space<hbm>> -> memref<128xi32, #tpu.memory_space<hbm>>
      %dma_start3A_148 = arith.constant 0 : i32
      %dma_start3A_149 = tpu.memref_slice %arg7[%dma_start3A_141, %dma_start3A_148] : memref<6x128xi32, #tpu.memory_space<vmem>> -> memref<1x128xi32, #tpu.memory_space<vmem>>
      %dma_start3A_150 = tpu.memref_squeeze %dma_start3A_149 : memref<1x128xi32, #tpu.memory_space<vmem>> -> memref<128xi32, #tpu.memory_space<vmem>>
      %dma_start3A_151 = arith.constant 0 : i32
      %dma_start3A_152 = tpu.memref_slice %arg5[%sub3A_140, %dma_start3A_151] : memref<28x128xi32, #tpu.memory_space<hbm>> -> memref<1x128xi32, #tpu.memory_space<hbm>>
      %dma_start3A_153 = tpu.memref_squeeze %dma_start3A_152 : memref<1x128xi32, #tpu.memory_space<hbm>> -> memref<128xi32, #tpu.memory_space<hbm>>
      tpu.enqueue_dma source(%dma_start3A_153 : memref<128xi32, #tpu.memory_space<hbm>>) target(%dma_start3A_150 : memref<128xi32, #tpu.memory_space<vmem>>) target_semaphore(%arg12 : memref<!tpu.dma_semaphore, #tpu.memory_space<semaphore_mem>>)
      %sub3A_154 = arith.constant 2500 : i32
      %sub3A_155 = arith.subi %add3A_48, %sub3A_154 : i32
      %dma_start3A_156 = arith.constant 4 : i32
      %dma_start3A_157 = arith.constant 0 : i32
      %dma_start3A_158 = tpu.memref_slice %arg8[%dma_start3A_156, %dma_start3A_157] : memref<6x128xi32, #tpu.memory_space<vmem>> -> memref<1x128xi32, #tpu.memory_space<vmem>>
      %dma_start3A_159 = tpu.memref_squeeze %dma_start3A_158 : memref<1x128xi32, #tpu.memory_space<vmem>> -> memref<128xi32, #tpu.memory_space<vmem>>
      %dma_start3A_160 = arith.constant 0 : i32
      %dma_start3A_161 = tpu.memref_slice %arg5[%sub3A_155, %dma_start3A_160] : memref<28x128xi32, #tpu.memory_space<hbm>> -> memref<1x128xi32, #tpu.memory_space<hbm>>
      %dma_start3A_162 = tpu.memref_squeeze %dma_start3A_161 : memref<1x128xi32, #tpu.memory_space<hbm>> -> memref<128xi32, #tpu.memory_space<hbm>>
      %dma_start3A_163 = arith.constant 0 : i32
      %dma_start3A_164 = tpu.memref_slice %arg8[%dma_start3A_156, %dma_start3A_163] : memref<6x128xi32, #tpu.memory_space<vmem>> -> memref<1x128xi32, #tpu.memory_space<vmem>>
      %dma_start3A_165 = tpu.memref_squeeze %dma_start3A_164 : memref<1x128xi32, #tpu.memory_space<vmem>> -> memref<128xi32, #tpu.memory_space<vmem>>
      %dma_start3A_166 = arith.constant 0 : i32
      %dma_start3A_167 = tpu.memref_slice %arg5[%sub3A_155, %dma_start3A_166] : memref<28x128xi32, #tpu.memory_space<hbm>> -> memref<1x128xi32, #tpu.memory_space<hbm>>
      %dma_start3A_168 = tpu.memref_squeeze %dma_start3A_167 : memref<1x128xi32, #tpu.memory_space<hbm>> -> memref<128xi32, #tpu.memory_space<hbm>>
      tpu.enqueue_dma source(%dma_start3A_168 : memref<128xi32, #tpu.memory_space<hbm>>) target(%dma_start3A_165 : memref<128xi32, #tpu.memory_space<vmem>>) target_semaphore(%arg13 : memref<!tpu.dma_semaphore, #tpu.memory_space<semaphore_mem>>)
    } else {
    }
    %dma_wait3A = arith.constant 0 : i32
    %dma_wait3A_59 = arith.constant 0 : i32
    %dma_wait3A_60 = arith.constant 0 : i32
    %dma_wait3A_61 = tpu.memref_slice %arg7[%dma_wait3A_59, %dma_wait3A_60] : memref<6x128xi32, #tpu.memory_space<vmem>> -> memref<1x128xi32, #tpu.memory_space<vmem>>
    %dma_wait3A_62 = tpu.memref_squeeze %dma_wait3A_61 : memref<1x128xi32, #tpu.memory_space<vmem>> -> memref<128xi32, #tpu.memory_space<vmem>>
    %dma_wait3A_63 = arith.constant 0 : i32
    %dma_wait3A_64 = tpu.memref_slice %arg3[%dma_wait3A, %dma_wait3A_63] : memref<1x320000xi32, #tpu.memory_space<hbm>> -> memref<1x128xi32, #tpu.memory_space<hbm>>
    %dma_wait3A_65 = tpu.memref_squeeze %dma_wait3A_64 : memref<1x128xi32, #tpu.memory_space<hbm>> -> memref<128xi32, #tpu.memory_space<hbm>>
    %dma_wait3A_66 = arith.constant 0 : i32
    %dma_wait3A_67 = tpu.memref_slice %arg7[%dma_wait3A_59, %dma_wait3A_66] : memref<6x128xi32, #tpu.memory_space<vmem>> -> memref<1x128xi32, #tpu.memory_space<vmem>>
    %dma_wait3A_68 = tpu.memref_squeeze %dma_wait3A_67 : memref<1x128xi32, #tpu.memory_space<vmem>> -> memref<128xi32, #tpu.memory_space<vmem>>
    %dma_wait3A_69 = arith.constant 0 : i32
    %dma_wait3A_70 = tpu.memref_slice %arg3[%dma_wait3A, %dma_wait3A_69] : memref<1x320000xi32, #tpu.memory_space<hbm>> -> memref<1x128xi32, #tpu.memory_space<hbm>>
    %dma_wait3A_71 = tpu.memref_squeeze %dma_wait3A_70 : memref<1x128xi32, #tpu.memory_space<hbm>> -> memref<128xi32, #tpu.memory_space<hbm>>
    tpu.wait_dma2 semaphore(%arg12 : memref<!tpu.dma_semaphore, #tpu.memory_space<semaphore_mem>>) src(%dma_wait3A_71 : memref<128xi32, #tpu.memory_space<hbm>>) dst(%dma_wait3A_68 : memref<128xi32, #tpu.memory_space<vmem>>)
    %dma_start3A = arith.constant 0 : i32
    %dma_start3A_72 = arith.constant 0 : i32
    %dma_start3A_73 = tpu.memref_slice %arg7[%dma_start3A, %dma_start3A_72] : memref<6x128xi32, #tpu.memory_space<vmem>> -> memref<1x128xi32, #tpu.memory_space<vmem>>
    %dma_start3A_74 = tpu.memref_squeeze %dma_start3A_73 : memref<1x128xi32, #tpu.memory_space<vmem>> -> memref<128xi32, #tpu.memory_space<vmem>>
    %dma_start3A_75 = arith.constant 0 : i32
    %dma_start3A_76 = arith.constant 0 : i32
    %dma_start3A_77 = tpu.memref_slice %arg2[%dma_start3A_75, %dma_start3A_76] : memref<10240x64xf32, #tpu.memory_space<hbm>> -> memref<10240x64xf32, #tpu.memory_space<hbm>>
    tpu.enqueue_indirect_dma source(%dma_start3A_77 : memref<10240x64xf32, #tpu.memory_space<hbm>>) target(%arg9 : memref<128x64xf32, #tpu.memory_space<vmem>>) offsets(%dma_start3A_74 : memref<128xi32, #tpu.memory_space<vmem>>) semaphore(%arg14 : memref<!tpu.dma_semaphore, #tpu.memory_space<semaphore_mem>>)
    %dma_wait3A_78 = arith.constant 0 : i32
    %dma_wait3A_79 = arith.constant 0 : i32
    %dma_wait3A_80 = arith.constant 0 : i32
    %dma_wait3A_81 = tpu.memref_slice %arg7[%dma_wait3A_79, %dma_wait3A_80] : memref<6x128xi32, #tpu.memory_space<vmem>> -> memref<1x128xi32, #tpu.memory_space<vmem>>
    %dma_wait3A_82 = tpu.memref_squeeze %dma_wait3A_81 : memref<1x128xi32, #tpu.memory_space<vmem>> -> memref<128xi32, #tpu.memory_space<vmem>>
    %dma_wait3A_83 = arith.constant 0 : i32
    %dma_wait3A_84 = tpu.memref_slice %arg3[%dma_wait3A_78, %dma_wait3A_83] : memref<1x320000xi32, #tpu.memory_space<hbm>> -> memref<1x128xi32, #tpu.memory_space<hbm>>
    %dma_wait3A_85 = tpu.memref_squeeze %dma_wait3A_84 : memref<1x128xi32, #tpu.memory_space<hbm>> -> memref<128xi32, #tpu.memory_space<hbm>>
    %dma_wait3A_86 = arith.constant 0 : i32
    %dma_wait3A_87 = tpu.memref_slice %arg7[%dma_wait3A_79, %dma_wait3A_86] : memref<6x128xi32, #tpu.memory_space<vmem>> -> memref<1x128xi32, #tpu.memory_space<vmem>>
    %dma_wait3A_88 = tpu.memref_squeeze %dma_wait3A_87 : memref<1x128xi32, #tpu.memory_space<vmem>> -> memref<128xi32, #tpu.memory_space<vmem>>
    %dma_wait3A_89 = arith.constant 0 : i32
    %dma_wait3A_90 = tpu.memref_slice %arg3[%dma_wait3A_78, %dma_wait3A_89] : memref<1x320000xi32, #tpu.memory_space<hbm>> -> memref<1x128xi32, #tpu.memory_space<hbm>>
    %dma_wait3A_91 = tpu.memref_squeeze %dma_wait3A_90 : memref<1x128xi32, #tpu.memory_space<hbm>> -> memref<128xi32, #tpu.memory_space<hbm>>
    tpu.wait_dma2 semaphore(%arg12 : memref<!tpu.dma_semaphore, #tpu.memory_space<semaphore_mem>>) src(%dma_wait3A_91 : memref<128xi32, #tpu.memory_space<hbm>>) dst(%dma_wait3A_88 : memref<128xi32, #tpu.memory_space<vmem>>)
    %dma_start3A_92 = arith.constant 1 : i32
    %dma_start3A_93 = arith.constant 0 : i32
    %dma_start3A_94 = tpu.memref_slice %arg7[%dma_start3A_92, %dma_start3A_93] : memref<6x128xi32, #tpu.memory_space<vmem>> -> memref<1x128xi32, #tpu.memory_space<vmem>>
    %dma_start3A_95 = tpu.memref_squeeze %dma_start3A_94 : memref<1x128xi32, #tpu.memory_space<vmem>> -> memref<128xi32, #tpu.memory_space<vmem>>
    %dma_start3A_96 = arith.constant 0 : i32
    %dma_start3A_97 = arith.constant 0 : i32
    %dma_start3A_98 = tpu.memref_slice %arg2[%dma_start3A_96, %dma_start3A_97] : memref<10240x64xf32, #tpu.memory_space<hbm>> -> memref<10240x64xf32, #tpu.memory_space<hbm>>
    tpu.enqueue_indirect_dma source(%dma_start3A_98 : memref<10240x64xf32, #tpu.memory_space<hbm>>) target(%arg10 : memref<128x64xf32, #tpu.memory_space<vmem>>) offsets(%dma_start3A_95 : memref<128xi32, #tpu.memory_space<vmem>>) semaphore(%arg15 : memref<!tpu.dma_semaphore, #tpu.memory_space<semaphore_mem>>)
    %mul3A_99 = arith.constant 640 : i32
    %mul3A_100 = arith.muli %arg1, %mul3A_99 : i32
    %eq3A = arith.constant 0 : i32
    %eq3A_101 = arith.cmpi eq, %arg0, %eq3A : i32
    %convert_element_type3A_102 = arith.extui %eq3A_101 : i1 to i32
    %cond3A_103 = arith.constant 0 : i32
    %cond3A_104 = arith.cmpi ne, %convert_element_type3A_102, %cond3A_103 : i32
    scf.if %cond3A_104 {
      "tpu.region"() ({
        %run_scoped3A = tpu.sem_alloc : memref<!tpu.dma_semaphore, #tpu.memory_space<semaphore_mem>>
        %dma_start3A_140 = arith.constant 0 : i32
        %dma_start3A_141 = tpu.memref_slice %arg11[%mul3A_100, %dma_start3A_140] : memref<10240x64xf32, #tpu.memory_space<vmem_shared>> -> memref<640x64xf32, #tpu.memory_space<vmem_shared>>
        %dma_start3A_142 = arith.constant 0 : i32
        %dma_start3A_143 = tpu.memref_slice %arg2[%mul3A_100, %dma_start3A_142] : memref<10240x64xf32, #tpu.memory_space<hbm>> -> memref<640x64xf32, #tpu.memory_space<hbm>>
        tpu.enqueue_dma source(%dma_start3A_143 : memref<640x64xf32, #tpu.memory_space<hbm>>) target(%dma_start3A_141 : memref<640x64xf32, #tpu.memory_space<vmem_shared>>) target_semaphore(%run_scoped3A : memref<!tpu.dma_semaphore, #tpu.memory_space<semaphore_mem>>)
        %dma_wait3A_144 = arith.constant 0 : i32
        %dma_wait3A_145 = tpu.memref_slice %arg11[%mul3A_100, %dma_wait3A_144] : memref<10240x64xf32, #tpu.memory_space<vmem_shared>> -> memref<640x64xf32, #tpu.memory_space<vmem_shared>>
        %dma_wait3A_146 = arith.constant 0 : i32
        %dma_wait3A_147 = tpu.memref_slice %arg2[%mul3A_100, %dma_wait3A_146] : memref<10240x64xf32, #tpu.memory_space<hbm>> -> memref<640x64xf32, #tpu.memory_space<hbm>>
        tpu.wait_dma2 semaphore(%run_scoped3A : memref<!tpu.dma_semaphore, #tpu.memory_space<semaphore_mem>>) src(%dma_wait3A_147 : memref<640x64xf32, #tpu.memory_space<hbm>>) dst(%dma_wait3A_145 : memref<640x64xf32, #tpu.memory_space<vmem_shared>>)
        tpu.yield
      }) : () -> ()
    } else {
    }
    %eq3A_105 = arith.constant 1 : i32
    %eq3A_106 = arith.cmpi eq, %arg0, %eq3A_105 : i32
    %convert_element_type3A_107 = arith.extui %eq3A_106 : i1 to i32
    %cond3A_108 = arith.constant 0 : i32
    %cond3A_109 = arith.cmpi ne, %convert_element_type3A_107, %cond3A_108 : i32
    scf.if %cond3A_109 {
      %mul3A_140 = arith.constant 640 : i32
      %mul3A_141 = arith.muli %arg1, %mul3A_140 : i32
      %add3A_142 = arith.constant 0 : i32
      %add3A_143 = arith.addi %mul3A_141, %add3A_142 : i32
      "tpu.region"() ({
        %run_scoped3A = tpu.sem_alloc : memref<!tpu.dma_semaphore, #tpu.memory_space<semaphore_mem>>
        %dma_start3A_152 = arith.constant 0 : i32
        %dma_start3A_153 = tpu.memref_slice %arg11[%add3A_143, %dma_start3A_152] : memref<10240x64xf32, #tpu.memory_space<vmem_shared>> -> memref<240x64xf32, #tpu.memory_space<vmem_shared>>
        %dma_start3A_154 = arith.constant 10000 : i32
        %dma_start3A_155 = arith.constant 0 : i32
        %dma_start3A_156 = tpu.memref_slice %arg2[%dma_start3A_154, %dma_start3A_155] : memref<10240x64xf32, #tpu.memory_space<hbm>> -> memref<240x64xf32, #tpu.memory_space<hbm>>
        tpu.enqueue_dma source(%dma_start3A_156 : memref<240x64xf32, #tpu.memory_space<hbm>>) target(%dma_start3A_153 : memref<240x64xf32, #tpu.memory_space<vmem_shared>>) target_semaphore(%run_scoped3A : memref<!tpu.dma_semaphore, #tpu.memory_space<semaphore_mem>>)
        %dma_wait3A_157 = arith.constant 0 : i32
        %dma_wait3A_158 = tpu.memref_slice %arg11[%add3A_143, %dma_wait3A_157] : memref<10240x64xf32, #tpu.memory_space<vmem_shared>> -> memref<240x64xf32, #tpu.memory_space<vmem_shared>>
        %dma_wait3A_159 = arith.constant 10000 : i32
        %dma_wait3A_160 = arith.constant 0 : i32
        %dma_wait3A_161 = tpu.memref_slice %arg2[%dma_wait3A_159, %dma_wait3A_160] : memref<10240x64xf32, #tpu.memory_space<hbm>> -> memref<240x64xf32, #tpu.memory_space<hbm>>
        tpu.wait_dma2 semaphore(%run_scoped3A : memref<!tpu.dma_semaphore, #tpu.memory_space<semaphore_mem>>) src(%dma_wait3A_161 : memref<240x64xf32, #tpu.memory_space<hbm>>) dst(%dma_wait3A_158 : memref<240x64xf32, #tpu.memory_space<vmem_shared>>)
        tpu.yield
      }) : () -> ()
      %mul3A_144 = arith.constant 640 : i32
      %mul3A_145 = arith.muli %arg1, %mul3A_144 : i32
      %add3A_146 = arith.constant 240 : i32
      %add3A_147 = arith.addi %mul3A_145, %add3A_146 : i32
      "tpu.region"() ({
        %run_scoped3A = tpu.sem_alloc : memref<!tpu.dma_semaphore, #tpu.memory_space<semaphore_mem>>
        %dma_start3A_152 = arith.constant 0 : i32
        %dma_start3A_153 = tpu.memref_slice %arg11[%add3A_147, %dma_start3A_152] : memref<10240x64xf32, #tpu.memory_space<vmem_shared>> -> memref<240x64xf32, #tpu.memory_space<vmem_shared>>
        %dma_start3A_154 = arith.constant 10000 : i32
        %dma_start3A_155 = arith.constant 0 : i32
        %dma_start3A_156 = tpu.memref_slice %arg2[%dma_start3A_154, %dma_start3A_155] : memref<10240x64xf32, #tpu.memory_space<hbm>> -> memref<240x64xf32, #tpu.memory_space<hbm>>
        tpu.enqueue_dma source(%dma_start3A_156 : memref<240x64xf32, #tpu.memory_space<hbm>>) target(%dma_start3A_153 : memref<240x64xf32, #tpu.memory_space<vmem_shared>>) target_semaphore(%run_scoped3A : memref<!tpu.dma_semaphore, #tpu.memory_space<semaphore_mem>>)
        %dma_wait3A_157 = arith.constant 0 : i32
        %dma_wait3A_158 = tpu.memref_slice %arg11[%add3A_147, %dma_wait3A_157] : memref<10240x64xf32, #tpu.memory_space<vmem_shared>> -> memref<240x64xf32, #tpu.memory_space<vmem_shared>>
        %dma_wait3A_159 = arith.constant 10000 : i32
        %dma_wait3A_160 = arith.constant 0 : i32
        %dma_wait3A_161 = tpu.memref_slice %arg2[%dma_wait3A_159, %dma_wait3A_160] : memref<10240x64xf32, #tpu.memory_space<hbm>> -> memref<240x64xf32, #tpu.memory_space<hbm>>
        tpu.wait_dma2 semaphore(%run_scoped3A : memref<!tpu.dma_semaphore, #tpu.memory_space<semaphore_mem>>) src(%dma_wait3A_161 : memref<240x64xf32, #tpu.memory_space<hbm>>) dst(%dma_wait3A_158 : memref<240x64xf32, #tpu.memory_space<vmem_shared>>)
        tpu.yield
      }) : () -> ()
      %mul3A_148 = arith.constant 640 : i32
      %mul3A_149 = arith.muli %arg1, %mul3A_148 : i32
      %add3A_150 = arith.constant 480 : i32
      %add3A_151 = arith.addi %mul3A_149, %add3A_150 : i32
      "tpu.region"() ({
        %run_scoped3A = tpu.sem_alloc : memref<!tpu.dma_semaphore, #tpu.memory_space<semaphore_mem>>
        %dma_start3A_152 = arith.constant 0 : i32
        %dma_start3A_153 = tpu.memref_slice %arg11[%add3A_151, %dma_start3A_152] : memref<10240x64xf32, #tpu.memory_space<vmem_shared>> -> memref<160x64xf32, #tpu.memory_space<vmem_shared>>
        %dma_start3A_154 = arith.constant 10000 : i32
        %dma_start3A_155 = arith.constant 0 : i32
        %dma_start3A_156 = tpu.memref_slice %arg2[%dma_start3A_154, %dma_start3A_155] : memref<10240x64xf32, #tpu.memory_space<hbm>> -> memref<160x64xf32, #tpu.memory_space<hbm>>
        tpu.enqueue_dma source(%dma_start3A_156 : memref<160x64xf32, #tpu.memory_space<hbm>>) target(%dma_start3A_153 : memref<160x64xf32, #tpu.memory_space<vmem_shared>>) target_semaphore(%run_scoped3A : memref<!tpu.dma_semaphore, #tpu.memory_space<semaphore_mem>>)
        %dma_wait3A_157 = arith.constant 0 : i32
        %dma_wait3A_158 = tpu.memref_slice %arg11[%add3A_151, %dma_wait3A_157] : memref<10240x64xf32, #tpu.memory_space<vmem_shared>> -> memref<160x64xf32, #tpu.memory_space<vmem_shared>>
        %dma_wait3A_159 = arith.constant 10000 : i32
        %dma_wait3A_160 = arith.constant 0 : i32
        %dma_wait3A_161 = tpu.memref_slice %arg2[%dma_wait3A_159, %dma_wait3A_160] : memref<10240x64xf32, #tpu.memory_space<hbm>> -> memref<160x64xf32, #tpu.memory_space<hbm>>
        tpu.wait_dma2 semaphore(%run_scoped3A : memref<!tpu.dma_semaphore, #tpu.memory_space<semaphore_mem>>) src(%dma_wait3A_161 : memref<160x64xf32, #tpu.memory_space<hbm>>) dst(%dma_wait3A_158 : memref<160x64xf32, #tpu.memory_space<vmem_shared>>)
        tpu.yield
      }) : () -> ()
    } else {
    }
    %barrier3A = arith.constant 0 : index
    tpu.barrier barrier_id(%barrier3A)
    %scan3A = arith.constant 0 : i32
    %scan3A_110 = arith.constant 0 : i32
    %scan3A_111 = arith.constant 39 : i32
    %scan3A_112 = arith.addi %scan3A_110, %scan3A_111 : i32
    %scan3A_113 = arith.constant 1 : i32
    %scan3A_114 = scf.for %scan3A_140 = %scan3A_110 to %scan3A_112 step %scan3A_113 iter_args(%scan3A_141 = %scan3A) -> (i32)  : i32 {
      %mul3A_142 = arith.constant 2 : i32
      %mul3A_143 = arith.muli %mul3A_142, %scan3A_140 : i32
      %dma_wait3A_144 = arith.constant 0 : i32
      %dma_wait3A_145 = arith.constant 0 : i32
      %dma_wait3A_146 = arith.constant 0 : i32
      %dma_wait3A_147 = tpu.memref_slice %arg8[%dma_wait3A_145, %dma_wait3A_146] : memref<6x128xi32, #tpu.memory_space<vmem>> -> memref<1x128xi32, #tpu.memory_space<vmem>>
      %dma_wait3A_148 = tpu.memref_squeeze %dma_wait3A_147 : memref<1x128xi32, #tpu.memory_space<vmem>> -> memref<128xi32, #tpu.memory_space<vmem>>
      %dma_wait3A_149 = arith.constant 0 : i32
      %dma_wait3A_150 = tpu.memref_slice %arg3[%dma_wait3A_144, %dma_wait3A_149] : memref<1x320000xi32, #tpu.memory_space<hbm>> -> memref<1x128xi32, #tpu.memory_space<hbm>>
      %dma_wait3A_151 = tpu.memref_squeeze %dma_wait3A_150 : memref<1x128xi32, #tpu.memory_space<hbm>> -> memref<128xi32, #tpu.memory_space<hbm>>
      %dma_wait3A_152 = arith.constant 0 : i32
      %dma_wait3A_153 = tpu.memref_slice %arg8[%dma_wait3A_145, %dma_wait3A_152] : memref<6x128xi32, #tpu.memory_space<vmem>> -> memref<1x128xi32, #tpu.memory_space<vmem>>
      %dma_wait3A_154 = tpu.memref_squeeze %dma_wait3A_153 : memref<1x128xi32, #tpu.memory_space<vmem>> -> memref<128xi32, #tpu.memory_space<vmem>>
      %dma_wait3A_155 = arith.constant 0 : i32
      %dma_wait3A_156 = tpu.memref_slice %arg3[%dma_wait3A_144, %dma_wait3A_155] : memref<1x320000xi32, #tpu.memory_space<hbm>> -> memref<1x128xi32, #tpu.memory_space<hbm>>
      %dma_wait3A_157 = tpu.memref_squeeze %dma_wait3A_156 : memref<1x128xi32, #tpu.memory_space<hbm>> -> memref<128xi32, #tpu.memory_space<hbm>>
      tpu.wait_dma2 semaphore(%arg13 : memref<!tpu.dma_semaphore, #tpu.memory_space<semaphore_mem>>) src(%dma_wait3A_157 : memref<128xi32, #tpu.memory_space<hbm>>) dst(%dma_wait3A_154 : memref<128xi32, #tpu.memory_space<vmem>>)
      %dma_wait3A_158 = arith.constant 0 : i32
      %dma_wait3A_159 = arith.constant 0 : i32
      %dma_wait3A_160 = tpu.memref_slice %arg7[%dma_wait3A_158, %dma_wait3A_159] : memref<6x128xi32, #tpu.memory_space<vmem>> -> memref<1x128xi32, #tpu.memory_space<vmem>>
      %dma_wait3A_161 = tpu.memref_squeeze %dma_wait3A_160 : memref<1x128xi32, #tpu.memory_space<vmem>> -> memref<128xi32, #tpu.memory_space<vmem>>
      %dma_wait3A_162 = arith.constant 0 : i32
      %dma_wait3A_163 = arith.constant 0 : i32
      %dma_wait3A_164 = tpu.memref_slice %arg2[%dma_wait3A_162, %dma_wait3A_163] : memref<10240x64xf32, #tpu.memory_space<hbm>> -> memref<10240x64xf32, #tpu.memory_space<hbm>>
      tpu.wait_indirect_dma semaphore(%arg14 : memref<!tpu.dma_semaphore, #tpu.memory_space<semaphore_mem>>) src(%dma_wait3A_164 : memref<10240x64xf32, #tpu.memory_space<hbm>>) dst(%arg9 : memref<128x64xf32, #tpu.memory_space<vmem>>)
      %rem3A_165 = arith.constant 6 : i32
      %rem3A_166 = arith.remsi %mul3A_143, %rem3A_165 : i32
      "tpu.region"() ({
        %run_scoped3A = tpu.sem_alloc : memref<!tpu.dma_semaphore, #tpu.memory_space<semaphore_mem>>
        %dma_start3A_226 = arith.constant 0 : i32
        %dma_start3A_227 = tpu.memref_slice %arg8[%rem3A_166, %dma_start3A_226] : memref<6x128xi32, #tpu.memory_space<vmem>> -> memref<1x128xi32, #tpu.memory_space<vmem>>
        %dma_start3A_228 = tpu.memref_squeeze %dma_start3A_227 : memref<1x128xi32, #tpu.memory_space<vmem>> -> memref<128xi32, #tpu.memory_space<vmem>>
        %dma_start3A_229 = arith.constant 0 : i32
        %dma_start3A_230 = arith.constant 0 : i32
        %dma_start3A_231 = tpu.memref_slice %arg11[%dma_start3A_229, %dma_start3A_230] : memref<10240x64xf32, #tpu.memory_space<vmem_shared>> -> memref<10240x64xf32, #tpu.memory_space<vmem_shared>>
        tpu.enqueue_indirect_dma source(%arg9 : memref<128x64xf32, #tpu.memory_space<vmem>>) target(%dma_start3A_231 : memref<10240x64xf32, #tpu.memory_space<vmem_shared>>) offsets(%dma_start3A_228 : memref<128xi32, #tpu.memory_space<vmem>>) semaphore(%run_scoped3A : memref<!tpu.dma_semaphore, #tpu.memory_space<semaphore_mem>>) {add = true}
        %dma_wait3A_232 = arith.constant 0 : i32
        %dma_wait3A_233 = tpu.memref_slice %arg8[%rem3A_166, %dma_wait3A_232] : memref<6x128xi32, #tpu.memory_space<vmem>> -> memref<1x128xi32, #tpu.memory_space<vmem>>
        %dma_wait3A_234 = tpu.memref_squeeze %dma_wait3A_233 : memref<1x128xi32, #tpu.memory_space<vmem>> -> memref<128xi32, #tpu.memory_space<vmem>>
        %dma_wait3A_235 = arith.constant 0 : i32
        %dma_wait3A_236 = arith.constant 0 : i32
        %dma_wait3A_237 = tpu.memref_slice %arg11[%dma_wait3A_235, %dma_wait3A_236] : memref<10240x64xf32, #tpu.memory_space<vmem_shared>> -> memref<10240x64xf32, #tpu.memory_space<vmem_shared>>
        tpu.wait_indirect_dma semaphore(%run_scoped3A : memref<!tpu.dma_semaphore, #tpu.memory_space<semaphore_mem>>) src(%arg9 : memref<128x64xf32, #tpu.memory_space<vmem>>) dst(%dma_wait3A_237 : memref<10240x64xf32, #tpu.memory_space<vmem_shared>>)
        tpu.yield
      }) : () -> ()
      %add3A_167 = arith.constant 2 : i32
      %add3A_168 = arith.addi %mul3A_143, %add3A_167 : i32
      %lt3A_169 = arith.constant 79 : i32
      %lt3A_170 = arith.cmpi slt, %add3A_168, %lt3A_169 : i32
      %convert_element_type3A_171 = arith.extui %lt3A_170 : i1 to i32
      %cond3A_172 = arith.constant 0 : i32
      %cond3A_173 = arith.cmpi ne, %convert_element_type3A_171, %cond3A_172 : i32
      scf.if %cond3A_173 {
        %dma_wait3A_226 = arith.constant 0 : i32
        %dma_wait3A_227 = arith.constant 0 : i32
        %dma_wait3A_228 = arith.constant 0 : i32
        %dma_wait3A_229 = tpu.memref_slice %arg7[%dma_wait3A_227, %dma_wait3A_228] : memref<6x128xi32, #tpu.memory_space<vmem>> -> memref<1x128xi32, #tpu.memory_space<vmem>>
        %dma_wait3A_230 = tpu.memref_squeeze %dma_wait3A_229 : memref<1x128xi32, #tpu.memory_space<vmem>> -> memref<128xi32, #tpu.memory_space<vmem>>
        %dma_wait3A_231 = arith.constant 0 : i32
        %dma_wait3A_232 = tpu.memref_slice %arg3[%dma_wait3A_226, %dma_wait3A_231] : memref<1x320000xi32, #tpu.memory_space<hbm>> -> memref<1x128xi32, #tpu.memory_space<hbm>>
        %dma_wait3A_233 = tpu.memref_squeeze %dma_wait3A_232 : memref<1x128xi32, #tpu.memory_space<hbm>> -> memref<128xi32, #tpu.memory_space<hbm>>
        %dma_wait3A_234 = arith.constant 0 : i32
        %dma_wait3A_235 = tpu.memref_slice %arg7[%dma_wait3A_227, %dma_wait3A_234] : memref<6x128xi32, #tpu.memory_space<vmem>> -> memref<1x128xi32, #tpu.memory_space<vmem>>
        %dma_wait3A_236 = tpu.memref_squeeze %dma_wait3A_235 : memref<1x128xi32, #tpu.memory_space<vmem>> -> memref<128xi32, #tpu.memory_space<vmem>>
        %dma_wait3A_237 = arith.constant 0 : i32
        %dma_wait3A_238 = tpu.memref_slice %arg3[%dma_wait3A_226, %dma_wait3A_237] : memref<1x320000xi32, #tpu.memory_space<hbm>> -> memref<1x128xi32, #tpu.memory_space<hbm>>
        %dma_wait3A_239 = tpu.memref_squeeze %dma_wait3A_238 : memref<1x128xi32, #tpu.memory_space<hbm>> -> memref<128xi32, #tpu.memory_space<hbm>>
        tpu.wait_dma2 semaphore(%arg12 : memref<!tpu.dma_semaphore, #tpu.memory_space<semaphore_mem>>) src(%dma_wait3A_239 : memref<128xi32, #tpu.memory_space<hbm>>) dst(%dma_wait3A_236 : memref<128xi32, #tpu.memory_space<vmem>>)
        %add3A_240 = arith.constant 2 : i32
        %add3A_241 = arith.addi %mul3A_143, %add3A_240 : i32
        %rem3A_242 = arith.constant 6 : i32
        %rem3A_243 = arith.remsi %add3A_241, %rem3A_242 : i32
        %dma_start3A_244 = arith.constant 0 : i32
        %dma_start3A_245 = tpu.memref_slice %arg7[%rem3A_243, %dma_start3A_244] : memref<6x128xi32, #tpu.memory_space<vmem>> -> memref<1x128xi32, #tpu.memory_space<vmem>>
        %dma_start3A_246 = tpu.memref_squeeze %dma_start3A_245 : memref<1x128xi32, #tpu.memory_space<vmem>> -> memref<128xi32, #tpu.memory_space<vmem>>
        %dma_start3A_247 = arith.constant 0 : i32
        %dma_start3A_248 = arith.constant 0 : i32
        %dma_start3A_249 = tpu.memref_slice %arg2[%dma_start3A_247, %dma_start3A_248] : memref<10240x64xf32, #tpu.memory_space<hbm>> -> memref<10240x64xf32, #tpu.memory_space<hbm>>
        tpu.enqueue_indirect_dma source(%dma_start3A_249 : memref<10240x64xf32, #tpu.memory_space<hbm>>) target(%arg9 : memref<128x64xf32, #tpu.memory_space<vmem>>) offsets(%dma_start3A_246 : memref<128xi32, #tpu.memory_space<vmem>>) semaphore(%arg14 : memref<!tpu.dma_semaphore, #tpu.memory_space<semaphore_mem>>)
      } else {
      }
      %add3A_174 = arith.constant 6 : i32
      %add3A_175 = arith.addi %mul3A_143, %add3A_174 : i32
      %sub3A = arith.constant 1 : i32
      %sub3A_176 = arith.subi %add3A_175, %sub3A : i32
      %lt3A_177 = arith.constant 79 : i32
      %lt3A_178 = arith.cmpi slt, %sub3A_176, %lt3A_177 : i32
      %convert_element_type3A_179 = arith.extui %lt3A_178 : i1 to i32
      %cond3A_180 = arith.constant 0 : i32
      %cond3A_181 = arith.cmpi ne, %convert_element_type3A_179, %cond3A_180 : i32
      scf.if %cond3A_181 {
        %add3A_226 = arith.constant 6 : i32
        %add3A_227 = arith.addi %mul3A_143, %add3A_226 : i32
        %sub3A_228 = arith.constant 1 : i32
        %sub3A_229 = arith.subi %add3A_227, %sub3A_228 : i32
        %add3A_230 = arith.addi %mul3A_2, %sub3A_229 : i32
        %rem3A_231 = arith.constant 6 : i32
        %rem3A_232 = arith.remsi %sub3A_229, %rem3A_231 : i32
        %lt3A_233 = arith.constant 2500 : i32
        %lt3A_234 = arith.cmpi slt, %add3A_230, %lt3A_233 : i32
        %convert_element_type3A_235 = arith.extui %lt3A_234 : i1 to i32
        %cond3A_236 = arith.constant 0 : i32
        %cond3A_237 = arith.cmpi ne, %convert_element_type3A_235, %cond3A_236 : i32
        scf.if %cond3A_237 {
          %mul3A_243 = arith.constant 128 : i32
          %mul3A_244 = arith.muli %add3A_230, %mul3A_243 : i32
          %dma_start3A_245 = arith.constant 0 : i32
          %dma_start3A_246 = arith.constant 0 : i32
          %dma_start3A_247 = tpu.memref_slice %arg7[%rem3A_232, %dma_start3A_246] : memref<6x128xi32, #tpu.memory_space<vmem>> -> memref<1x128xi32, #tpu.memory_space<vmem>>
          %dma_start3A_248 = tpu.memref_squeeze %dma_start3A_247 : memref<1x128xi32, #tpu.memory_space<vmem>> -> memref<128xi32, #tpu.memory_space<vmem>>
          %dma_start3A_249 = tpu.memref_slice %arg3[%dma_start3A_245, %mul3A_244] : memref<1x320000xi32, #tpu.memory_space<hbm>> -> memref<1x128xi32, #tpu.memory_space<hbm>>
          %dma_start3A_250 = tpu.memref_squeeze %dma_start3A_249 : memref<1x128xi32, #tpu.memory_space<hbm>> -> memref<128xi32, #tpu.memory_space<hbm>>
          %dma_start3A_251 = arith.constant 0 : i32
          %dma_start3A_252 = tpu.memref_slice %arg7[%rem3A_232, %dma_start3A_251] : memref<6x128xi32, #tpu.memory_space<vmem>> -> memref<1x128xi32, #tpu.memory_space<vmem>>
          %dma_start3A_253 = tpu.memref_squeeze %dma_start3A_252 : memref<1x128xi32, #tpu.memory_space<vmem>> -> memref<128xi32, #tpu.memory_space<vmem>>
          %dma_start3A_254 = tpu.memref_slice %arg3[%dma_start3A_245, %mul3A_244] : memref<1x320000xi32, #tpu.memory_space<hbm>> -> memref<1x128xi32, #tpu.memory_space<hbm>>
          %dma_start3A_255 = tpu.memref_squeeze %dma_start3A_254 : memref<1x128xi32, #tpu.memory_space<hbm>> -> memref<128xi32, #tpu.memory_space<hbm>>
          tpu.enqueue_dma source(%dma_start3A_255 : memref<128xi32, #tpu.memory_space<hbm>>) target(%dma_start3A_253 : memref<128xi32, #tpu.memory_space<vmem>>) target_semaphore(%arg12 : memref<!tpu.dma_semaphore, #tpu.memory_space<semaphore_mem>>)
          %mul3A_256 = arith.constant 128 : i32
          %mul3A_257 = arith.muli %add3A_230, %mul3A_256 : i32
          %dma_start3A_258 = arith.constant 0 : i32
          %dma_start3A_259 = arith.constant 0 : i32
          %dma_start3A_260 = tpu.memref_slice %arg8[%rem3A_232, %dma_start3A_259] : memref<6x128xi32, #tpu.memory_space<vmem>> -> memref<1x128xi32, #tpu.memory_space<vmem>>
          %dma_start3A_261 = tpu.memref_squeeze %dma_start3A_260 : memref<1x128xi32, #tpu.memory_space<vmem>> -> memref<128xi32, #tpu.memory_space<vmem>>
          %dma_start3A_262 = tpu.memref_slice %arg4[%dma_start3A_258, %mul3A_257] : memref<1x320000xi32, #tpu.memory_space<hbm>> -> memref<1x128xi32, #tpu.memory_space<hbm>>
          %dma_start3A_263 = tpu.memref_squeeze %dma_start3A_262 : memref<1x128xi32, #tpu.memory_space<hbm>> -> memref<128xi32, #tpu.memory_space<hbm>>
          %dma_start3A_264 = arith.constant 0 : i32
          %dma_start3A_265 = tpu.memref_slice %arg8[%rem3A_232, %dma_start3A_264] : memref<6x128xi32, #tpu.memory_space<vmem>> -> memref<1x128xi32, #tpu.memory_space<vmem>>
          %dma_start3A_266 = tpu.memref_squeeze %dma_start3A_265 : memref<1x128xi32, #tpu.memory_space<vmem>> -> memref<128xi32, #tpu.memory_space<vmem>>
          %dma_start3A_267 = tpu.memref_slice %arg4[%dma_start3A_258, %mul3A_257] : memref<1x320000xi32, #tpu.memory_space<hbm>> -> memref<1x128xi32, #tpu.memory_space<hbm>>
          %dma_start3A_268 = tpu.memref_squeeze %dma_start3A_267 : memref<1x128xi32, #tpu.memory_space<hbm>> -> memref<128xi32, #tpu.memory_space<hbm>>
          tpu.enqueue_dma source(%dma_start3A_268 : memref<128xi32, #tpu.memory_space<hbm>>) target(%dma_start3A_266 : memref<128xi32, #tpu.memory_space<vmem>>) target_semaphore(%arg13 : memref<!tpu.dma_semaphore, #tpu.memory_space<semaphore_mem>>)
        } else {
        }
        %ge3A_238 = arith.constant 2500 : i32
        %ge3A_239 = arith.cmpi sge, %add3A_230, %ge3A_238 : i32
        %convert_element_type3A_240 = arith.extui %ge3A_239 : i1 to i32
        %cond3A_241 = arith.constant 0 : i32
        %cond3A_242 = arith.cmpi ne, %convert_element_type3A_240, %cond3A_241 : i32
        scf.if %cond3A_242 {
          %sub3A_243 = arith.constant 2500 : i32
          %sub3A_244 = arith.subi %add3A_230, %sub3A_243 : i32
          %dma_start3A_245 = arith.constant 0 : i32
          %dma_start3A_246 = tpu.memref_slice %arg7[%rem3A_232, %dma_start3A_245] : memref<6x128xi32, #tpu.memory_space<vmem>> -> memref<1x128xi32, #tpu.memory_space<vmem>>
          %dma_start3A_247 = tpu.memref_squeeze %dma_start3A_246 : memref<1x128xi32, #tpu.memory_space<vmem>> -> memref<128xi32, #tpu.memory_space<vmem>>
          %dma_start3A_248 = arith.constant 0 : i32
          %dma_start3A_249 = tpu.memref_slice %arg5[%sub3A_244, %dma_start3A_248] : memref<28x128xi32, #tpu.memory_space<hbm>> -> memref<1x128xi32, #tpu.memory_space<hbm>>
          %dma_start3A_250 = tpu.memref_squeeze %dma_start3A_249 : memref<1x128xi32, #tpu.memory_space<hbm>> -> memref<128xi32, #tpu.memory_space<hbm>>
          %dma_start3A_251 = arith.constant 0 : i32
          %dma_start3A_252 = tpu.memref_slice %arg7[%rem3A_232, %dma_start3A_251] : memref<6x128xi32, #tpu.memory_space<vmem>> -> memref<1x128xi32, #tpu.memory_space<vmem>>
          %dma_start3A_253 = tpu.memref_squeeze %dma_start3A_252 : memref<1x128xi32, #tpu.memory_space<vmem>> -> memref<128xi32, #tpu.memory_space<vmem>>
          %dma_start3A_254 = arith.constant 0 : i32
          %dma_start3A_255 = tpu.memref_slice %arg5[%sub3A_244, %dma_start3A_254] : memref<28x128xi32, #tpu.memory_space<hbm>> -> memref<1x128xi32, #tpu.memory_space<hbm>>
          %dma_start3A_256 = tpu.memref_squeeze %dma_start3A_255 : memref<1x128xi32, #tpu.memory_space<hbm>> -> memref<128xi32, #tpu.memory_space<hbm>>
          tpu.enqueue_dma source(%dma_start3A_256 : memref<128xi32, #tpu.memory_space<hbm>>) target(%dma_start3A_253 : memref<128xi32, #tpu.memory_space<vmem>>) target_semaphore(%arg12 : memref<!tpu.dma_semaphore, #tpu.memory_space<semaphore_mem>>)
          %sub3A_257 = arith.constant 2500 : i32
          %sub3A_258 = arith.subi %add3A_230, %sub3A_257 : i32
          %dma_start3A_259 = arith.constant 0 : i32
          %dma_start3A_260 = tpu.memref_slice %arg8[%rem3A_232, %dma_start3A_259] : memref<6x128xi32, #tpu.memory_space<vmem>> -> memref<1x128xi32, #tpu.memory_space<vmem>>
          %dma_start3A_261 = tpu.memref_squeeze %dma_start3A_260 : memref<1x128xi32, #tpu.memory_space<vmem>> -> memref<128xi32, #tpu.memory_space<vmem>>
          %dma_start3A_262 = arith.constant 0 : i32
          %dma_start3A_263 = tpu.memref_slice %arg5[%sub3A_258, %dma_start3A_262] : memref<28x128xi32, #tpu.memory_space<hbm>> -> memref<1x128xi32, #tpu.memory_space<hbm>>
          %dma_start3A_264 = tpu.memref_squeeze %dma_start3A_263 : memref<1x128xi32, #tpu.memory_space<hbm>> -> memref<128xi32, #tpu.memory_space<hbm>>
          %dma_start3A_265 = arith.constant 0 : i32
          %dma_start3A_266 = tpu.memref_slice %arg8[%rem3A_232, %dma_start3A_265] : memref<6x128xi32, #tpu.memory_space<vmem>> -> memref<1x128xi32, #tpu.memory_space<vmem>>
          %dma_start3A_267 = tpu.memref_squeeze %dma_start3A_266 : memref<1x128xi32, #tpu.memory_space<vmem>> -> memref<128xi32, #tpu.memory_space<vmem>>
          %dma_start3A_268 = arith.constant 0 : i32
          %dma_start3A_269 = tpu.memref_slice %arg5[%sub3A_258, %dma_start3A_268] : memref<28x128xi32, #tpu.memory_space<hbm>> -> memref<1x128xi32, #tpu.memory_space<hbm>>
          %dma_start3A_270 = tpu.memref_squeeze %dma_start3A_269 : memref<1x128xi32, #tpu.memory_space<hbm>> -> memref<128xi32, #tpu.memory_space<hbm>>
          tpu.enqueue_dma source(%dma_start3A_270 : memref<128xi32, #tpu.memory_space<hbm>>) target(%dma_start3A_267 : memref<128xi32, #tpu.memory_space<vmem>>) target_semaphore(%arg13 : memref<!tpu.dma_semaphore, #tpu.memory_space<semaphore_mem>>)
        } else {
        }
      } else {
      }
      %mul3A_182 = arith.constant 2 : i32
      %mul3A_183 = arith.muli %mul3A_182, %scan3A_140 : i32
      %add3A_184 = arith.constant 1 : i32
      %add3A_185 = arith.addi %mul3A_183, %add3A_184 : i32
      %dma_wait3A_186 = arith.constant 0 : i32
      %dma_wait3A_187 = arith.constant 0 : i32
      %dma_wait3A_188 = arith.constant 0 : i32
      %dma_wait3A_189 = tpu.memref_slice %arg8[%dma_wait3A_187, %dma_wait3A_188] : memref<6x128xi32, #tpu.memory_space<vmem>> -> memref<1x128xi32, #tpu.memory_space<vmem>>
      %dma_wait3A_190 = tpu.memref_squeeze %dma_wait3A_189 : memref<1x128xi32, #tpu.memory_space<vmem>> -> memref<128xi32, #tpu.memory_space<vmem>>
      %dma_wait3A_191 = arith.constant 0 : i32
      %dma_wait3A_192 = tpu.memref_slice %arg3[%dma_wait3A_186, %dma_wait3A_191] : memref<1x320000xi32, #tpu.memory_space<hbm>> -> memref<1x128xi32, #tpu.memory_space<hbm>>
      %dma_wait3A_193 = tpu.memref_squeeze %dma_wait3A_192 : memref<1x128xi32, #tpu.memory_space<hbm>> -> memref<128xi32, #tpu.memory_space<hbm>>
      %dma_wait3A_194 = arith.constant 0 : i32
      %dma_wait3A_195 = tpu.memref_slice %arg8[%dma_wait3A_187, %dma_wait3A_194] : memref<6x128xi32, #tpu.memory_space<vmem>> -> memref<1x128xi32, #tpu.memory_space<vmem>>
      %dma_wait3A_196 = tpu.memref_squeeze %dma_wait3A_195 : memref<1x128xi32, #tpu.memory_space<vmem>> -> memref<128xi32, #tpu.memory_space<vmem>>
      %dma_wait3A_197 = arith.constant 0 : i32
      %dma_wait3A_198 = tpu.memref_slice %arg3[%dma_wait3A_186, %dma_wait3A_197] : memref<1x320000xi32, #tpu.memory_space<hbm>> -> memref<1x128xi32, #tpu.memory_space<hbm>>
      %dma_wait3A_199 = tpu.memref_squeeze %dma_wait3A_198 : memref<1x128xi32, #tpu.memory_space<hbm>> -> memref<128xi32, #tpu.memory_space<hbm>>
      tpu.wait_dma2 semaphore(%arg13 : memref<!tpu.dma_semaphore, #tpu.memory_space<semaphore_mem>>) src(%dma_wait3A_199 : memref<128xi32, #tpu.memory_space<hbm>>) dst(%dma_wait3A_196 : memref<128xi32, #tpu.memory_space<vmem>>)
      %dma_wait3A_200 = arith.constant 0 : i32
      %dma_wait3A_201 = arith.constant 0 : i32
      %dma_wait3A_202 = tpu.memref_slice %arg7[%dma_wait3A_200, %dma_wait3A_201] : memref<6x128xi32, #tpu.memory_space<vmem>> -> memref<1x128xi32, #tpu.memory_space<vmem>>
      %dma_wait3A_203 = tpu.memref_squeeze %dma_wait3A_202 : memref<1x128xi32, #tpu.memory_space<vmem>> -> memref<128xi32, #tpu.memory_space<vmem>>
      %dma_wait3A_204 = arith.constant 0 : i32
      %dma_wait3A_205 = arith.constant 0 : i32
      %dma_wait3A_206 = tpu.memref_slice %arg2[%dma_wait3A_204, %dma_wait3A_205] : memref<10240x64xf32, #tpu.memory_space<hbm>> -> memref<10240x64xf32, #tpu.memory_space<hbm>>
      tpu.wait_indirect_dma semaphore(%arg15 : memref<!tpu.dma_semaphore, #tpu.memory_space<semaphore_mem>>) src(%dma_wait3A_206 : memref<10240x64xf32, #tpu.memory_space<hbm>>) dst(%arg10 : memref<128x64xf32, #tpu.memory_space<vmem>>)
      %rem3A_207 = arith.constant 6 : i32
      %rem3A_208 = arith.remsi %add3A_185, %rem3A_207 : i32
      "tpu.region"() ({
        %run_scoped3A = tpu.sem_alloc : memref<!tpu.dma_semaphore, #tpu.memory_space<semaphore_mem>>
        %dma_start3A_226 = arith.constant 0 : i32
        %dma_start3A_227 = tpu.memref_slice %arg8[%rem3A_208, %dma_start3A_226] : memref<6x128xi32, #tpu.memory_space<vmem>> -> memref<1x128xi32, #tpu.memory_space<vmem>>
        %dma_start3A_228 = tpu.memref_squeeze %dma_start3A_227 : memref<1x128xi32, #tpu.memory_space<vmem>> -> memref<128xi32, #tpu.memory_space<vmem>>
        %dma_start3A_229 = arith.constant 0 : i32
        %dma_start3A_230 = arith.constant 0 : i32
        %dma_start3A_231 = tpu.memref_slice %arg11[%dma_start3A_229, %dma_start3A_230] : memref<10240x64xf32, #tpu.memory_space<vmem_shared>> -> memref<10240x64xf32, #tpu.memory_space<vmem_shared>>
        tpu.enqueue_indirect_dma source(%arg10 : memref<128x64xf32, #tpu.memory_space<vmem>>) target(%dma_start3A_231 : memref<10240x64xf32, #tpu.memory_space<vmem_shared>>) offsets(%dma_start3A_228 : memref<128xi32, #tpu.memory_space<vmem>>) semaphore(%run_scoped3A : memref<!tpu.dma_semaphore, #tpu.memory_space<semaphore_mem>>) {add = true}
        %dma_wait3A_232 = arith.constant 0 : i32
        %dma_wait3A_233 = tpu.memref_slice %arg8[%rem3A_208, %dma_wait3A_232] : memref<6x128xi32, #tpu.memory_space<vmem>> -> memref<1x128xi32, #tpu.memory_space<vmem>>
        %dma_wait3A_234 = tpu.memref_squeeze %dma_wait3A_233 : memref<1x128xi32, #tpu.memory_space<vmem>> -> memref<128xi32, #tpu.memory_space<vmem>>
        %dma_wait3A_235 = arith.constant 0 : i32
        %dma_wait3A_236 = arith.constant 0 : i32
        %dma_wait3A_237 = tpu.memref_slice %arg11[%dma_wait3A_235, %dma_wait3A_236] : memref<10240x64xf32, #tpu.memory_space<vmem_shared>> -> memref<10240x64xf32, #tpu.memory_space<vmem_shared>>
        tpu.wait_indirect_dma semaphore(%run_scoped3A : memref<!tpu.dma_semaphore, #tpu.memory_space<semaphore_mem>>) src(%arg10 : memref<128x64xf32, #tpu.memory_space<vmem>>) dst(%dma_wait3A_237 : memref<10240x64xf32, #tpu.memory_space<vmem_shared>>)
        tpu.yield
      }) : () -> ()
      %add3A_209 = arith.constant 2 : i32
      %add3A_210 = arith.addi %add3A_185, %add3A_209 : i32
      %lt3A_211 = arith.constant 79 : i32
      %lt3A_212 = arith.cmpi slt, %add3A_210, %lt3A_211 : i32
      %convert_element_type3A_213 = arith.extui %lt3A_212 : i1 to i32
      %cond3A_214 = arith.constant 0 : i32
      %cond3A_215 = arith.cmpi ne, %convert_element_type3A_213, %cond3A_214 : i32
      scf.if %cond3A_215 {
        %dma_wait3A_226 = arith.constant 0 : i32
        %dma_wait3A_227 = arith.constant 0 : i32
        %dma_wait3A_228 = arith.constant 0 : i32
        %dma_wait3A_229 = tpu.memref_slice %arg7[%dma_wait3A_227, %dma_wait3A_228] : memref<6x128xi32, #tpu.memory_space<vmem>> -> memref<1x128xi32, #tpu.memory_space<vmem>>
        %dma_wait3A_230 = tpu.memref_squeeze %dma_wait3A_229 : memref<1x128xi32, #tpu.memory_space<vmem>> -> memref<128xi32, #tpu.memory_space<vmem>>
        %dma_wait3A_231 = arith.constant 0 : i32
        %dma_wait3A_232 = tpu.memref_slice %arg3[%dma_wait3A_226, %dma_wait3A_231] : memref<1x320000xi32, #tpu.memory_space<hbm>> -> memref<1x128xi32, #tpu.memory_space<hbm>>
        %dma_wait3A_233 = tpu.memref_squeeze %dma_wait3A_232 : memref<1x128xi32, #tpu.memory_space<hbm>> -> memref<128xi32, #tpu.memory_space<hbm>>
        %dma_wait3A_234 = arith.constant 0 : i32
        %dma_wait3A_235 = tpu.memref_slice %arg7[%dma_wait3A_227, %dma_wait3A_234] : memref<6x128xi32, #tpu.memory_space<vmem>> -> memref<1x128xi32, #tpu.memory_space<vmem>>
        %dma_wait3A_236 = tpu.memref_squeeze %dma_wait3A_235 : memref<1x128xi32, #tpu.memory_space<vmem>> -> memref<128xi32, #tpu.memory_space<vmem>>
        %dma_wait3A_237 = arith.constant 0 : i32
        %dma_wait3A_238 = tpu.memref_slice %arg3[%dma_wait3A_226, %dma_wait3A_237] : memref<1x320000xi32, #tpu.memory_space<hbm>> -> memref<1x128xi32, #tpu.memory_space<hbm>>
        %dma_wait3A_239 = tpu.memref_squeeze %dma_wait3A_238 : memref<1x128xi32, #tpu.memory_space<hbm>> -> memref<128xi32, #tpu.memory_space<hbm>>
        tpu.wait_dma2 semaphore(%arg12 : memref<!tpu.dma_semaphore, #tpu.memory_space<semaphore_mem>>) src(%dma_wait3A_239 : memref<128xi32, #tpu.memory_space<hbm>>) dst(%dma_wait3A_236 : memref<128xi32, #tpu.memory_space<vmem>>)
        %add3A_240 = arith.constant 2 : i32
        %add3A_241 = arith.addi %add3A_185, %add3A_240 : i32
        %rem3A_242 = arith.constant 6 : i32
        %rem3A_243 = arith.remsi %add3A_241, %rem3A_242 : i32
        %dma_start3A_244 = arith.constant 0 : i32
        %dma_start3A_245 = tpu.memref_slice %arg7[%rem3A_243, %dma_start3A_244] : memref<6x128xi32, #tpu.memory_space<vmem>> -> memref<1x128xi32, #tpu.memory_space<vmem>>
        %dma_start3A_246 = tpu.memref_squeeze %dma_start3A_245 : memref<1x128xi32, #tpu.memory_space<vmem>> -> memref<128xi32, #tpu.memory_space<vmem>>
        %dma_start3A_247 = arith.constant 0 : i32
        %dma_start3A_248 = arith.constant 0 : i32
        %dma_start3A_249 = tpu.memref_slice %arg2[%dma_start3A_247, %dma_start3A_248] : memref<10240x64xf32, #tpu.memory_space<hbm>> -> memref<10240x64xf32, #tpu.memory_space<hbm>>
        tpu.enqueue_indirect_dma source(%dma_start3A_249 : memref<10240x64xf32, #tpu.memory_space<hbm>>) target(%arg10 : memref<128x64xf32, #tpu.memory_space<vmem>>) offsets(%dma_start3A_246 : memref<128xi32, #tpu.memory_space<vmem>>) semaphore(%arg15 : memref<!tpu.dma_semaphore, #tpu.memory_space<semaphore_mem>>)
      } else {
      }
      %add3A_216 = arith.constant 6 : i32
      %add3A_217 = arith.addi %add3A_185, %add3A_216 : i32
      %sub3A_218 = arith.constant 1 : i32
      %sub3A_219 = arith.subi %add3A_217, %sub3A_218 : i32
      %lt3A_220 = arith.constant 79 : i32
      %lt3A_221 = arith.cmpi slt, %sub3A_219, %lt3A_220 : i32
      %convert_element_type3A_222 = arith.extui %lt3A_221 : i1 to i32
      %cond3A_223 = arith.constant 0 : i32
      %cond3A_224 = arith.cmpi ne, %convert_element_type3A_222, %cond3A_223 : i32
      scf.if %cond3A_224 {
        %add3A_226 = arith.constant 6 : i32
        %add3A_227 = arith.addi %add3A_185, %add3A_226 : i32
        %sub3A_228 = arith.constant 1 : i32
        %sub3A_229 = arith.subi %add3A_227, %sub3A_228 : i32
        %add3A_230 = arith.addi %mul3A_2, %sub3A_229 : i32
        %rem3A_231 = arith.constant 6 : i32
        %rem3A_232 = arith.remsi %sub3A_229, %rem3A_231 : i32
        %lt3A_233 = arith.constant 2500 : i32
        %lt3A_234 = arith.cmpi slt, %add3A_230, %lt3A_233 : i32
        %convert_element_type3A_235 = arith.extui %lt3A_234 : i1 to i32
        %cond3A_236 = arith.constant 0 : i32
        %cond3A_237 = arith.cmpi ne, %convert_element_type3A_235, %cond3A_236 : i32
        scf.if %cond3A_237 {
          %mul3A_243 = arith.constant 128 : i32
          %mul3A_244 = arith.muli %add3A_230, %mul3A_243 : i32
          %dma_start3A_245 = arith.constant 0 : i32
          %dma_start3A_246 = arith.constant 0 : i32
          %dma_start3A_247 = tpu.memref_slice %arg7[%rem3A_232, %dma_start3A_246] : memref<6x128xi32, #tpu.memory_space<vmem>> -> memref<1x128xi32, #tpu.memory_space<vmem>>
          %dma_start3A_248 = tpu.memref_squeeze %dma_start3A_247 : memref<1x128xi32, #tpu.memory_space<vmem>> -> memref<128xi32, #tpu.memory_space<vmem>>
          %dma_start3A_249 = tpu.memref_slice %arg3[%dma_start3A_245, %mul3A_244] : memref<1x320000xi32, #tpu.memory_space<hbm>> -> memref<1x128xi32, #tpu.memory_space<hbm>>
          %dma_start3A_250 = tpu.memref_squeeze %dma_start3A_249 : memref<1x128xi32, #tpu.memory_space<hbm>> -> memref<128xi32, #tpu.memory_space<hbm>>
          %dma_start3A_251 = arith.constant 0 : i32
          %dma_start3A_252 = tpu.memref_slice %arg7[%rem3A_232, %dma_start3A_251] : memref<6x128xi32, #tpu.memory_space<vmem>> -> memref<1x128xi32, #tpu.memory_space<vmem>>
          %dma_start3A_253 = tpu.memref_squeeze %dma_start3A_252 : memref<1x128xi32, #tpu.memory_space<vmem>> -> memref<128xi32, #tpu.memory_space<vmem>>
          %dma_start3A_254 = tpu.memref_slice %arg3[%dma_start3A_245, %mul3A_244] : memref<1x320000xi32, #tpu.memory_space<hbm>> -> memref<1x128xi32, #tpu.memory_space<hbm>>
          %dma_start3A_255 = tpu.memref_squeeze %dma_start3A_254 : memref<1x128xi32, #tpu.memory_space<hbm>> -> memref<128xi32, #tpu.memory_space<hbm>>
          tpu.enqueue_dma source(%dma_start3A_255 : memref<128xi32, #tpu.memory_space<hbm>>) target(%dma_start3A_253 : memref<128xi32, #tpu.memory_space<vmem>>) target_semaphore(%arg12 : memref<!tpu.dma_semaphore, #tpu.memory_space<semaphore_mem>>)
          %mul3A_256 = arith.constant 128 : i32
          %mul3A_257 = arith.muli %add3A_230, %mul3A_256 : i32
          %dma_start3A_258 = arith.constant 0 : i32
          %dma_start3A_259 = arith.constant 0 : i32
          %dma_start3A_260 = tpu.memref_slice %arg8[%rem3A_232, %dma_start3A_259] : memref<6x128xi32, #tpu.memory_space<vmem>> -> memref<1x128xi32, #tpu.memory_space<vmem>>
          %dma_start3A_261 = tpu.memref_squeeze %dma_start3A_260 : memref<1x128xi32, #tpu.memory_space<vmem>> -> memref<128xi32, #tpu.memory_space<vmem>>
          %dma_start3A_262 = tpu.memref_slice %arg4[%dma_start3A_258, %mul3A_257] : memref<1x320000xi32, #tpu.memory_space<hbm>> -> memref<1x128xi32, #tpu.memory_space<hbm>>
          %dma_start3A_263 = tpu.memref_squeeze %dma_start3A_262 : memref<1x128xi32, #tpu.memory_space<hbm>> -> memref<128xi32, #tpu.memory_space<hbm>>
          %dma_start3A_264 = arith.constant 0 : i32
          %dma_start3A_265 = tpu.memref_slice %arg8[%rem3A_232, %dma_start3A_264] : memref<6x128xi32, #tpu.memory_space<vmem>> -> memref<1x128xi32, #tpu.memory_space<vmem>>
          %dma_start3A_266 = tpu.memref_squeeze %dma_start3A_265 : memref<1x128xi32, #tpu.memory_space<vmem>> -> memref<128xi32, #tpu.memory_space<vmem>>
          %dma_start3A_267 = tpu.memref_slice %arg4[%dma_start3A_258, %mul3A_257] : memref<1x320000xi32, #tpu.memory_space<hbm>> -> memref<1x128xi32, #tpu.memory_space<hbm>>
          %dma_start3A_268 = tpu.memref_squeeze %dma_start3A_267 : memref<1x128xi32, #tpu.memory_space<hbm>> -> memref<128xi32, #tpu.memory_space<hbm>>
          tpu.enqueue_dma source(%dma_start3A_268 : memref<128xi32, #tpu.memory_space<hbm>>) target(%dma_start3A_266 : memref<128xi32, #tpu.memory_space<vmem>>) target_semaphore(%arg13 : memref<!tpu.dma_semaphore, #tpu.memory_space<semaphore_mem>>)
        } else {
        }
        %ge3A_238 = arith.constant 2500 : i32
        %ge3A_239 = arith.cmpi sge, %add3A_230, %ge3A_238 : i32
        %convert_element_type3A_240 = arith.extui %ge3A_239 : i1 to i32
        %cond3A_241 = arith.constant 0 : i32
        %cond3A_242 = arith.cmpi ne, %convert_element_type3A_240, %cond3A_241 : i32
        scf.if %cond3A_242 {
          %sub3A_243 = arith.constant 2500 : i32
          %sub3A_244 = arith.subi %add3A_230, %sub3A_243 : i32
          %dma_start3A_245 = arith.constant 0 : i32
          %dma_start3A_246 = tpu.memref_slice %arg7[%rem3A_232, %dma_start3A_245] : memref<6x128xi32, #tpu.memory_space<vmem>> -> memref<1x128xi32, #tpu.memory_space<vmem>>
          %dma_start3A_247 = tpu.memref_squeeze %dma_start3A_246 : memref<1x128xi32, #tpu.memory_space<vmem>> -> memref<128xi32, #tpu.memory_space<vmem>>
          %dma_start3A_248 = arith.constant 0 : i32
          %dma_start3A_249 = tpu.memref_slice %arg5[%sub3A_244, %dma_start3A_248] : memref<28x128xi32, #tpu.memory_space<hbm>> -> memref<1x128xi32, #tpu.memory_space<hbm>>
          %dma_start3A_250 = tpu.memref_squeeze %dma_start3A_249 : memref<1x128xi32, #tpu.memory_space<hbm>> -> memref<128xi32, #tpu.memory_space<hbm>>
          %dma_start3A_251 = arith.constant 0 : i32
          %dma_start3A_252 = tpu.memref_slice %arg7[%rem3A_232, %dma_start3A_251] : memref<6x128xi32, #tpu.memory_space<vmem>> -> memref<1x128xi32, #tpu.memory_space<vmem>>
          %dma_start3A_253 = tpu.memref_squeeze %dma_start3A_252 : memref<1x128xi32, #tpu.memory_space<vmem>> -> memref<128xi32, #tpu.memory_space<vmem>>
          %dma_start3A_254 = arith.constant 0 : i32
          %dma_start3A_255 = tpu.memref_slice %arg5[%sub3A_244, %dma_start3A_254] : memref<28x128xi32, #tpu.memory_space<hbm>> -> memref<1x128xi32, #tpu.memory_space<hbm>>
          %dma_start3A_256 = tpu.memref_squeeze %dma_start3A_255 : memref<1x128xi32, #tpu.memory_space<hbm>> -> memref<128xi32, #tpu.memory_space<hbm>>
          tpu.enqueue_dma source(%dma_start3A_256 : memref<128xi32, #tpu.memory_space<hbm>>) target(%dma_start3A_253 : memref<128xi32, #tpu.memory_space<vmem>>) target_semaphore(%arg12 : memref<!tpu.dma_semaphore, #tpu.memory_space<semaphore_mem>>)
          %sub3A_257 = arith.constant 2500 : i32
          %sub3A_258 = arith.subi %add3A_230, %sub3A_257 : i32
          %dma_start3A_259 = arith.constant 0 : i32
          %dma_start3A_260 = tpu.memref_slice %arg8[%rem3A_232, %dma_start3A_259] : memref<6x128xi32, #tpu.memory_space<vmem>> -> memref<1x128xi32, #tpu.memory_space<vmem>>
          %dma_start3A_261 = tpu.memref_squeeze %dma_start3A_260 : memref<1x128xi32, #tpu.memory_space<vmem>> -> memref<128xi32, #tpu.memory_space<vmem>>
          %dma_start3A_262 = arith.constant 0 : i32
          %dma_start3A_263 = tpu.memref_slice %arg5[%sub3A_258, %dma_start3A_262] : memref<28x128xi32, #tpu.memory_space<hbm>> -> memref<1x128xi32, #tpu.memory_space<hbm>>
          %dma_start3A_264 = tpu.memref_squeeze %dma_start3A_263 : memref<1x128xi32, #tpu.memory_space<hbm>> -> memref<128xi32, #tpu.memory_space<hbm>>
          %dma_start3A_265 = arith.constant 0 : i32
          %dma_start3A_266 = tpu.memref_slice %arg8[%rem3A_232, %dma_start3A_265] : memref<6x128xi32, #tpu.memory_space<vmem>> -> memref<1x128xi32, #tpu.memory_space<vmem>>
          %dma_start3A_267 = tpu.memref_squeeze %dma_start3A_266 : memref<1x128xi32, #tpu.memory_space<vmem>> -> memref<128xi32, #tpu.memory_space<vmem>>
          %dma_start3A_268 = arith.constant 0 : i32
          %dma_start3A_269 = tpu.memref_slice %arg5[%sub3A_258, %dma_start3A_268] : memref<28x128xi32, #tpu.memory_space<hbm>> -> memref<1x128xi32, #tpu.memory_space<hbm>>
          %dma_start3A_270 = tpu.memref_squeeze %dma_start3A_269 : memref<1x128xi32, #tpu.memory_space<hbm>> -> memref<128xi32, #tpu.memory_space<hbm>>
          tpu.enqueue_dma source(%dma_start3A_270 : memref<128xi32, #tpu.memory_space<hbm>>) target(%dma_start3A_267 : memref<128xi32, #tpu.memory_space<vmem>>) target_semaphore(%arg13 : memref<!tpu.dma_semaphore, #tpu.memory_space<semaphore_mem>>)
        } else {
        }
      } else {
      }
      %scan3A_225 = arith.constant 0 : i32
      scf.yield %scan3A_225 : i32
    }
    %scan3A_115 = arith.constant 39 : i32
    %dma_wait3A_116 = arith.constant 0 : i32
    %dma_wait3A_117 = arith.constant 0 : i32
    %dma_wait3A_118 = arith.constant 0 : i32
    %dma_wait3A_119 = tpu.memref_slice %arg8[%dma_wait3A_117, %dma_wait3A_118] : memref<6x128xi32, #tpu.memory_space<vmem>> -> memref<1x128xi32, #tpu.memory_space<vmem>>
    %dma_wait3A_120 = tpu.memref_squeeze %dma_wait3A_119 : memref<1x128xi32, #tpu.memory_space<vmem>> -> memref<128xi32, #tpu.memory_space<vmem>>
    %dma_wait3A_121 = arith.constant 0 : i32
    %dma_wait3A_122 = tpu.memref_slice %arg3[%dma_wait3A_116, %dma_wait3A_121] : memref<1x320000xi32, #tpu.memory_space<hbm>> -> memref<1x128xi32, #tpu.memory_space<hbm>>
    %dma_wait3A_123 = tpu.memref_squeeze %dma_wait3A_122 : memref<1x128xi32, #tpu.memory_space<hbm>> -> memref<128xi32, #tpu.memory_space<hbm>>
    %dma_wait3A_124 = arith.constant 0 : i32
    %dma_wait3A_125 = tpu.memref_slice %arg8[%dma_wait3A_117, %dma_wait3A_124] : memref<6x128xi32, #tpu.memory_space<vmem>> -> memref<1x128xi32, #tpu.memory_space<vmem>>
    %dma_wait3A_126 = tpu.memref_squeeze %dma_wait3A_125 : memref<1x128xi32, #tpu.memory_space<vmem>> -> memref<128xi32, #tpu.memory_space<vmem>>
    %dma_wait3A_127 = arith.constant 0 : i32
    %dma_wait3A_128 = tpu.memref_slice %arg3[%dma_wait3A_116, %dma_wait3A_127] : memref<1x320000xi32, #tpu.memory_space<hbm>> -> memref<1x128xi32, #tpu.memory_space<hbm>>
    %dma_wait3A_129 = tpu.memref_squeeze %dma_wait3A_128 : memref<1x128xi32, #tpu.memory_space<hbm>> -> memref<128xi32, #tpu.memory_space<hbm>>
    tpu.wait_dma2 semaphore(%arg13 : memref<!tpu.dma_semaphore, #tpu.memory_space<semaphore_mem>>) src(%dma_wait3A_129 : memref<128xi32, #tpu.memory_space<hbm>>) dst(%dma_wait3A_126 : memref<128xi32, #tpu.memory_space<vmem>>)
    %dma_wait3A_130 = arith.constant 0 : i32
    %dma_wait3A_131 = arith.constant 0 : i32
    %dma_wait3A_132 = tpu.memref_slice %arg7[%dma_wait3A_130, %dma_wait3A_131] : memref<6x128xi32, #tpu.memory_space<vmem>> -> memref<1x128xi32, #tpu.memory_space<vmem>>
    %dma_wait3A_133 = tpu.memref_squeeze %dma_wait3A_132 : memref<1x128xi32, #tpu.memory_space<vmem>> -> memref<128xi32, #tpu.memory_space<vmem>>
    %dma_wait3A_134 = arith.constant 0 : i32
    %dma_wait3A_135 = arith.constant 0 : i32
    %dma_wait3A_136 = tpu.memref_slice %arg2[%dma_wait3A_134, %dma_wait3A_135] : memref<10240x64xf32, #tpu.memory_space<hbm>> -> memref<10240x64xf32, #tpu.memory_space<hbm>>
    tpu.wait_indirect_dma semaphore(%arg14 : memref<!tpu.dma_semaphore, #tpu.memory_space<semaphore_mem>>) src(%dma_wait3A_136 : memref<10240x64xf32, #tpu.memory_space<hbm>>) dst(%arg9 : memref<128x64xf32, #tpu.memory_space<vmem>>)
    %rem3A = arith.constant 78 : i32
    %rem3A_137 = arith.constant 6 : i32
    %rem3A_138 = arith.remsi %rem3A, %rem3A_137 : i32
    "tpu.region"() ({
      %run_scoped3A = tpu.sem_alloc : memref<!tpu.dma_semaphore, #tpu.memory_space<semaphore_mem>>
      %dma_start3A_140 = arith.constant 0 : i32
      %dma_start3A_141 = tpu.memref_slice %arg8[%rem3A_138, %dma_start3A_140] : memref<6x128xi32, #tpu.memory_space<vmem>> -> memref<1x128xi32, #tpu.memory_space<vmem>>
      %dma_start3A_142 = tpu.memref_squeeze %dma_start3A_141 : memref<1x128xi32, #tpu.memory_space<vmem>> -> memref<128xi32, #tpu.memory_space<vmem>>
      %dma_start3A_143 = arith.constant 0 : i32
      %dma_start3A_144 = arith.constant 0 : i32
      %dma_start3A_145 = tpu.memref_slice %arg11[%dma_start3A_143, %dma_start3A_144] : memref<10240x64xf32, #tpu.memory_space<vmem_shared>> -> memref<10240x64xf32, #tpu.memory_space<vmem_shared>>
      tpu.enqueue_indirect_dma source(%arg9 : memref<128x64xf32, #tpu.memory_space<vmem>>) target(%dma_start3A_145 : memref<10240x64xf32, #tpu.memory_space<vmem_shared>>) offsets(%dma_start3A_142 : memref<128xi32, #tpu.memory_space<vmem>>) semaphore(%run_scoped3A : memref<!tpu.dma_semaphore, #tpu.memory_space<semaphore_mem>>) {add = true}
      %dma_wait3A_146 = arith.constant 0 : i32
      %dma_wait3A_147 = tpu.memref_slice %arg8[%rem3A_138, %dma_wait3A_146] : memref<6x128xi32, #tpu.memory_space<vmem>> -> memref<1x128xi32, #tpu.memory_space<vmem>>
      %dma_wait3A_148 = tpu.memref_squeeze %dma_wait3A_147 : memref<1x128xi32, #tpu.memory_space<vmem>> -> memref<128xi32, #tpu.memory_space<vmem>>
      %dma_wait3A_149 = arith.constant 0 : i32
      %dma_wait3A_150 = arith.constant 0 : i32
      %dma_wait3A_151 = tpu.memref_slice %arg11[%dma_wait3A_149, %dma_wait3A_150] : memref<10240x64xf32, #tpu.memory_space<vmem_shared>> -> memref<10240x64xf32, #tpu.memory_space<vmem_shared>>
      tpu.wait_indirect_dma semaphore(%run_scoped3A : memref<!tpu.dma_semaphore, #tpu.memory_space<semaphore_mem>>) src(%arg9 : memref<128x64xf32, #tpu.memory_space<vmem>>) dst(%dma_wait3A_151 : memref<10240x64xf32, #tpu.memory_space<vmem_shared>>)
      tpu.yield
    }) : () -> ()
    %barrier3A_139 = arith.constant 0 : index
    tpu.barrier barrier_id(%barrier3A_139)
    "tpu.region"() ({
      %run_scoped3A = tpu.sem_alloc : memref<!tpu.dma_semaphore, #tpu.memory_space<semaphore_mem>>
      %dma_start3A_140 = arith.constant 0 : i32
      %dma_start3A_141 = tpu.memref_slice %arg6[%arg0, %mul3A_100, %dma_start3A_140] : memref<2x10240x64xf32, #tpu.memory_space<hbm>> -> memref<1x640x64xf32, #tpu.memory_space<hbm>>
      %dma_start3A_142 = tpu.memref_squeeze %dma_start3A_141 : memref<1x640x64xf32, #tpu.memory_space<hbm>> -> memref<640x64xf32, #tpu.memory_space<hbm>>
      %dma_start3A_143 = arith.constant 0 : i32
      %dma_start3A_144 = tpu.memref_slice %arg11[%mul3A_100, %dma_start3A_143] : memref<10240x64xf32, #tpu.memory_space<vmem_shared>> -> memref<640x64xf32, #tpu.memory_space<vmem_shared>>
      tpu.enqueue_dma source(%dma_start3A_144 : memref<640x64xf32, #tpu.memory_space<vmem_shared>>) target(%dma_start3A_142 : memref<640x64xf32, #tpu.memory_space<hbm>>) target_semaphore(%run_scoped3A : memref<!tpu.dma_semaphore, #tpu.memory_space<semaphore_mem>>)
      %dma_wait3A_145 = arith.constant 0 : i32
      %dma_wait3A_146 = tpu.memref_slice %arg6[%arg0, %mul3A_100, %dma_wait3A_145] : memref<2x10240x64xf32, #tpu.memory_space<hbm>> -> memref<1x640x64xf32, #tpu.memory_space<hbm>>
      %dma_wait3A_147 = tpu.memref_squeeze %dma_wait3A_146 : memref<1x640x64xf32, #tpu.memory_space<hbm>> -> memref<640x64xf32, #tpu.memory_space<hbm>>
      %dma_wait3A_148 = arith.constant 0 : i32
      %dma_wait3A_149 = tpu.memref_slice %arg11[%mul3A_100, %dma_wait3A_148] : memref<10240x64xf32, #tpu.memory_space<vmem_shared>> -> memref<640x64xf32, #tpu.memory_space<vmem_shared>>
      tpu.wait_dma2 semaphore(%run_scoped3A : memref<!tpu.dma_semaphore, #tpu.memory_space<semaphore_mem>>) src(%dma_wait3A_149 : memref<640x64xf32, #tpu.memory_space<vmem_shared>>) dst(%dma_wait3A_147 : memref<640x64xf32, #tpu.memory_space<hbm>>)
      tpu.yield
    }) : () -> ()
    return
  }
}

#map = affine_map<(d0, d1) -> (0, 0)>
#map1 = affine_map<(d0, d1) -> (0, 0, 0)>
module attributes {stable_mosaic.version = 14 : i64} {
  func.func @body(%arg0: i32, %arg1: i32, %arg2: memref<1x320000xi32, #tpu.memory_space<hbm>>, %arg3: memref<28x128xi32, #tpu.memory_space<hbm>>, %arg4: memref<640x16xf32, #tpu.memory_space<hbm>>, %arg5: memref<2x10240x16xf32, #tpu.memory_space<hbm>>, %arg6: memref<10112xi32, #tpu.memory_space<vmem>>, %arg7: memref<128x16xf32, #tpu.memory_space<vmem>>, %arg8: memref<10240x16xf32, #tpu.memory_space<vmem_shared>>, %arg9: memref<!tpu.dma_semaphore, #tpu.memory_space<semaphore_mem>>) attributes {dimension_semantics = [#tpu.dimension_semantics<core_parallel>, #tpu.dimension_semantics<subcore_parallel>], iteration_bounds = array<i64: 2, 16>, scalar_prefetch = 0 : i64, scratch_operands = 4 : i64, tpu.core_type = #tpu.core_type<sc_vector_subcore>, window_params = [{transform_indices = #map}, {transform_indices = #map}, {transform_indices = #map}, {transform_indices = #map1}]} {
    %mul3A = arith.constant 16 : i32
    %mul3A_0 = arith.muli %arg0, %mul3A : i32
    %add3A = arith.addi %mul3A_0, %arg1 : i32
    %mul3A_1 = arith.constant 79 : i32
    %mul3A_2 = arith.muli %add3A, %mul3A_1 : i32
    %scan3A = arith.constant 0 : i32
    %scan3A_3 = arith.constant 0 : i32
    %scan3A_4 = arith.constant 79 : i32
    %scan3A_5 = arith.addi %scan3A_3, %scan3A_4 : i32
    %scan3A_6 = arith.constant 1 : i32
    %scan3A_7 = scf.for %scan3A_33 = %scan3A_3 to %scan3A_5 step %scan3A_6 iter_args(%scan3A_34 = %scan3A) -> (i32)  : i32 {
      %add3A_35 = arith.addi %mul3A_2, %scan3A_33 : i32
      %lt3A = arith.constant 2500 : i32
      %lt3A_36 = arith.cmpi slt, %add3A_35, %lt3A : i32
      %convert_element_type3A = arith.extui %lt3A_36 : i1 to i32
      %cond3A = arith.constant 0 : i32
      %cond3A_37 = arith.cmpi ne, %convert_element_type3A, %cond3A : i32
      scf.if %cond3A_37 {
        %mul3A_43 = arith.constant 128 : i32
        %mul3A_44 = arith.muli %add3A_35, %mul3A_43 : i32
        %mul3A_45 = arith.constant 128 : i32
        %mul3A_46 = arith.muli %scan3A_33, %mul3A_45 : i32
        %dma_start3A = arith.constant 0 : i32
        %dma_start3A_47 = tpu.memref_slice %arg6[%mul3A_46] : memref<10112xi32, #tpu.memory_space<vmem>> -> memref<128xi32, #tpu.memory_space<vmem>>
        %dma_start3A_48 = tpu.memref_slice %arg2[%dma_start3A, %mul3A_44] : memref<1x320000xi32, #tpu.memory_space<hbm>> -> memref<1x128xi32, #tpu.memory_space<hbm>>
        %dma_start3A_49 = tpu.memref_squeeze %dma_start3A_48 : memref<1x128xi32, #tpu.memory_space<hbm>> -> memref<128xi32, #tpu.memory_space<hbm>>
        %dma_start3A_50 = tpu.memref_slice %arg6[%mul3A_46] : memref<10112xi32, #tpu.memory_space<vmem>> -> memref<128xi32, #tpu.memory_space<vmem>>
        %dma_start3A_51 = tpu.memref_slice %arg2[%dma_start3A, %mul3A_44] : memref<1x320000xi32, #tpu.memory_space<hbm>> -> memref<1x128xi32, #tpu.memory_space<hbm>>
        %dma_start3A_52 = tpu.memref_squeeze %dma_start3A_51 : memref<1x128xi32, #tpu.memory_space<hbm>> -> memref<128xi32, #tpu.memory_space<hbm>>
        tpu.enqueue_dma source(%dma_start3A_52 : memref<128xi32, #tpu.memory_space<hbm>>) target(%dma_start3A_50 : memref<128xi32, #tpu.memory_space<vmem>>) target_semaphore(%arg9 : memref<!tpu.dma_semaphore, #tpu.memory_space<semaphore_mem>>)
      } else {
      }
      %ge3A = arith.constant 2500 : i32
      %ge3A_38 = arith.cmpi sge, %add3A_35, %ge3A : i32
      %convert_element_type3A_39 = arith.extui %ge3A_38 : i1 to i32
      %cond3A_40 = arith.constant 0 : i32
      %cond3A_41 = arith.cmpi ne, %convert_element_type3A_39, %cond3A_40 : i32
      scf.if %cond3A_41 {
        %sub3A = arith.constant 2500 : i32
        %sub3A_43 = arith.subi %add3A_35, %sub3A : i32
        %mul3A_44 = arith.constant 128 : i32
        %mul3A_45 = arith.muli %scan3A_33, %mul3A_44 : i32
        %dma_start3A = tpu.memref_slice %arg6[%mul3A_45] : memref<10112xi32, #tpu.memory_space<vmem>> -> memref<128xi32, #tpu.memory_space<vmem>>
        %dma_start3A_46 = arith.constant 0 : i32
        %dma_start3A_47 = tpu.memref_slice %arg3[%sub3A_43, %dma_start3A_46] : memref<28x128xi32, #tpu.memory_space<hbm>> -> memref<1x128xi32, #tpu.memory_space<hbm>>
        %dma_start3A_48 = tpu.memref_squeeze %dma_start3A_47 : memref<1x128xi32, #tpu.memory_space<hbm>> -> memref<128xi32, #tpu.memory_space<hbm>>
        %dma_start3A_49 = tpu.memref_slice %arg6[%mul3A_45] : memref<10112xi32, #tpu.memory_space<vmem>> -> memref<128xi32, #tpu.memory_space<vmem>>
        %dma_start3A_50 = arith.constant 0 : i32
        %dma_start3A_51 = tpu.memref_slice %arg3[%sub3A_43, %dma_start3A_50] : memref<28x128xi32, #tpu.memory_space<hbm>> -> memref<1x128xi32, #tpu.memory_space<hbm>>
        %dma_start3A_52 = tpu.memref_squeeze %dma_start3A_51 : memref<1x128xi32, #tpu.memory_space<hbm>> -> memref<128xi32, #tpu.memory_space<hbm>>
        tpu.enqueue_dma source(%dma_start3A_52 : memref<128xi32, #tpu.memory_space<hbm>>) target(%dma_start3A_49 : memref<128xi32, #tpu.memory_space<vmem>>) target_semaphore(%arg9 : memref<!tpu.dma_semaphore, #tpu.memory_space<semaphore_mem>>)
      } else {
      }
      %scan3A_42 = arith.constant 0 : i32
      scf.yield %scan3A_42 : i32
    }
    %scan3A_8 = arith.constant 79 : i32
    %scan3A_9 = arith.constant 0 : i32
    %scan3A_10 = arith.constant 0 : i32
    %scan3A_11 = arith.constant 79 : i32
    %scan3A_12 = arith.addi %scan3A_10, %scan3A_11 : i32
    %scan3A_13 = arith.constant 1 : i32
    %scan3A_14 = scf.for %scan3A_33 = %scan3A_10 to %scan3A_12 step %scan3A_13 iter_args(%scan3A_34 = %scan3A_9) -> (i32)  : i32 {
      %dma_wait3A = arith.constant 0 : i32
      %dma_wait3A_35 = arith.constant 0 : i32
      %dma_wait3A_36 = tpu.memref_slice %arg6[%dma_wait3A_35] : memref<10112xi32, #tpu.memory_space<vmem>> -> memref<128xi32, #tpu.memory_space<vmem>>
      %dma_wait3A_37 = arith.constant 0 : i32
      %dma_wait3A_38 = tpu.memref_slice %arg2[%dma_wait3A, %dma_wait3A_37] : memref<1x320000xi32, #tpu.memory_space<hbm>> -> memref<1x128xi32, #tpu.memory_space<hbm>>
      %dma_wait3A_39 = tpu.memref_squeeze %dma_wait3A_38 : memref<1x128xi32, #tpu.memory_space<hbm>> -> memref<128xi32, #tpu.memory_space<hbm>>
      %dma_wait3A_40 = arith.constant 0 : i32
      %dma_wait3A_41 = tpu.memref_slice %arg6[%dma_wait3A_40] : memref<10112xi32, #tpu.memory_space<vmem>> -> memref<128xi32, #tpu.memory_space<vmem>>
      %dma_wait3A_42 = arith.constant 0 : i32
      %dma_wait3A_43 = tpu.memref_slice %arg2[%dma_wait3A, %dma_wait3A_42] : memref<1x320000xi32, #tpu.memory_space<hbm>> -> memref<1x128xi32, #tpu.memory_space<hbm>>
      %dma_wait3A_44 = tpu.memref_squeeze %dma_wait3A_43 : memref<1x128xi32, #tpu.memory_space<hbm>> -> memref<128xi32, #tpu.memory_space<hbm>>
      tpu.wait_dma2 semaphore(%arg9 : memref<!tpu.dma_semaphore, #tpu.memory_space<semaphore_mem>>) src(%dma_wait3A_44 : memref<128xi32, #tpu.memory_space<hbm>>) dst(%dma_wait3A_41 : memref<128xi32, #tpu.memory_space<vmem>>)
      %scan3A_45 = arith.constant 0 : i32
      scf.yield %scan3A_45 : i32
    }
    %scan3A_15 = arith.constant 79 : i32
    %scan3A_16 = arith.constant 0 : i32
    %scan3A_17 = arith.constant 0 : i32
    %scan3A_18 = arith.constant 128 : i32
    %scan3A_19 = arith.addi %scan3A_17, %scan3A_18 : i32
    %scan3A_20 = arith.constant 1 : i32
    %scan3A_21 = scf.for %scan3A_33 = %scan3A_17 to %scan3A_19 step %scan3A_20 iter_args(%scan3A_34 = %scan3A_16) -> (i32)  : i32 {
      %broadcast_in_dim3A = arith.constant 1.000000e+00 : f32
      %broadcast_in_dim3A_35 = vector.broadcast %broadcast_in_dim3A : f32 to vector<16xf32>
      %swap3A = arith.index_cast %scan3A_33 : i32 to index
      %swap3A_36 = arith.constant 0 : index
      %swap3A_37 = tpu.vector_load %arg7[%swap3A, %swap3A_36] {strides = array<i32>} : memref<128x16xf32, #tpu.memory_space<vmem>>, vector<1x16xf32>,
      %swap3A_38 = vector.shape_cast %swap3A_37 : vector<1x16xf32> to vector<16xf32>
      %swap3A_39 = vector.shape_cast %broadcast_in_dim3A_35 : vector<16xf32> to vector<1x16xf32>
      tpu.vector_store %arg7[%swap3A, %swap3A_36], %swap3A_39 {strides = array<i32>} : memref<128x16xf32, #tpu.memory_space<vmem>>, vector<1x16xf32>,
      %scan3A_40 = arith.constant 0 : i32
      scf.yield %scan3A_40 : i32
    }
    %scan3A_22 = arith.constant 128 : i32
    %mul3A_23 = arith.constant 640 : i32
    %mul3A_24 = arith.muli %arg1, %mul3A_23 : i32
    "tpu.region"() ({
      %run_scoped3A = tpu.sem_alloc : memref<!tpu.dma_semaphore, #tpu.memory_space<semaphore_mem>>
      %dma_start3A = arith.constant 0 : i32
      %dma_start3A_33 = tpu.memref_slice %arg8[%mul3A_24, %dma_start3A] : memref<10240x16xf32, #tpu.memory_space<vmem_shared>> -> memref<640x16xf32, #tpu.memory_space<vmem_shared>>
      tpu.enqueue_dma source(%arg4 : memref<640x16xf32, #tpu.memory_space<hbm>>) target(%dma_start3A_33 : memref<640x16xf32, #tpu.memory_space<vmem_shared>>) target_semaphore(%run_scoped3A : memref<!tpu.dma_semaphore, #tpu.memory_space<semaphore_mem>>)
      %dma_wait3A = arith.constant 0 : i32
      %dma_wait3A_34 = tpu.memref_slice %arg8[%mul3A_24, %dma_wait3A] : memref<10240x16xf32, #tpu.memory_space<vmem_shared>> -> memref<640x16xf32, #tpu.memory_space<vmem_shared>>
      tpu.wait_dma2 semaphore(%run_scoped3A : memref<!tpu.dma_semaphore, #tpu.memory_space<semaphore_mem>>) src(%arg4 : memref<640x16xf32, #tpu.memory_space<hbm>>) dst(%dma_wait3A_34 : memref<640x16xf32, #tpu.memory_space<vmem_shared>>)
      tpu.yield
    }) : () -> ()
    %barrier3A = arith.constant 0 : index
    tpu.barrier barrier_id(%barrier3A)
    %scan3A_25 = arith.constant 0 : i32
    %scan3A_26 = arith.constant 0 : i32
    %scan3A_27 = arith.constant 79 : i32
    %scan3A_28 = arith.addi %scan3A_26, %scan3A_27 : i32
    %scan3A_29 = arith.constant 1 : i32
    %scan3A_30 = scf.for %scan3A_33 = %scan3A_26 to %scan3A_28 step %scan3A_29 iter_args(%scan3A_34 = %scan3A_25) -> (i32)  : i32 {
      %mul3A_35 = arith.constant 128 : i32
      %mul3A_36 = arith.muli %scan3A_33, %mul3A_35 : i32
      "tpu.region"() ({
        %run_scoped3A = tpu.sem_alloc : memref<!tpu.dma_semaphore, #tpu.memory_space<semaphore_mem>>
        %dma_start3A = tpu.memref_slice %arg6[%mul3A_36] : memref<10112xi32, #tpu.memory_space<vmem>> -> memref<128xi32, #tpu.memory_space<vmem>>
        %dma_start3A_38 = arith.constant 0 : i32
        %dma_start3A_39 = arith.constant 0 : i32
        %dma_start3A_40 = tpu.memref_slice %arg8[%dma_start3A_38, %dma_start3A_39] : memref<10240x16xf32, #tpu.memory_space<vmem_shared>> -> memref<10240x16xf32, #tpu.memory_space<vmem_shared>>
        tpu.enqueue_indirect_dma source(%arg7 : memref<128x16xf32, #tpu.memory_space<vmem>>) target(%dma_start3A_40 : memref<10240x16xf32, #tpu.memory_space<vmem_shared>>) offsets(%dma_start3A : memref<128xi32, #tpu.memory_space<vmem>>) semaphore(%run_scoped3A : memref<!tpu.dma_semaphore, #tpu.memory_space<semaphore_mem>>) {add = true}
        %dma_wait3A = tpu.memref_slice %arg6[%mul3A_36] : memref<10112xi32, #tpu.memory_space<vmem>> -> memref<128xi32, #tpu.memory_space<vmem>>
        %dma_wait3A_41 = arith.constant 0 : i32
        %dma_wait3A_42 = arith.constant 0 : i32
        %dma_wait3A_43 = tpu.memref_slice %arg8[%dma_wait3A_41, %dma_wait3A_42] : memref<10240x16xf32, #tpu.memory_space<vmem_shared>> -> memref<10240x16xf32, #tpu.memory_space<vmem_shared>>
        tpu.wait_indirect_dma semaphore(%run_scoped3A : memref<!tpu.dma_semaphore, #tpu.memory_space<semaphore_mem>>) src(%arg7 : memref<128x16xf32, #tpu.memory_space<vmem>>) dst(%dma_wait3A_43 : memref<10240x16xf32, #tpu.memory_space<vmem_shared>>)
        tpu.yield
      }) : () -> ()
      %scan3A_37 = arith.constant 0 : i32
      scf.yield %scan3A_37 : i32
    }
    %scan3A_31 = arith.constant 79 : i32
    %barrier3A_32 = arith.constant 0 : index
    tpu.barrier barrier_id(%barrier3A_32)
    "tpu.region"() ({
      %run_scoped3A = tpu.sem_alloc : memref<!tpu.dma_semaphore, #tpu.memory_space<semaphore_mem>>
      %dma_start3A = arith.constant 0 : i32
      %dma_start3A_33 = tpu.memref_slice %arg5[%arg0, %mul3A_24, %dma_start3A] : memref<2x10240x16xf32, #tpu.memory_space<hbm>> -> memref<1x640x16xf32, #tpu.memory_space<hbm>>
      %dma_start3A_34 = tpu.memref_squeeze %dma_start3A_33 : memref<1x640x16xf32, #tpu.memory_space<hbm>> -> memref<640x16xf32, #tpu.memory_space<hbm>>
      %dma_start3A_35 = arith.constant 0 : i32
      %dma_start3A_36 = tpu.memref_slice %arg8[%mul3A_24, %dma_start3A_35] : memref<10240x16xf32, #tpu.memory_space<vmem_shared>> -> memref<640x16xf32, #tpu.memory_space<vmem_shared>>
      tpu.enqueue_dma source(%dma_start3A_36 : memref<640x16xf32, #tpu.memory_space<vmem_shared>>) target(%dma_start3A_34 : memref<640x16xf32, #tpu.memory_space<hbm>>) target_semaphore(%run_scoped3A : memref<!tpu.dma_semaphore, #tpu.memory_space<semaphore_mem>>)
      %dma_wait3A = arith.constant 0 : i32
      %dma_wait3A_37 = tpu.memref_slice %arg5[%arg0, %mul3A_24, %dma_wait3A] : memref<2x10240x16xf32, #tpu.memory_space<hbm>> -> memref<1x640x16xf32, #tpu.memory_space<hbm>>
      %dma_wait3A_38 = tpu.memref_squeeze %dma_wait3A_37 : memref<1x640x16xf32, #tpu.memory_space<hbm>> -> memref<640x16xf32, #tpu.memory_space<hbm>>
      %dma_wait3A_39 = arith.constant 0 : i32
      %dma_wait3A_40 = tpu.memref_slice %arg8[%mul3A_24, %dma_wait3A_39] : memref<10240x16xf32, #tpu.memory_space<vmem_shared>> -> memref<640x16xf32, #tpu.memory_space<vmem_shared>>
      tpu.wait_dma2 semaphore(%run_scoped3A : memref<!tpu.dma_semaphore, #tpu.memory_space<semaphore_mem>>) src(%dma_wait3A_40 : memref<640x16xf32, #tpu.memory_space<vmem_shared>>) dst(%dma_wait3A_38 : memref<640x16xf32, #tpu.memory_space<hbm>>)
      tpu.yield
    }) : () -> ()
    return
  }
}

#map = affine_map<(d0, d1) -> (0, 0)>
#map1 = affine_map<(d0, d1) -> (0, 0, 0)>
module attributes {stable_mosaic.version = 14 : i64} {
  func.func @body(%arg0: i32, %arg1: i32, %arg2: memref<10240x128xf32, #tpu.memory_space<hbm>>, %arg3: memref<1x320000xi32, #tpu.memory_space<hbm>>, %arg4: memref<1x320000xi32, #tpu.memory_space<hbm>>, %arg5: memref<28x128xi32, #tpu.memory_space<hbm>>, %arg6: memref<2x10240x128xf32, #tpu.memory_space<hbm>>, %arg7: memref<6x128xi32, #tpu.memory_space<vmem>>, %arg8: memref<6x128xi32, #tpu.memory_space<vmem>>, %arg9: memref<128x128xf32, #tpu.memory_space<vmem>>, %arg10: memref<128x128xf32, #tpu.memory_space<vmem>>, %arg11: memref<10240x128xf32, #tpu.memory_space<vmem_shared>>, %arg12: memref<!tpu.dma_semaphore, #tpu.memory_space<semaphore_mem>>, %arg13: memref<!tpu.dma_semaphore, #tpu.memory_space<semaphore_mem>>, %arg14: memref<!tpu.dma_semaphore, #tpu.memory_space<semaphore_mem>>, %arg15: memref<!tpu.dma_semaphore, #tpu.memory_space<semaphore_mem>>) attributes {dimension_semantics = [#tpu.dimension_semantics<core_parallel>, #tpu.dimension_semantics<subcore_parallel>], iteration_bounds = array<i64: 2, 16>, scalar_prefetch = 0 : i64, scratch_operands = 9 : i64, tpu.core_type = #tpu.core_type<sc_vector_subcore>, window_params = [{transform_indices = #map}, {transform_indices = #map}, {transform_indices = #map}, {transform_indices = #map}, {transform_indices = #map1}]} {
    %mul3A = arith.constant 16 : i32
    %mul3A_0 = arith.muli %arg0, %mul3A : i32
    %add3A = arith.addi %mul3A_0, %arg1 : i32
    %mul3A_1 = arith.constant 79 : i32
    %mul3A_2 = arith.muli %add3A, %mul3A_1 : i32
    %add3A_3 = arith.constant 0 : i32
    %add3A_4 = arith.addi %mul3A_2, %add3A_3 : i32
    %lt3A = arith.constant 2500 : i32
    %lt3A_5 = arith.cmpi slt, %add3A_4, %lt3A : i32
    %convert_element_type3A = arith.extui %lt3A_5 : i1 to i32
    %cond3A = arith.constant 0 : i32
    %cond3A_6 = arith.cmpi ne, %convert_element_type3A, %cond3A : i32
    scf.if %cond3A_6 {
      %mul3A_140 = arith.constant 128 : i32
      %mul3A_141 = arith.muli %add3A_4, %mul3A_140 : i32
      %dma_start3A_142 = arith.constant 0 : i32
      %dma_start3A_143 = arith.constant 0 : i32
      %dma_start3A_144 = arith.constant 0 : i32
      %dma_start3A_145 = tpu.memref_slice %arg7[%dma_start3A_143, %dma_start3A_144] : memref<6x128xi32, #tpu.memory_space<vmem>> -> memref<1x128xi32, #tpu.memory_space<vmem>>
      %dma_start3A_146 = tpu.memref_squeeze %dma_start3A_145 : memref<1x128xi32, #tpu.memory_space<vmem>> -> memref<128xi32, #tpu.memory_space<vmem>>
      %dma_start3A_147 = tpu.memref_slice %arg3[%dma_start3A_142, %mul3A_141] : memref<1x320000xi32, #tpu.memory_space<hbm>> -> memref<1x128xi32, #tpu.memory_space<hbm>>
      %dma_start3A_148 = tpu.memref_squeeze %dma_start3A_147 : memref<1x128xi32, #tpu.memory_space<hbm>> -> memref<128xi32, #tpu.memory_space<hbm>>
      %dma_start3A_149 = arith.constant 0 : i32
      %dma_start3A_150 = tpu.memref_slice %arg7[%dma_start3A_143, %dma_start3A_149] : memref<6x128xi32, #tpu.memory_space<vmem>> -> memref<1x128xi32, #tpu.memory_space<vmem>>
      %dma_start3A_151 = tpu.memref_squeeze %dma_start3A_150 : memref<1x128xi32, #tpu.memory_space<vmem>> -> memref<128xi32, #tpu.memory_space<vmem>>
      %dma_start3A_152 = tpu.memref_slice %arg3[%dma_start3A_142, %mul3A_141] : memref<1x320000xi32, #tpu.memory_space<hbm>> -> memref<1x128xi32, #tpu.memory_space<hbm>>
      %dma_start3A_153 = tpu.memref_squeeze %dma_start3A_152 : memref<1x128xi32, #tpu.memory_space<hbm>> -> memref<128xi32, #tpu.memory_space<hbm>>
      tpu.enqueue_dma source(%dma_start3A_153 : memref<128xi32, #tpu.memory_space<hbm>>) target(%dma_start3A_151 : memref<128xi32, #tpu.memory_space<vmem>>) target_semaphore(%arg12 : memref<!tpu.dma_semaphore, #tpu.memory_space<semaphore_mem>>)
      %mul3A_154 = arith.constant 128 : i32
      %mul3A_155 = arith.muli %add3A_4, %mul3A_154 : i32
      %dma_start3A_156 = arith.constant 0 : i32
      %dma_start3A_157 = arith.constant 0 : i32
      %dma_start3A_158 = arith.constant 0 : i32
      %dma_start3A_159 = tpu.memref_slice %arg8[%dma_start3A_157, %dma_start3A_158] : memref<6x128xi32, #tpu.memory_space<vmem>> -> memref<1x128xi32, #tpu.memory_space<vmem>>
      %dma_start3A_160 = tpu.memref_squeeze %dma_start3A_159 : memref<1x128xi32, #tpu.memory_space<vmem>> -> memref<128xi32, #tpu.memory_space<vmem>>
      %dma_start3A_161 = tpu.memref_slice %arg4[%dma_start3A_156, %mul3A_155] : memref<1x320000xi32, #tpu.memory_space<hbm>> -> memref<1x128xi32, #tpu.memory_space<hbm>>
      %dma_start3A_162 = tpu.memref_squeeze %dma_start3A_161 : memref<1x128xi32, #tpu.memory_space<hbm>> -> memref<128xi32, #tpu.memory_space<hbm>>
      %dma_start3A_163 = arith.constant 0 : i32
      %dma_start3A_164 = tpu.memref_slice %arg8[%dma_start3A_157, %dma_start3A_163] : memref<6x128xi32, #tpu.memory_space<vmem>> -> memref<1x128xi32, #tpu.memory_space<vmem>>
      %dma_start3A_165 = tpu.memref_squeeze %dma_start3A_164 : memref<1x128xi32, #tpu.memory_space<vmem>> -> memref<128xi32, #tpu.memory_space<vmem>>
      %dma_start3A_166 = tpu.memref_slice %arg4[%dma_start3A_156, %mul3A_155] : memref<1x320000xi32, #tpu.memory_space<hbm>> -> memref<1x128xi32, #tpu.memory_space<hbm>>
      %dma_start3A_167 = tpu.memref_squeeze %dma_start3A_166 : memref<1x128xi32, #tpu.memory_space<hbm>> -> memref<128xi32, #tpu.memory_space<hbm>>
      tpu.enqueue_dma source(%dma_start3A_167 : memref<128xi32, #tpu.memory_space<hbm>>) target(%dma_start3A_165 : memref<128xi32, #tpu.memory_space<vmem>>) target_semaphore(%arg13 : memref<!tpu.dma_semaphore, #tpu.memory_space<semaphore_mem>>)
    } else {
    }
    %ge3A = arith.constant 2500 : i32
    %ge3A_7 = arith.cmpi sge, %add3A_4, %ge3A : i32
    %convert_element_type3A_8 = arith.extui %ge3A_7 : i1 to i32
    %cond3A_9 = arith.constant 0 : i32
    %cond3A_10 = arith.cmpi ne, %convert_element_type3A_8, %cond3A_9 : i32
    scf.if %cond3A_10 {
      %sub3A = arith.constant 2500 : i32
      %sub3A_140 = arith.subi %add3A_4, %sub3A : i32
      %dma_start3A_141 = arith.constant 0 : i32
      %dma_start3A_142 = arith.constant 0 : i32
      %dma_start3A_143 = tpu.memref_slice %arg7[%dma_start3A_141, %dma_start3A_142] : memref<6x128xi32, #tpu.memory_space<vmem>> -> memref<1x128xi32, #tpu.memory_space<vmem>>
      %dma_start3A_144 = tpu.memref_squeeze %dma_start3A_143 : memref<1x128xi32, #tpu.memory_space<vmem>> -> memref<128xi32, #tpu.memory_space<vmem>>
      %dma_start3A_145 = arith.constant 0 : i32
      %dma_start3A_146 = tpu.memref_slice %arg5[%sub3A_140, %dma_start3A_145] : memref<28x128xi32, #tpu.memory_space<hbm>> -> memref<1x128xi32, #tpu.memory_space<hbm>>
      %dma_start3A_147 = tpu.memref_squeeze %dma_start3A_146 : memref<1x128xi32, #tpu.memory_space<hbm>> -> memref<128xi32, #tpu.memory_space<hbm>>
      %dma_start3A_148 = arith.constant 0 : i32
      %dma_start3A_149 = tpu.memref_slice %arg7[%dma_start3A_141, %dma_start3A_148] : memref<6x128xi32, #tpu.memory_space<vmem>> -> memref<1x128xi32, #tpu.memory_space<vmem>>
      %dma_start3A_150 = tpu.memref_squeeze %dma_start3A_149 : memref<1x128xi32, #tpu.memory_space<vmem>> -> memref<128xi32, #tpu.memory_space<vmem>>
      %dma_start3A_151 = arith.constant 0 : i32
      %dma_start3A_152 = tpu.memref_slice %arg5[%sub3A_140, %dma_start3A_151] : memref<28x128xi32, #tpu.memory_space<hbm>> -> memref<1x128xi32, #tpu.memory_space<hbm>>
      %dma_start3A_153 = tpu.memref_squeeze %dma_start3A_152 : memref<1x128xi32, #tpu.memory_space<hbm>> -> memref<128xi32, #tpu.memory_space<hbm>>
      tpu.enqueue_dma source(%dma_start3A_153 : memref<128xi32, #tpu.memory_space<hbm>>) target(%dma_start3A_150 : memref<128xi32, #tpu.memory_space<vmem>>) target_semaphore(%arg12 : memref<!tpu.dma_semaphore, #tpu.memory_space<semaphore_mem>>)
      %sub3A_154 = arith.constant 2500 : i32
      %sub3A_155 = arith.subi %add3A_4, %sub3A_154 : i32
      %dma_start3A_156 = arith.constant 0 : i32
      %dma_start3A_157 = arith.constant 0 : i32
      %dma_start3A_158 = tpu.memref_slice %arg8[%dma_start3A_156, %dma_start3A_157] : memref<6x128xi32, #tpu.memory_space<vmem>> -> memref<1x128xi32, #tpu.memory_space<vmem>>
      %dma_start3A_159 = tpu.memref_squeeze %dma_start3A_158 : memref<1x128xi32, #tpu.memory_space<vmem>> -> memref<128xi32, #tpu.memory_space<vmem>>
      %dma_start3A_160 = arith.constant 0 : i32
      %dma_start3A_161 = tpu.memref_slice %arg5[%sub3A_155, %dma_start3A_160] : memref<28x128xi32, #tpu.memory_space<hbm>> -> memref<1x128xi32, #tpu.memory_space<hbm>>
      %dma_start3A_162 = tpu.memref_squeeze %dma_start3A_161 : memref<1x128xi32, #tpu.memory_space<hbm>> -> memref<128xi32, #tpu.memory_space<hbm>>
      %dma_start3A_163 = arith.constant 0 : i32
      %dma_start3A_164 = tpu.memref_slice %arg8[%dma_start3A_156, %dma_start3A_163] : memref<6x128xi32, #tpu.memory_space<vmem>> -> memref<1x128xi32, #tpu.memory_space<vmem>>
      %dma_start3A_165 = tpu.memref_squeeze %dma_start3A_164 : memref<1x128xi32, #tpu.memory_space<vmem>> -> memref<128xi32, #tpu.memory_space<vmem>>
      %dma_start3A_166 = arith.constant 0 : i32
      %dma_start3A_167 = tpu.memref_slice %arg5[%sub3A_155, %dma_start3A_166] : memref<28x128xi32, #tpu.memory_space<hbm>> -> memref<1x128xi32, #tpu.memory_space<hbm>>
      %dma_start3A_168 = tpu.memref_squeeze %dma_start3A_167 : memref<1x128xi32, #tpu.memory_space<hbm>> -> memref<128xi32, #tpu.memory_space<hbm>>
      tpu.enqueue_dma source(%dma_start3A_168 : memref<128xi32, #tpu.memory_space<hbm>>) target(%dma_start3A_165 : memref<128xi32, #tpu.memory_space<vmem>>) target_semaphore(%arg13 : memref<!tpu.dma_semaphore, #tpu.memory_space<semaphore_mem>>)
    } else {
    }
    %add3A_11 = arith.constant 1 : i32
    %add3A_12 = arith.addi %mul3A_2, %add3A_11 : i32
    %lt3A_13 = arith.constant 2500 : i32
    %lt3A_14 = arith.cmpi slt, %add3A_12, %lt3A_13 : i32
    %convert_element_type3A_15 = arith.extui %lt3A_14 : i1 to i32
    %cond3A_16 = arith.constant 0 : i32
    %cond3A_17 = arith.cmpi ne, %convert_element_type3A_15, %cond3A_16 : i32
    scf.if %cond3A_17 {
      %mul3A_140 = arith.constant 128 : i32
      %mul3A_141 = arith.muli %add3A_12, %mul3A_140 : i32
      %dma_start3A_142 = arith.constant 0 : i32
      %dma_start3A_143 = arith.constant 1 : i32
      %dma_start3A_144 = arith.constant 0 : i32
      %dma_start3A_145 = tpu.memref_slice %arg7[%dma_start3A_143, %dma_start3A_144] : memref<6x128xi32, #tpu.memory_space<vmem>> -> memref<1x128xi32, #tpu.memory_space<vmem>>
      %dma_start3A_146 = tpu.memref_squeeze %dma_start3A_145 : memref<1x128xi32, #tpu.memory_space<vmem>> -> memref<128xi32, #tpu.memory_space<vmem>>
      %dma_start3A_147 = tpu.memref_slice %arg3[%dma_start3A_142, %mul3A_141] : memref<1x320000xi32, #tpu.memory_space<hbm>> -> memref<1x128xi32, #tpu.memory_space<hbm>>
      %dma_start3A_148 = tpu.memref_squeeze %dma_start3A_147 : memref<1x128xi32, #tpu.memory_space<hbm>> -> memref<128xi32, #tpu.memory_space<hbm>>
      %dma_start3A_149 = arith.constant 0 : i32
      %dma_start3A_150 = tpu.memref_slice %arg7[%dma_start3A_143, %dma_start3A_149] : memref<6x128xi32, #tpu.memory_space<vmem>> -> memref<1x128xi32, #tpu.memory_space<vmem>>
      %dma_start3A_151 = tpu.memref_squeeze %dma_start3A_150 : memref<1x128xi32, #tpu.memory_space<vmem>> -> memref<128xi32, #tpu.memory_space<vmem>>
      %dma_start3A_152 = tpu.memref_slice %arg3[%dma_start3A_142, %mul3A_141] : memref<1x320000xi32, #tpu.memory_space<hbm>> -> memref<1x128xi32, #tpu.memory_space<hbm>>
      %dma_start3A_153 = tpu.memref_squeeze %dma_start3A_152 : memref<1x128xi32, #tpu.memory_space<hbm>> -> memref<128xi32, #tpu.memory_space<hbm>>
      tpu.enqueue_dma source(%dma_start3A_153 : memref<128xi32, #tpu.memory_space<hbm>>) target(%dma_start3A_151 : memref<128xi32, #tpu.memory_space<vmem>>) target_semaphore(%arg12 : memref<!tpu.dma_semaphore, #tpu.memory_space<semaphore_mem>>)
      %mul3A_154 = arith.constant 128 : i32
      %mul3A_155 = arith.muli %add3A_12, %mul3A_154 : i32
      %dma_start3A_156 = arith.constant 0 : i32
      %dma_start3A_157 = arith.constant 1 : i32
      %dma_start3A_158 = arith.constant 0 : i32
      %dma_start3A_159 = tpu.memref_slice %arg8[%dma_start3A_157, %dma_start3A_158] : memref<6x128xi32, #tpu.memory_space<vmem>> -> memref<1x128xi32, #tpu.memory_space<vmem>>
      %dma_start3A_160 = tpu.memref_squeeze %dma_start3A_159 : memref<1x128xi32, #tpu.memory_space<vmem>> -> memref<128xi32, #tpu.memory_space<vmem>>
      %dma_start3A_161 = tpu.memref_slice %arg4[%dma_start3A_156, %mul3A_155] : memref<1x320000xi32, #tpu.memory_space<hbm>> -> memref<1x128xi32, #tpu.memory_space<hbm>>
      %dma_start3A_162 = tpu.memref_squeeze %dma_start3A_161 : memref<1x128xi32, #tpu.memory_space<hbm>> -> memref<128xi32, #tpu.memory_space<hbm>>
      %dma_start3A_163 = arith.constant 0 : i32
      %dma_start3A_164 = tpu.memref_slice %arg8[%dma_start3A_157, %dma_start3A_163] : memref<6x128xi32, #tpu.memory_space<vmem>> -> memref<1x128xi32, #tpu.memory_space<vmem>>
      %dma_start3A_165 = tpu.memref_squeeze %dma_start3A_164 : memref<1x128xi32, #tpu.memory_space<vmem>> -> memref<128xi32, #tpu.memory_space<vmem>>
      %dma_start3A_166 = tpu.memref_slice %arg4[%dma_start3A_156, %mul3A_155] : memref<1x320000xi32, #tpu.memory_space<hbm>> -> memref<1x128xi32, #tpu.memory_space<hbm>>
      %dma_start3A_167 = tpu.memref_squeeze %dma_start3A_166 : memref<1x128xi32, #tpu.memory_space<hbm>> -> memref<128xi32, #tpu.memory_space<hbm>>
      tpu.enqueue_dma source(%dma_start3A_167 : memref<128xi32, #tpu.memory_space<hbm>>) target(%dma_start3A_165 : memref<128xi32, #tpu.memory_space<vmem>>) target_semaphore(%arg13 : memref<!tpu.dma_semaphore, #tpu.memory_space<semaphore_mem>>)
    } else {
    }
    %ge3A_18 = arith.constant 2500 : i32
    %ge3A_19 = arith.cmpi sge, %add3A_12, %ge3A_18 : i32
    %convert_element_type3A_20 = arith.extui %ge3A_19 : i1 to i32
    %cond3A_21 = arith.constant 0 : i32
    %cond3A_22 = arith.cmpi ne, %convert_element_type3A_20, %cond3A_21 : i32
    scf.if %cond3A_22 {
      %sub3A = arith.constant 2500 : i32
      %sub3A_140 = arith.subi %add3A_12, %sub3A : i32
      %dma_start3A_141 = arith.constant 1 : i32
      %dma_start3A_142 = arith.constant 0 : i32
      %dma_start3A_143 = tpu.memref_slice %arg7[%dma_start3A_141, %dma_start3A_142] : memref<6x128xi32, #tpu.memory_space<vmem>> -> memref<1x128xi32, #tpu.memory_space<vmem>>
      %dma_start3A_144 = tpu.memref_squeeze %dma_start3A_143 : memref<1x128xi32, #tpu.memory_space<vmem>> -> memref<128xi32, #tpu.memory_space<vmem>>
      %dma_start3A_145 = arith.constant 0 : i32
      %dma_start3A_146 = tpu.memref_slice %arg5[%sub3A_140, %dma_start3A_145] : memref<28x128xi32, #tpu.memory_space<hbm>> -> memref<1x128xi32, #tpu.memory_space<hbm>>
      %dma_start3A_147 = tpu.memref_squeeze %dma_start3A_146 : memref<1x128xi32, #tpu.memory_space<hbm>> -> memref<128xi32, #tpu.memory_space<hbm>>
      %dma_start3A_148 = arith.constant 0 : i32
      %dma_start3A_149 = tpu.memref_slice %arg7[%dma_start3A_141, %dma_start3A_148] : memref<6x128xi32, #tpu.memory_space<vmem>> -> memref<1x128xi32, #tpu.memory_space<vmem>>
      %dma_start3A_150 = tpu.memref_squeeze %dma_start3A_149 : memref<1x128xi32, #tpu.memory_space<vmem>> -> memref<128xi32, #tpu.memory_space<vmem>>
      %dma_start3A_151 = arith.constant 0 : i32
      %dma_start3A_152 = tpu.memref_slice %arg5[%sub3A_140, %dma_start3A_151] : memref<28x128xi32, #tpu.memory_space<hbm>> -> memref<1x128xi32, #tpu.memory_space<hbm>>
      %dma_start3A_153 = tpu.memref_squeeze %dma_start3A_152 : memref<1x128xi32, #tpu.memory_space<hbm>> -> memref<128xi32, #tpu.memory_space<hbm>>
      tpu.enqueue_dma source(%dma_start3A_153 : memref<128xi32, #tpu.memory_space<hbm>>) target(%dma_start3A_150 : memref<128xi32, #tpu.memory_space<vmem>>) target_semaphore(%arg12 : memref<!tpu.dma_semaphore, #tpu.memory_space<semaphore_mem>>)
      %sub3A_154 = arith.constant 2500 : i32
      %sub3A_155 = arith.subi %add3A_12, %sub3A_154 : i32
      %dma_start3A_156 = arith.constant 1 : i32
      %dma_start3A_157 = arith.constant 0 : i32
      %dma_start3A_158 = tpu.memref_slice %arg8[%dma_start3A_156, %dma_start3A_157] : memref<6x128xi32, #tpu.memory_space<vmem>> -> memref<1x128xi32, #tpu.memory_space<vmem>>
      %dma_start3A_159 = tpu.memref_squeeze %dma_start3A_158 : memref<1x128xi32, #tpu.memory_space<vmem>> -> memref<128xi32, #tpu.memory_space<vmem>>
      %dma_start3A_160 = arith.constant 0 : i32
      %dma_start3A_161 = tpu.memref_slice %arg5[%sub3A_155, %dma_start3A_160] : memref<28x128xi32, #tpu.memory_space<hbm>> -> memref<1x128xi32, #tpu.memory_space<hbm>>
      %dma_start3A_162 = tpu.memref_squeeze %dma_start3A_161 : memref<1x128xi32, #tpu.memory_space<hbm>> -> memref<128xi32, #tpu.memory_space<hbm>>
      %dma_start3A_163 = arith.constant 0 : i32
      %dma_start3A_164 = tpu.memref_slice %arg8[%dma_start3A_156, %dma_start3A_163] : memref<6x128xi32, #tpu.memory_space<vmem>> -> memref<1x128xi32, #tpu.memory_space<vmem>>
      %dma_start3A_165 = tpu.memref_squeeze %dma_start3A_164 : memref<1x128xi32, #tpu.memory_space<vmem>> -> memref<128xi32, #tpu.memory_space<vmem>>
      %dma_start3A_166 = arith.constant 0 : i32
      %dma_start3A_167 = tpu.memref_slice %arg5[%sub3A_155, %dma_start3A_166] : memref<28x128xi32, #tpu.memory_space<hbm>> -> memref<1x128xi32, #tpu.memory_space<hbm>>
      %dma_start3A_168 = tpu.memref_squeeze %dma_start3A_167 : memref<1x128xi32, #tpu.memory_space<hbm>> -> memref<128xi32, #tpu.memory_space<hbm>>
      tpu.enqueue_dma source(%dma_start3A_168 : memref<128xi32, #tpu.memory_space<hbm>>) target(%dma_start3A_165 : memref<128xi32, #tpu.memory_space<vmem>>) target_semaphore(%arg13 : memref<!tpu.dma_semaphore, #tpu.memory_space<semaphore_mem>>)
    } else {
    }
    %add3A_23 = arith.constant 2 : i32
    %add3A_24 = arith.addi %mul3A_2, %add3A_23 : i32
    %lt3A_25 = arith.constant 2500 : i32
    %lt3A_26 = arith.cmpi slt, %add3A_24, %lt3A_25 : i32
    %convert_element_type3A_27 = arith.extui %lt3A_26 : i1 to i32
    %cond3A_28 = arith.constant 0 : i32
    %cond3A_29 = arith.cmpi ne, %convert_element_type3A_27, %cond3A_28 : i32
    scf.if %cond3A_29 {
      %mul3A_140 = arith.constant 128 : i32
      %mul3A_141 = arith.muli %add3A_24, %mul3A_140 : i32
      %dma_start3A_142 = arith.constant 0 : i32
      %dma_start3A_143 = arith.constant 2 : i32
      %dma_start3A_144 = arith.constant 0 : i32
      %dma_start3A_145 = tpu.memref_slice %arg7[%dma_start3A_143, %dma_start3A_144] : memref<6x128xi32, #tpu.memory_space<vmem>> -> memref<1x128xi32, #tpu.memory_space<vmem>>
      %dma_start3A_146 = tpu.memref_squeeze %dma_start3A_145 : memref<1x128xi32, #tpu.memory_space<vmem>> -> memref<128xi32, #tpu.memory_space<vmem>>
      %dma_start3A_147 = tpu.memref_slice %arg3[%dma_start3A_142, %mul3A_141] : memref<1x320000xi32, #tpu.memory_space<hbm>> -> memref<1x128xi32, #tpu.memory_space<hbm>>
      %dma_start3A_148 = tpu.memref_squeeze %dma_start3A_147 : memref<1x128xi32, #tpu.memory_space<hbm>> -> memref<128xi32, #tpu.memory_space<hbm>>
      %dma_start3A_149 = arith.constant 0 : i32
      %dma_start3A_150 = tpu.memref_slice %arg7[%dma_start3A_143, %dma_start3A_149] : memref<6x128xi32, #tpu.memory_space<vmem>> -> memref<1x128xi32, #tpu.memory_space<vmem>>
      %dma_start3A_151 = tpu.memref_squeeze %dma_start3A_150 : memref<1x128xi32, #tpu.memory_space<vmem>> -> memref<128xi32, #tpu.memory_space<vmem>>
      %dma_start3A_152 = tpu.memref_slice %arg3[%dma_start3A_142, %mul3A_141] : memref<1x320000xi32, #tpu.memory_space<hbm>> -> memref<1x128xi32, #tpu.memory_space<hbm>>
      %dma_start3A_153 = tpu.memref_squeeze %dma_start3A_152 : memref<1x128xi32, #tpu.memory_space<hbm>> -> memref<128xi32, #tpu.memory_space<hbm>>
      tpu.enqueue_dma source(%dma_start3A_153 : memref<128xi32, #tpu.memory_space<hbm>>) target(%dma_start3A_151 : memref<128xi32, #tpu.memory_space<vmem>>) target_semaphore(%arg12 : memref<!tpu.dma_semaphore, #tpu.memory_space<semaphore_mem>>)
      %mul3A_154 = arith.constant 128 : i32
      %mul3A_155 = arith.muli %add3A_24, %mul3A_154 : i32
      %dma_start3A_156 = arith.constant 0 : i32
      %dma_start3A_157 = arith.constant 2 : i32
      %dma_start3A_158 = arith.constant 0 : i32
      %dma_start3A_159 = tpu.memref_slice %arg8[%dma_start3A_157, %dma_start3A_158] : memref<6x128xi32, #tpu.memory_space<vmem>> -> memref<1x128xi32, #tpu.memory_space<vmem>>
      %dma_start3A_160 = tpu.memref_squeeze %dma_start3A_159 : memref<1x128xi32, #tpu.memory_space<vmem>> -> memref<128xi32, #tpu.memory_space<vmem>>
      %dma_start3A_161 = tpu.memref_slice %arg4[%dma_start3A_156, %mul3A_155] : memref<1x320000xi32, #tpu.memory_space<hbm>> -> memref<1x128xi32, #tpu.memory_space<hbm>>
      %dma_start3A_162 = tpu.memref_squeeze %dma_start3A_161 : memref<1x128xi32, #tpu.memory_space<hbm>> -> memref<128xi32, #tpu.memory_space<hbm>>
      %dma_start3A_163 = arith.constant 0 : i32
      %dma_start3A_164 = tpu.memref_slice %arg8[%dma_start3A_157, %dma_start3A_163] : memref<6x128xi32, #tpu.memory_space<vmem>> -> memref<1x128xi32, #tpu.memory_space<vmem>>
      %dma_start3A_165 = tpu.memref_squeeze %dma_start3A_164 : memref<1x128xi32, #tpu.memory_space<vmem>> -> memref<128xi32, #tpu.memory_space<vmem>>
      %dma_start3A_166 = tpu.memref_slice %arg4[%dma_start3A_156, %mul3A_155] : memref<1x320000xi32, #tpu.memory_space<hbm>> -> memref<1x128xi32, #tpu.memory_space<hbm>>
      %dma_start3A_167 = tpu.memref_squeeze %dma_start3A_166 : memref<1x128xi32, #tpu.memory_space<hbm>> -> memref<128xi32, #tpu.memory_space<hbm>>
      tpu.enqueue_dma source(%dma_start3A_167 : memref<128xi32, #tpu.memory_space<hbm>>) target(%dma_start3A_165 : memref<128xi32, #tpu.memory_space<vmem>>) target_semaphore(%arg13 : memref<!tpu.dma_semaphore, #tpu.memory_space<semaphore_mem>>)
    } else {
    }
    %ge3A_30 = arith.constant 2500 : i32
    %ge3A_31 = arith.cmpi sge, %add3A_24, %ge3A_30 : i32
    %convert_element_type3A_32 = arith.extui %ge3A_31 : i1 to i32
    %cond3A_33 = arith.constant 0 : i32
    %cond3A_34 = arith.cmpi ne, %convert_element_type3A_32, %cond3A_33 : i32
    scf.if %cond3A_34 {
      %sub3A = arith.constant 2500 : i32
      %sub3A_140 = arith.subi %add3A_24, %sub3A : i32
      %dma_start3A_141 = arith.constant 2 : i32
      %dma_start3A_142 = arith.constant 0 : i32
      %dma_start3A_143 = tpu.memref_slice %arg7[%dma_start3A_141, %dma_start3A_142] : memref<6x128xi32, #tpu.memory_space<vmem>> -> memref<1x128xi32, #tpu.memory_space<vmem>>
      %dma_start3A_144 = tpu.memref_squeeze %dma_start3A_143 : memref<1x128xi32, #tpu.memory_space<vmem>> -> memref<128xi32, #tpu.memory_space<vmem>>
      %dma_start3A_145 = arith.constant 0 : i32
      %dma_start3A_146 = tpu.memref_slice %arg5[%sub3A_140, %dma_start3A_145] : memref<28x128xi32, #tpu.memory_space<hbm>> -> memref<1x128xi32, #tpu.memory_space<hbm>>
      %dma_start3A_147 = tpu.memref_squeeze %dma_start3A_146 : memref<1x128xi32, #tpu.memory_space<hbm>> -> memref<128xi32, #tpu.memory_space<hbm>>
      %dma_start3A_148 = arith.constant 0 : i32
      %dma_start3A_149 = tpu.memref_slice %arg7[%dma_start3A_141, %dma_start3A_148] : memref<6x128xi32, #tpu.memory_space<vmem>> -> memref<1x128xi32, #tpu.memory_space<vmem>>
      %dma_start3A_150 = tpu.memref_squeeze %dma_start3A_149 : memref<1x128xi32, #tpu.memory_space<vmem>> -> memref<128xi32, #tpu.memory_space<vmem>>
      %dma_start3A_151 = arith.constant 0 : i32
      %dma_start3A_152 = tpu.memref_slice %arg5[%sub3A_140, %dma_start3A_151] : memref<28x128xi32, #tpu.memory_space<hbm>> -> memref<1x128xi32, #tpu.memory_space<hbm>>
      %dma_start3A_153 = tpu.memref_squeeze %dma_start3A_152 : memref<1x128xi32, #tpu.memory_space<hbm>> -> memref<128xi32, #tpu.memory_space<hbm>>
      tpu.enqueue_dma source(%dma_start3A_153 : memref<128xi32, #tpu.memory_space<hbm>>) target(%dma_start3A_150 : memref<128xi32, #tpu.memory_space<vmem>>) target_semaphore(%arg12 : memref<!tpu.dma_semaphore, #tpu.memory_space<semaphore_mem>>)
      %sub3A_154 = arith.constant 2500 : i32
      %sub3A_155 = arith.subi %add3A_24, %sub3A_154 : i32
      %dma_start3A_156 = arith.constant 2 : i32
      %dma_start3A_157 = arith.constant 0 : i32
      %dma_start3A_158 = tpu.memref_slice %arg8[%dma_start3A_156, %dma_start3A_157] : memref<6x128xi32, #tpu.memory_space<vmem>> -> memref<1x128xi32, #tpu.memory_space<vmem>>
      %dma_start3A_159 = tpu.memref_squeeze %dma_start3A_158 : memref<1x128xi32, #tpu.memory_space<vmem>> -> memref<128xi32, #tpu.memory_space<vmem>>
      %dma_start3A_160 = arith.constant 0 : i32
      %dma_start3A_161 = tpu.memref_slice %arg5[%sub3A_155, %dma_start3A_160] : memref<28x128xi32, #tpu.memory_space<hbm>> -> memref<1x128xi32, #tpu.memory_space<hbm>>
      %dma_start3A_162 = tpu.memref_squeeze %dma_start3A_161 : memref<1x128xi32, #tpu.memory_space<hbm>> -> memref<128xi32, #tpu.memory_space<hbm>>
      %dma_start3A_163 = arith.constant 0 : i32
      %dma_start3A_164 = tpu.memref_slice %arg8[%dma_start3A_156, %dma_start3A_163] : memref<6x128xi32, #tpu.memory_space<vmem>> -> memref<1x128xi32, #tpu.memory_space<vmem>>
      %dma_start3A_165 = tpu.memref_squeeze %dma_start3A_164 : memref<1x128xi32, #tpu.memory_space<vmem>> -> memref<128xi32, #tpu.memory_space<vmem>>
      %dma_start3A_166 = arith.constant 0 : i32
      %dma_start3A_167 = tpu.memref_slice %arg5[%sub3A_155, %dma_start3A_166] : memref<28x128xi32, #tpu.memory_space<hbm>> -> memref<1x128xi32, #tpu.memory_space<hbm>>
      %dma_start3A_168 = tpu.memref_squeeze %dma_start3A_167 : memref<1x128xi32, #tpu.memory_space<hbm>> -> memref<128xi32, #tpu.memory_space<hbm>>
      tpu.enqueue_dma source(%dma_start3A_168 : memref<128xi32, #tpu.memory_space<hbm>>) target(%dma_start3A_165 : memref<128xi32, #tpu.memory_space<vmem>>) target_semaphore(%arg13 : memref<!tpu.dma_semaphore, #tpu.memory_space<semaphore_mem>>)
    } else {
    }
    %add3A_35 = arith.constant 3 : i32
    %add3A_36 = arith.addi %mul3A_2, %add3A_35 : i32
    %lt3A_37 = arith.constant 2500 : i32
    %lt3A_38 = arith.cmpi slt, %add3A_36, %lt3A_37 : i32
    %convert_element_type3A_39 = arith.extui %lt3A_38 : i1 to i32
    %cond3A_40 = arith.constant 0 : i32
    %cond3A_41 = arith.cmpi ne, %convert_element_type3A_39, %cond3A_40 : i32
    scf.if %cond3A_41 {
      %mul3A_140 = arith.constant 128 : i32
      %mul3A_141 = arith.muli %add3A_36, %mul3A_140 : i32
      %dma_start3A_142 = arith.constant 0 : i32
      %dma_start3A_143 = arith.constant 3 : i32
      %dma_start3A_144 = arith.constant 0 : i32
      %dma_start3A_145 = tpu.memref_slice %arg7[%dma_start3A_143, %dma_start3A_144] : memref<6x128xi32, #tpu.memory_space<vmem>> -> memref<1x128xi32, #tpu.memory_space<vmem>>
      %dma_start3A_146 = tpu.memref_squeeze %dma_start3A_145 : memref<1x128xi32, #tpu.memory_space<vmem>> -> memref<128xi32, #tpu.memory_space<vmem>>
      %dma_start3A_147 = tpu.memref_slice %arg3[%dma_start3A_142, %mul3A_141] : memref<1x320000xi32, #tpu.memory_space<hbm>> -> memref<1x128xi32, #tpu.memory_space<hbm>>
      %dma_start3A_148 = tpu.memref_squeeze %dma_start3A_147 : memref<1x128xi32, #tpu.memory_space<hbm>> -> memref<128xi32, #tpu.memory_space<hbm>>
      %dma_start3A_149 = arith.constant 0 : i32
      %dma_start3A_150 = tpu.memref_slice %arg7[%dma_start3A_143, %dma_start3A_149] : memref<6x128xi32, #tpu.memory_space<vmem>> -> memref<1x128xi32, #tpu.memory_space<vmem>>
      %dma_start3A_151 = tpu.memref_squeeze %dma_start3A_150 : memref<1x128xi32, #tpu.memory_space<vmem>> -> memref<128xi32, #tpu.memory_space<vmem>>
      %dma_start3A_152 = tpu.memref_slice %arg3[%dma_start3A_142, %mul3A_141] : memref<1x320000xi32, #tpu.memory_space<hbm>> -> memref<1x128xi32, #tpu.memory_space<hbm>>
      %dma_start3A_153 = tpu.memref_squeeze %dma_start3A_152 : memref<1x128xi32, #tpu.memory_space<hbm>> -> memref<128xi32, #tpu.memory_space<hbm>>
      tpu.enqueue_dma source(%dma_start3A_153 : memref<128xi32, #tpu.memory_space<hbm>>) target(%dma_start3A_151 : memref<128xi32, #tpu.memory_space<vmem>>) target_semaphore(%arg12 : memref<!tpu.dma_semaphore, #tpu.memory_space<semaphore_mem>>)
      %mul3A_154 = arith.constant 128 : i32
      %mul3A_155 = arith.muli %add3A_36, %mul3A_154 : i32
      %dma_start3A_156 = arith.constant 0 : i32
      %dma_start3A_157 = arith.constant 3 : i32
      %dma_start3A_158 = arith.constant 0 : i32
      %dma_start3A_159 = tpu.memref_slice %arg8[%dma_start3A_157, %dma_start3A_158] : memref<6x128xi32, #tpu.memory_space<vmem>> -> memref<1x128xi32, #tpu.memory_space<vmem>>
      %dma_start3A_160 = tpu.memref_squeeze %dma_start3A_159 : memref<1x128xi32, #tpu.memory_space<vmem>> -> memref<128xi32, #tpu.memory_space<vmem>>
      %dma_start3A_161 = tpu.memref_slice %arg4[%dma_start3A_156, %mul3A_155] : memref<1x320000xi32, #tpu.memory_space<hbm>> -> memref<1x128xi32, #tpu.memory_space<hbm>>
      %dma_start3A_162 = tpu.memref_squeeze %dma_start3A_161 : memref<1x128xi32, #tpu.memory_space<hbm>> -> memref<128xi32, #tpu.memory_space<hbm>>
      %dma_start3A_163 = arith.constant 0 : i32
      %dma_start3A_164 = tpu.memref_slice %arg8[%dma_start3A_157, %dma_start3A_163] : memref<6x128xi32, #tpu.memory_space<vmem>> -> memref<1x128xi32, #tpu.memory_space<vmem>>
      %dma_start3A_165 = tpu.memref_squeeze %dma_start3A_164 : memref<1x128xi32, #tpu.memory_space<vmem>> -> memref<128xi32, #tpu.memory_space<vmem>>
      %dma_start3A_166 = tpu.memref_slice %arg4[%dma_start3A_156, %mul3A_155] : memref<1x320000xi32, #tpu.memory_space<hbm>> -> memref<1x128xi32, #tpu.memory_space<hbm>>
      %dma_start3A_167 = tpu.memref_squeeze %dma_start3A_166 : memref<1x128xi32, #tpu.memory_space<hbm>> -> memref<128xi32, #tpu.memory_space<hbm>>
      tpu.enqueue_dma source(%dma_start3A_167 : memref<128xi32, #tpu.memory_space<hbm>>) target(%dma_start3A_165 : memref<128xi32, #tpu.memory_space<vmem>>) target_semaphore(%arg13 : memref<!tpu.dma_semaphore, #tpu.memory_space<semaphore_mem>>)
    } else {
    }
    %ge3A_42 = arith.constant 2500 : i32
    %ge3A_43 = arith.cmpi sge, %add3A_36, %ge3A_42 : i32
    %convert_element_type3A_44 = arith.extui %ge3A_43 : i1 to i32
    %cond3A_45 = arith.constant 0 : i32
    %cond3A_46 = arith.cmpi ne, %convert_element_type3A_44, %cond3A_45 : i32
    scf.if %cond3A_46 {
      %sub3A = arith.constant 2500 : i32
      %sub3A_140 = arith.subi %add3A_36, %sub3A : i32
      %dma_start3A_141 = arith.constant 3 : i32
      %dma_start3A_142 = arith.constant 0 : i32
      %dma_start3A_143 = tpu.memref_slice %arg7[%dma_start3A_141, %dma_start3A_142] : memref<6x128xi32, #tpu.memory_space<vmem>> -> memref<1x128xi32, #tpu.memory_space<vmem>>
      %dma_start3A_144 = tpu.memref_squeeze %dma_start3A_143 : memref<1x128xi32, #tpu.memory_space<vmem>> -> memref<128xi32, #tpu.memory_space<vmem>>
      %dma_start3A_145 = arith.constant 0 : i32
      %dma_start3A_146 = tpu.memref_slice %arg5[%sub3A_140, %dma_start3A_145] : memref<28x128xi32, #tpu.memory_space<hbm>> -> memref<1x128xi32, #tpu.memory_space<hbm>>
      %dma_start3A_147 = tpu.memref_squeeze %dma_start3A_146 : memref<1x128xi32, #tpu.memory_space<hbm>> -> memref<128xi32, #tpu.memory_space<hbm>>
      %dma_start3A_148 = arith.constant 0 : i32
      %dma_start3A_149 = tpu.memref_slice %arg7[%dma_start3A_141, %dma_start3A_148] : memref<6x128xi32, #tpu.memory_space<vmem>> -> memref<1x128xi32, #tpu.memory_space<vmem>>
      %dma_start3A_150 = tpu.memref_squeeze %dma_start3A_149 : memref<1x128xi32, #tpu.memory_space<vmem>> -> memref<128xi32, #tpu.memory_space<vmem>>
      %dma_start3A_151 = arith.constant 0 : i32
      %dma_start3A_152 = tpu.memref_slice %arg5[%sub3A_140, %dma_start3A_151] : memref<28x128xi32, #tpu.memory_space<hbm>> -> memref<1x128xi32, #tpu.memory_space<hbm>>
      %dma_start3A_153 = tpu.memref_squeeze %dma_start3A_152 : memref<1x128xi32, #tpu.memory_space<hbm>> -> memref<128xi32, #tpu.memory_space<hbm>>
      tpu.enqueue_dma source(%dma_start3A_153 : memref<128xi32, #tpu.memory_space<hbm>>) target(%dma_start3A_150 : memref<128xi32, #tpu.memory_space<vmem>>) target_semaphore(%arg12 : memref<!tpu.dma_semaphore, #tpu.memory_space<semaphore_mem>>)
      %sub3A_154 = arith.constant 2500 : i32
      %sub3A_155 = arith.subi %add3A_36, %sub3A_154 : i32
      %dma_start3A_156 = arith.constant 3 : i32
      %dma_start3A_157 = arith.constant 0 : i32
      %dma_start3A_158 = tpu.memref_slice %arg8[%dma_start3A_156, %dma_start3A_157] : memref<6x128xi32, #tpu.memory_space<vmem>> -> memref<1x128xi32, #tpu.memory_space<vmem>>
      %dma_start3A_159 = tpu.memref_squeeze %dma_start3A_158 : memref<1x128xi32, #tpu.memory_space<vmem>> -> memref<128xi32, #tpu.memory_space<vmem>>
      %dma_start3A_160 = arith.constant 0 : i32
      %dma_start3A_161 = tpu.memref_slice %arg5[%sub3A_155, %dma_start3A_160] : memref<28x128xi32, #tpu.memory_space<hbm>> -> memref<1x128xi32, #tpu.memory_space<hbm>>
      %dma_start3A_162 = tpu.memref_squeeze %dma_start3A_161 : memref<1x128xi32, #tpu.memory_space<hbm>> -> memref<128xi32, #tpu.memory_space<hbm>>
      %dma_start3A_163 = arith.constant 0 : i32
      %dma_start3A_164 = tpu.memref_slice %arg8[%dma_start3A_156, %dma_start3A_163] : memref<6x128xi32, #tpu.memory_space<vmem>> -> memref<1x128xi32, #tpu.memory_space<vmem>>
      %dma_start3A_165 = tpu.memref_squeeze %dma_start3A_164 : memref<1x128xi32, #tpu.memory_space<vmem>> -> memref<128xi32, #tpu.memory_space<vmem>>
      %dma_start3A_166 = arith.constant 0 : i32
      %dma_start3A_167 = tpu.memref_slice %arg5[%sub3A_155, %dma_start3A_166] : memref<28x128xi32, #tpu.memory_space<hbm>> -> memref<1x128xi32, #tpu.memory_space<hbm>>
      %dma_start3A_168 = tpu.memref_squeeze %dma_start3A_167 : memref<1x128xi32, #tpu.memory_space<hbm>> -> memref<128xi32, #tpu.memory_space<hbm>>
      tpu.enqueue_dma source(%dma_start3A_168 : memref<128xi32, #tpu.memory_space<hbm>>) target(%dma_start3A_165 : memref<128xi32, #tpu.memory_space<vmem>>) target_semaphore(%arg13 : memref<!tpu.dma_semaphore, #tpu.memory_space<semaphore_mem>>)
    } else {
    }
    %add3A_47 = arith.constant 4 : i32
    %add3A_48 = arith.addi %mul3A_2, %add3A_47 : i32
    %lt3A_49 = arith.constant 2500 : i32
    %lt3A_50 = arith.cmpi slt, %add3A_48, %lt3A_49 : i32
    %convert_element_type3A_51 = arith.extui %lt3A_50 : i1 to i32
    %cond3A_52 = arith.constant 0 : i32
    %cond3A_53 = arith.cmpi ne, %convert_element_type3A_51, %cond3A_52 : i32
    scf.if %cond3A_53 {
      %mul3A_140 = arith.constant 128 : i32
      %mul3A_141 = arith.muli %add3A_48, %mul3A_140 : i32
      %dma_start3A_142 = arith.constant 0 : i32
      %dma_start3A_143 = arith.constant 4 : i32
      %dma_start3A_144 = arith.constant 0 : i32
      %dma_start3A_145 = tpu.memref_slice %arg7[%dma_start3A_143, %dma_start3A_144] : memref<6x128xi32, #tpu.memory_space<vmem>> -> memref<1x128xi32, #tpu.memory_space<vmem>>
      %dma_start3A_146 = tpu.memref_squeeze %dma_start3A_145 : memref<1x128xi32, #tpu.memory_space<vmem>> -> memref<128xi32, #tpu.memory_space<vmem>>
      %dma_start3A_147 = tpu.memref_slice %arg3[%dma_start3A_142, %mul3A_141] : memref<1x320000xi32, #tpu.memory_space<hbm>> -> memref<1x128xi32, #tpu.memory_space<hbm>>
      %dma_start3A_148 = tpu.memref_squeeze %dma_start3A_147 : memref<1x128xi32, #tpu.memory_space<hbm>> -> memref<128xi32, #tpu.memory_space<hbm>>
      %dma_start3A_149 = arith.constant 0 : i32
      %dma_start3A_150 = tpu.memref_slice %arg7[%dma_start3A_143, %dma_start3A_149] : memref<6x128xi32, #tpu.memory_space<vmem>> -> memref<1x128xi32, #tpu.memory_space<vmem>>
      %dma_start3A_151 = tpu.memref_squeeze %dma_start3A_150 : memref<1x128xi32, #tpu.memory_space<vmem>> -> memref<128xi32, #tpu.memory_space<vmem>>
      %dma_start3A_152 = tpu.memref_slice %arg3[%dma_start3A_142, %mul3A_141] : memref<1x320000xi32, #tpu.memory_space<hbm>> -> memref<1x128xi32, #tpu.memory_space<hbm>>
      %dma_start3A_153 = tpu.memref_squeeze %dma_start3A_152 : memref<1x128xi32, #tpu.memory_space<hbm>> -> memref<128xi32, #tpu.memory_space<hbm>>
      tpu.enqueue_dma source(%dma_start3A_153 : memref<128xi32, #tpu.memory_space<hbm>>) target(%dma_start3A_151 : memref<128xi32, #tpu.memory_space<vmem>>) target_semaphore(%arg12 : memref<!tpu.dma_semaphore, #tpu.memory_space<semaphore_mem>>)
      %mul3A_154 = arith.constant 128 : i32
      %mul3A_155 = arith.muli %add3A_48, %mul3A_154 : i32
      %dma_start3A_156 = arith.constant 0 : i32
      %dma_start3A_157 = arith.constant 4 : i32
      %dma_start3A_158 = arith.constant 0 : i32
      %dma_start3A_159 = tpu.memref_slice %arg8[%dma_start3A_157, %dma_start3A_158] : memref<6x128xi32, #tpu.memory_space<vmem>> -> memref<1x128xi32, #tpu.memory_space<vmem>>
      %dma_start3A_160 = tpu.memref_squeeze %dma_start3A_159 : memref<1x128xi32, #tpu.memory_space<vmem>> -> memref<128xi32, #tpu.memory_space<vmem>>
      %dma_start3A_161 = tpu.memref_slice %arg4[%dma_start3A_156, %mul3A_155] : memref<1x320000xi32, #tpu.memory_space<hbm>> -> memref<1x128xi32, #tpu.memory_space<hbm>>
      %dma_start3A_162 = tpu.memref_squeeze %dma_start3A_161 : memref<1x128xi32, #tpu.memory_space<hbm>> -> memref<128xi32, #tpu.memory_space<hbm>>
      %dma_start3A_163 = arith.constant 0 : i32
      %dma_start3A_164 = tpu.memref_slice %arg8[%dma_start3A_157, %dma_start3A_163] : memref<6x128xi32, #tpu.memory_space<vmem>> -> memref<1x128xi32, #tpu.memory_space<vmem>>
      %dma_start3A_165 = tpu.memref_squeeze %dma_start3A_164 : memref<1x128xi32, #tpu.memory_space<vmem>> -> memref<128xi32, #tpu.memory_space<vmem>>
      %dma_start3A_166 = tpu.memref_slice %arg4[%dma_start3A_156, %mul3A_155] : memref<1x320000xi32, #tpu.memory_space<hbm>> -> memref<1x128xi32, #tpu.memory_space<hbm>>
      %dma_start3A_167 = tpu.memref_squeeze %dma_start3A_166 : memref<1x128xi32, #tpu.memory_space<hbm>> -> memref<128xi32, #tpu.memory_space<hbm>>
      tpu.enqueue_dma source(%dma_start3A_167 : memref<128xi32, #tpu.memory_space<hbm>>) target(%dma_start3A_165 : memref<128xi32, #tpu.memory_space<vmem>>) target_semaphore(%arg13 : memref<!tpu.dma_semaphore, #tpu.memory_space<semaphore_mem>>)
    } else {
    }
    %ge3A_54 = arith.constant 2500 : i32
    %ge3A_55 = arith.cmpi sge, %add3A_48, %ge3A_54 : i32
    %convert_element_type3A_56 = arith.extui %ge3A_55 : i1 to i32
    %cond3A_57 = arith.constant 0 : i32
    %cond3A_58 = arith.cmpi ne, %convert_element_type3A_56, %cond3A_57 : i32
    scf.if %cond3A_58 {
      %sub3A = arith.constant 2500 : i32
      %sub3A_140 = arith.subi %add3A_48, %sub3A : i32
      %dma_start3A_141 = arith.constant 4 : i32
      %dma_start3A_142 = arith.constant 0 : i32
      %dma_start3A_143 = tpu.memref_slice %arg7[%dma_start3A_141, %dma_start3A_142] : memref<6x128xi32, #tpu.memory_space<vmem>> -> memref<1x128xi32, #tpu.memory_space<vmem>>
      %dma_start3A_144 = tpu.memref_squeeze %dma_start3A_143 : memref<1x128xi32, #tpu.memory_space<vmem>> -> memref<128xi32, #tpu.memory_space<vmem>>
      %dma_start3A_145 = arith.constant 0 : i32
      %dma_start3A_146 = tpu.memref_slice %arg5[%sub3A_140, %dma_start3A_145] : memref<28x128xi32, #tpu.memory_space<hbm>> -> memref<1x128xi32, #tpu.memory_space<hbm>>
      %dma_start3A_147 = tpu.memref_squeeze %dma_start3A_146 : memref<1x128xi32, #tpu.memory_space<hbm>> -> memref<128xi32, #tpu.memory_space<hbm>>
      %dma_start3A_148 = arith.constant 0 : i32
      %dma_start3A_149 = tpu.memref_slice %arg7[%dma_start3A_141, %dma_start3A_148] : memref<6x128xi32, #tpu.memory_space<vmem>> -> memref<1x128xi32, #tpu.memory_space<vmem>>
      %dma_start3A_150 = tpu.memref_squeeze %dma_start3A_149 : memref<1x128xi32, #tpu.memory_space<vmem>> -> memref<128xi32, #tpu.memory_space<vmem>>
      %dma_start3A_151 = arith.constant 0 : i32
      %dma_start3A_152 = tpu.memref_slice %arg5[%sub3A_140, %dma_start3A_151] : memref<28x128xi32, #tpu.memory_space<hbm>> -> memref<1x128xi32, #tpu.memory_space<hbm>>
      %dma_start3A_153 = tpu.memref_squeeze %dma_start3A_152 : memref<1x128xi32, #tpu.memory_space<hbm>> -> memref<128xi32, #tpu.memory_space<hbm>>
      tpu.enqueue_dma source(%dma_start3A_153 : memref<128xi32, #tpu.memory_space<hbm>>) target(%dma_start3A_150 : memref<128xi32, #tpu.memory_space<vmem>>) target_semaphore(%arg12 : memref<!tpu.dma_semaphore, #tpu.memory_space<semaphore_mem>>)
      %sub3A_154 = arith.constant 2500 : i32
      %sub3A_155 = arith.subi %add3A_48, %sub3A_154 : i32
      %dma_start3A_156 = arith.constant 4 : i32
      %dma_start3A_157 = arith.constant 0 : i32
      %dma_start3A_158 = tpu.memref_slice %arg8[%dma_start3A_156, %dma_start3A_157] : memref<6x128xi32, #tpu.memory_space<vmem>> -> memref<1x128xi32, #tpu.memory_space<vmem>>
      %dma_start3A_159 = tpu.memref_squeeze %dma_start3A_158 : memref<1x128xi32, #tpu.memory_space<vmem>> -> memref<128xi32, #tpu.memory_space<vmem>>
      %dma_start3A_160 = arith.constant 0 : i32
      %dma_start3A_161 = tpu.memref_slice %arg5[%sub3A_155, %dma_start3A_160] : memref<28x128xi32, #tpu.memory_space<hbm>> -> memref<1x128xi32, #tpu.memory_space<hbm>>
      %dma_start3A_162 = tpu.memref_squeeze %dma_start3A_161 : memref<1x128xi32, #tpu.memory_space<hbm>> -> memref<128xi32, #tpu.memory_space<hbm>>
      %dma_start3A_163 = arith.constant 0 : i32
      %dma_start3A_164 = tpu.memref_slice %arg8[%dma_start3A_156, %dma_start3A_163] : memref<6x128xi32, #tpu.memory_space<vmem>> -> memref<1x128xi32, #tpu.memory_space<vmem>>
      %dma_start3A_165 = tpu.memref_squeeze %dma_start3A_164 : memref<1x128xi32, #tpu.memory_space<vmem>> -> memref<128xi32, #tpu.memory_space<vmem>>
      %dma_start3A_166 = arith.constant 0 : i32
      %dma_start3A_167 = tpu.memref_slice %arg5[%sub3A_155, %dma_start3A_166] : memref<28x128xi32, #tpu.memory_space<hbm>> -> memref<1x128xi32, #tpu.memory_space<hbm>>
      %dma_start3A_168 = tpu.memref_squeeze %dma_start3A_167 : memref<1x128xi32, #tpu.memory_space<hbm>> -> memref<128xi32, #tpu.memory_space<hbm>>
      tpu.enqueue_dma source(%dma_start3A_168 : memref<128xi32, #tpu.memory_space<hbm>>) target(%dma_start3A_165 : memref<128xi32, #tpu.memory_space<vmem>>) target_semaphore(%arg13 : memref<!tpu.dma_semaphore, #tpu.memory_space<semaphore_mem>>)
    } else {
    }
    %dma_wait3A = arith.constant 0 : i32
    %dma_wait3A_59 = arith.constant 0 : i32
    %dma_wait3A_60 = arith.constant 0 : i32
    %dma_wait3A_61 = tpu.memref_slice %arg7[%dma_wait3A_59, %dma_wait3A_60] : memref<6x128xi32, #tpu.memory_space<vmem>> -> memref<1x128xi32, #tpu.memory_space<vmem>>
    %dma_wait3A_62 = tpu.memref_squeeze %dma_wait3A_61 : memref<1x128xi32, #tpu.memory_space<vmem>> -> memref<128xi32, #tpu.memory_space<vmem>>
    %dma_wait3A_63 = arith.constant 0 : i32
    %dma_wait3A_64 = tpu.memref_slice %arg3[%dma_wait3A, %dma_wait3A_63] : memref<1x320000xi32, #tpu.memory_space<hbm>> -> memref<1x128xi32, #tpu.memory_space<hbm>>
    %dma_wait3A_65 = tpu.memref_squeeze %dma_wait3A_64 : memref<1x128xi32, #tpu.memory_space<hbm>> -> memref<128xi32, #tpu.memory_space<hbm>>
    %dma_wait3A_66 = arith.constant 0 : i32
    %dma_wait3A_67 = tpu.memref_slice %arg7[%dma_wait3A_59, %dma_wait3A_66] : memref<6x128xi32, #tpu.memory_space<vmem>> -> memref<1x128xi32, #tpu.memory_space<vmem>>
    %dma_wait3A_68 = tpu.memref_squeeze %dma_wait3A_67 : memref<1x128xi32, #tpu.memory_space<vmem>> -> memref<128xi32, #tpu.memory_space<vmem>>
    %dma_wait3A_69 = arith.constant 0 : i32
    %dma_wait3A_70 = tpu.memref_slice %arg3[%dma_wait3A, %dma_wait3A_69] : memref<1x320000xi32, #tpu.memory_space<hbm>> -> memref<1x128xi32, #tpu.memory_space<hbm>>
    %dma_wait3A_71 = tpu.memref_squeeze %dma_wait3A_70 : memref<1x128xi32, #tpu.memory_space<hbm>> -> memref<128xi32, #tpu.memory_space<hbm>>
    tpu.wait_dma2 semaphore(%arg12 : memref<!tpu.dma_semaphore, #tpu.memory_space<semaphore_mem>>) src(%dma_wait3A_71 : memref<128xi32, #tpu.memory_space<hbm>>) dst(%dma_wait3A_68 : memref<128xi32, #tpu.memory_space<vmem>>)
    %dma_start3A = arith.constant 0 : i32
    %dma_start3A_72 = arith.constant 0 : i32
    %dma_start3A_73 = tpu.memref_slice %arg7[%dma_start3A, %dma_start3A_72] : memref<6x128xi32, #tpu.memory_space<vmem>> -> memref<1x128xi32, #tpu.memory_space<vmem>>
    %dma_start3A_74 = tpu.memref_squeeze %dma_start3A_73 : memref<1x128xi32, #tpu.memory_space<vmem>> -> memref<128xi32, #tpu.memory_space<vmem>>
    %dma_start3A_75 = arith.constant 0 : i32
    %dma_start3A_76 = arith.constant 0 : i32
    %dma_start3A_77 = tpu.memref_slice %arg2[%dma_start3A_75, %dma_start3A_76] : memref<10240x128xf32, #tpu.memory_space<hbm>> -> memref<10240x128xf32, #tpu.memory_space<hbm>>
    tpu.enqueue_indirect_dma source(%dma_start3A_77 : memref<10240x128xf32, #tpu.memory_space<hbm>>) target(%arg9 : memref<128x128xf32, #tpu.memory_space<vmem>>) offsets(%dma_start3A_74 : memref<128xi32, #tpu.memory_space<vmem>>) semaphore(%arg14 : memref<!tpu.dma_semaphore, #tpu.memory_space<semaphore_mem>>)
    %dma_wait3A_78 = arith.constant 0 : i32
    %dma_wait3A_79 = arith.constant 0 : i32
    %dma_wait3A_80 = arith.constant 0 : i32
    %dma_wait3A_81 = tpu.memref_slice %arg7[%dma_wait3A_79, %dma_wait3A_80] : memref<6x128xi32, #tpu.memory_space<vmem>> -> memref<1x128xi32, #tpu.memory_space<vmem>>
    %dma_wait3A_82 = tpu.memref_squeeze %dma_wait3A_81 : memref<1x128xi32, #tpu.memory_space<vmem>> -> memref<128xi32, #tpu.memory_space<vmem>>
    %dma_wait3A_83 = arith.constant 0 : i32
    %dma_wait3A_84 = tpu.memref_slice %arg3[%dma_wait3A_78, %dma_wait3A_83] : memref<1x320000xi32, #tpu.memory_space<hbm>> -> memref<1x128xi32, #tpu.memory_space<hbm>>
    %dma_wait3A_85 = tpu.memref_squeeze %dma_wait3A_84 : memref<1x128xi32, #tpu.memory_space<hbm>> -> memref<128xi32, #tpu.memory_space<hbm>>
    %dma_wait3A_86 = arith.constant 0 : i32
    %dma_wait3A_87 = tpu.memref_slice %arg7[%dma_wait3A_79, %dma_wait3A_86] : memref<6x128xi32, #tpu.memory_space<vmem>> -> memref<1x128xi32, #tpu.memory_space<vmem>>
    %dma_wait3A_88 = tpu.memref_squeeze %dma_wait3A_87 : memref<1x128xi32, #tpu.memory_space<vmem>> -> memref<128xi32, #tpu.memory_space<vmem>>
    %dma_wait3A_89 = arith.constant 0 : i32
    %dma_wait3A_90 = tpu.memref_slice %arg3[%dma_wait3A_78, %dma_wait3A_89] : memref<1x320000xi32, #tpu.memory_space<hbm>> -> memref<1x128xi32, #tpu.memory_space<hbm>>
    %dma_wait3A_91 = tpu.memref_squeeze %dma_wait3A_90 : memref<1x128xi32, #tpu.memory_space<hbm>> -> memref<128xi32, #tpu.memory_space<hbm>>
    tpu.wait_dma2 semaphore(%arg12 : memref<!tpu.dma_semaphore, #tpu.memory_space<semaphore_mem>>) src(%dma_wait3A_91 : memref<128xi32, #tpu.memory_space<hbm>>) dst(%dma_wait3A_88 : memref<128xi32, #tpu.memory_space<vmem>>)
    %dma_start3A_92 = arith.constant 1 : i32
    %dma_start3A_93 = arith.constant 0 : i32
    %dma_start3A_94 = tpu.memref_slice %arg7[%dma_start3A_92, %dma_start3A_93] : memref<6x128xi32, #tpu.memory_space<vmem>> -> memref<1x128xi32, #tpu.memory_space<vmem>>
    %dma_start3A_95 = tpu.memref_squeeze %dma_start3A_94 : memref<1x128xi32, #tpu.memory_space<vmem>> -> memref<128xi32, #tpu.memory_space<vmem>>
    %dma_start3A_96 = arith.constant 0 : i32
    %dma_start3A_97 = arith.constant 0 : i32
    %dma_start3A_98 = tpu.memref_slice %arg2[%dma_start3A_96, %dma_start3A_97] : memref<10240x128xf32, #tpu.memory_space<hbm>> -> memref<10240x128xf32, #tpu.memory_space<hbm>>
    tpu.enqueue_indirect_dma source(%dma_start3A_98 : memref<10240x128xf32, #tpu.memory_space<hbm>>) target(%arg10 : memref<128x128xf32, #tpu.memory_space<vmem>>) offsets(%dma_start3A_95 : memref<128xi32, #tpu.memory_space<vmem>>) semaphore(%arg15 : memref<!tpu.dma_semaphore, #tpu.memory_space<semaphore_mem>>)
    %mul3A_99 = arith.constant 640 : i32
    %mul3A_100 = arith.muli %arg1, %mul3A_99 : i32
    %eq3A = arith.constant 0 : i32
    %eq3A_101 = arith.cmpi eq, %arg0, %eq3A : i32
    %convert_element_type3A_102 = arith.extui %eq3A_101 : i1 to i32
    %cond3A_103 = arith.constant 0 : i32
    %cond3A_104 = arith.cmpi ne, %convert_element_type3A_102, %cond3A_103 : i32
    scf.if %cond3A_104 {
      "tpu.region"() ({
        %run_scoped3A = tpu.sem_alloc : memref<!tpu.dma_semaphore, #tpu.memory_space<semaphore_mem>>
        %dma_start3A_140 = arith.constant 0 : i32
        %dma_start3A_141 = tpu.memref_slice %arg11[%mul3A_100, %dma_start3A_140] : memref<10240x128xf32, #tpu.memory_space<vmem_shared>> -> memref<640x128xf32, #tpu.memory_space<vmem_shared>>
        %dma_start3A_142 = arith.constant 0 : i32
        %dma_start3A_143 = tpu.memref_slice %arg2[%mul3A_100, %dma_start3A_142] : memref<10240x128xf32, #tpu.memory_space<hbm>> -> memref<640x128xf32, #tpu.memory_space<hbm>>
        tpu.enqueue_dma source(%dma_start3A_143 : memref<640x128xf32, #tpu.memory_space<hbm>>) target(%dma_start3A_141 : memref<640x128xf32, #tpu.memory_space<vmem_shared>>) target_semaphore(%run_scoped3A : memref<!tpu.dma_semaphore, #tpu.memory_space<semaphore_mem>>)
        %dma_wait3A_144 = arith.constant 0 : i32
        %dma_wait3A_145 = tpu.memref_slice %arg11[%mul3A_100, %dma_wait3A_144] : memref<10240x128xf32, #tpu.memory_space<vmem_shared>> -> memref<640x128xf32, #tpu.memory_space<vmem_shared>>
        %dma_wait3A_146 = arith.constant 0 : i32
        %dma_wait3A_147 = tpu.memref_slice %arg2[%mul3A_100, %dma_wait3A_146] : memref<10240x128xf32, #tpu.memory_space<hbm>> -> memref<640x128xf32, #tpu.memory_space<hbm>>
        tpu.wait_dma2 semaphore(%run_scoped3A : memref<!tpu.dma_semaphore, #tpu.memory_space<semaphore_mem>>) src(%dma_wait3A_147 : memref<640x128xf32, #tpu.memory_space<hbm>>) dst(%dma_wait3A_145 : memref<640x128xf32, #tpu.memory_space<vmem_shared>>)
        tpu.yield
      }) : () -> ()
    } else {
    }
    %eq3A_105 = arith.constant 1 : i32
    %eq3A_106 = arith.cmpi eq, %arg0, %eq3A_105 : i32
    %convert_element_type3A_107 = arith.extui %eq3A_106 : i1 to i32
    %cond3A_108 = arith.constant 0 : i32
    %cond3A_109 = arith.cmpi ne, %convert_element_type3A_107, %cond3A_108 : i32
    scf.if %cond3A_109 {
      %mul3A_140 = arith.constant 640 : i32
      %mul3A_141 = arith.muli %arg1, %mul3A_140 : i32
      %add3A_142 = arith.constant 0 : i32
      %add3A_143 = arith.addi %mul3A_141, %add3A_142 : i32
      "tpu.region"() ({
        %run_scoped3A = tpu.sem_alloc : memref<!tpu.dma_semaphore, #tpu.memory_space<semaphore_mem>>
        %dma_start3A_152 = arith.constant 0 : i32
        %dma_start3A_153 = tpu.memref_slice %arg11[%add3A_143, %dma_start3A_152] : memref<10240x128xf32, #tpu.memory_space<vmem_shared>> -> memref<240x128xf32, #tpu.memory_space<vmem_shared>>
        %dma_start3A_154 = arith.constant 10000 : i32
        %dma_start3A_155 = arith.constant 0 : i32
        %dma_start3A_156 = tpu.memref_slice %arg2[%dma_start3A_154, %dma_start3A_155] : memref<10240x128xf32, #tpu.memory_space<hbm>> -> memref<240x128xf32, #tpu.memory_space<hbm>>
        tpu.enqueue_dma source(%dma_start3A_156 : memref<240x128xf32, #tpu.memory_space<hbm>>) target(%dma_start3A_153 : memref<240x128xf32, #tpu.memory_space<vmem_shared>>) target_semaphore(%run_scoped3A : memref<!tpu.dma_semaphore, #tpu.memory_space<semaphore_mem>>)
        %dma_wait3A_157 = arith.constant 0 : i32
        %dma_wait3A_158 = tpu.memref_slice %arg11[%add3A_143, %dma_wait3A_157] : memref<10240x128xf32, #tpu.memory_space<vmem_shared>> -> memref<240x128xf32, #tpu.memory_space<vmem_shared>>
        %dma_wait3A_159 = arith.constant 10000 : i32
        %dma_wait3A_160 = arith.constant 0 : i32
        %dma_wait3A_161 = tpu.memref_slice %arg2[%dma_wait3A_159, %dma_wait3A_160] : memref<10240x128xf32, #tpu.memory_space<hbm>> -> memref<240x128xf32, #tpu.memory_space<hbm>>
        tpu.wait_dma2 semaphore(%run_scoped3A : memref<!tpu.dma_semaphore, #tpu.memory_space<semaphore_mem>>) src(%dma_wait3A_161 : memref<240x128xf32, #tpu.memory_space<hbm>>) dst(%dma_wait3A_158 : memref<240x128xf32, #tpu.memory_space<vmem_shared>>)
        tpu.yield
      }) : () -> ()
      %mul3A_144 = arith.constant 640 : i32
      %mul3A_145 = arith.muli %arg1, %mul3A_144 : i32
      %add3A_146 = arith.constant 240 : i32
      %add3A_147 = arith.addi %mul3A_145, %add3A_146 : i32
      "tpu.region"() ({
        %run_scoped3A = tpu.sem_alloc : memref<!tpu.dma_semaphore, #tpu.memory_space<semaphore_mem>>
        %dma_start3A_152 = arith.constant 0 : i32
        %dma_start3A_153 = tpu.memref_slice %arg11[%add3A_147, %dma_start3A_152] : memref<10240x128xf32, #tpu.memory_space<vmem_shared>> -> memref<240x128xf32, #tpu.memory_space<vmem_shared>>
        %dma_start3A_154 = arith.constant 10000 : i32
        %dma_start3A_155 = arith.constant 0 : i32
        %dma_start3A_156 = tpu.memref_slice %arg2[%dma_start3A_154, %dma_start3A_155] : memref<10240x128xf32, #tpu.memory_space<hbm>> -> memref<240x128xf32, #tpu.memory_space<hbm>>
        tpu.enqueue_dma source(%dma_start3A_156 : memref<240x128xf32, #tpu.memory_space<hbm>>) target(%dma_start3A_153 : memref<240x128xf32, #tpu.memory_space<vmem_shared>>) target_semaphore(%run_scoped3A : memref<!tpu.dma_semaphore, #tpu.memory_space<semaphore_mem>>)
        %dma_wait3A_157 = arith.constant 0 : i32
        %dma_wait3A_158 = tpu.memref_slice %arg11[%add3A_147, %dma_wait3A_157] : memref<10240x128xf32, #tpu.memory_space<vmem_shared>> -> memref<240x128xf32, #tpu.memory_space<vmem_shared>>
        %dma_wait3A_159 = arith.constant 10000 : i32
        %dma_wait3A_160 = arith.constant 0 : i32
        %dma_wait3A_161 = tpu.memref_slice %arg2[%dma_wait3A_159, %dma_wait3A_160] : memref<10240x128xf32, #tpu.memory_space<hbm>> -> memref<240x128xf32, #tpu.memory_space<hbm>>
        tpu.wait_dma2 semaphore(%run_scoped3A : memref<!tpu.dma_semaphore, #tpu.memory_space<semaphore_mem>>) src(%dma_wait3A_161 : memref<240x128xf32, #tpu.memory_space<hbm>>) dst(%dma_wait3A_158 : memref<240x128xf32, #tpu.memory_space<vmem_shared>>)
        tpu.yield
      }) : () -> ()
      %mul3A_148 = arith.constant 640 : i32
      %mul3A_149 = arith.muli %arg1, %mul3A_148 : i32
      %add3A_150 = arith.constant 480 : i32
      %add3A_151 = arith.addi %mul3A_149, %add3A_150 : i32
      "tpu.region"() ({
        %run_scoped3A = tpu.sem_alloc : memref<!tpu.dma_semaphore, #tpu.memory_space<semaphore_mem>>
        %dma_start3A_152 = arith.constant 0 : i32
        %dma_start3A_153 = tpu.memref_slice %arg11[%add3A_151, %dma_start3A_152] : memref<10240x128xf32, #tpu.memory_space<vmem_shared>> -> memref<160x128xf32, #tpu.memory_space<vmem_shared>>
        %dma_start3A_154 = arith.constant 10000 : i32
        %dma_start3A_155 = arith.constant 0 : i32
        %dma_start3A_156 = tpu.memref_slice %arg2[%dma_start3A_154, %dma_start3A_155] : memref<10240x128xf32, #tpu.memory_space<hbm>> -> memref<160x128xf32, #tpu.memory_space<hbm>>
        tpu.enqueue_dma source(%dma_start3A_156 : memref<160x128xf32, #tpu.memory_space<hbm>>) target(%dma_start3A_153 : memref<160x128xf32, #tpu.memory_space<vmem_shared>>) target_semaphore(%run_scoped3A : memref<!tpu.dma_semaphore, #tpu.memory_space<semaphore_mem>>)
        %dma_wait3A_157 = arith.constant 0 : i32
        %dma_wait3A_158 = tpu.memref_slice %arg11[%add3A_151, %dma_wait3A_157] : memref<10240x128xf32, #tpu.memory_space<vmem_shared>> -> memref<160x128xf32, #tpu.memory_space<vmem_shared>>
        %dma_wait3A_159 = arith.constant 10000 : i32
        %dma_wait3A_160 = arith.constant 0 : i32
        %dma_wait3A_161 = tpu.memref_slice %arg2[%dma_wait3A_159, %dma_wait3A_160] : memref<10240x128xf32, #tpu.memory_space<hbm>> -> memref<160x128xf32, #tpu.memory_space<hbm>>
        tpu.wait_dma2 semaphore(%run_scoped3A : memref<!tpu.dma_semaphore, #tpu.memory_space<semaphore_mem>>) src(%dma_wait3A_161 : memref<160x128xf32, #tpu.memory_space<hbm>>) dst(%dma_wait3A_158 : memref<160x128xf32, #tpu.memory_space<vmem_shared>>)
        tpu.yield
      }) : () -> ()
    } else {
    }
    %barrier3A = arith.constant 0 : index
    tpu.barrier barrier_id(%barrier3A)
    %scan3A = arith.constant 0 : i32
    %scan3A_110 = arith.constant 0 : i32
    %scan3A_111 = arith.constant 39 : i32
    %scan3A_112 = arith.addi %scan3A_110, %scan3A_111 : i32
    %scan3A_113 = arith.constant 1 : i32
    %scan3A_114 = scf.for %scan3A_140 = %scan3A_110 to %scan3A_112 step %scan3A_113 iter_args(%scan3A_141 = %scan3A) -> (i32)  : i32 {
      %mul3A_142 = arith.constant 2 : i32
      %mul3A_143 = arith.muli %mul3A_142, %scan3A_140 : i32
      %dma_wait3A_144 = arith.constant 0 : i32
      %dma_wait3A_145 = arith.constant 0 : i32
      %dma_wait3A_146 = arith.constant 0 : i32
      %dma_wait3A_147 = tpu.memref_slice %arg8[%dma_wait3A_145, %dma_wait3A_146] : memref<6x128xi32, #tpu.memory_space<vmem>> -> memref<1x128xi32, #tpu.memory_space<vmem>>
      %dma_wait3A_148 = tpu.memref_squeeze %dma_wait3A_147 : memref<1x128xi32, #tpu.memory_space<vmem>> -> memref<128xi32, #tpu.memory_space<vmem>>
      %dma_wait3A_149 = arith.constant 0 : i32
      %dma_wait3A_150 = tpu.memref_slice %arg3[%dma_wait3A_144, %dma_wait3A_149] : memref<1x320000xi32, #tpu.memory_space<hbm>> -> memref<1x128xi32, #tpu.memory_space<hbm>>
      %dma_wait3A_151 = tpu.memref_squeeze %dma_wait3A_150 : memref<1x128xi32, #tpu.memory_space<hbm>> -> memref<128xi32, #tpu.memory_space<hbm>>
      %dma_wait3A_152 = arith.constant 0 : i32
      %dma_wait3A_153 = tpu.memref_slice %arg8[%dma_wait3A_145, %dma_wait3A_152] : memref<6x128xi32, #tpu.memory_space<vmem>> -> memref<1x128xi32, #tpu.memory_space<vmem>>
      %dma_wait3A_154 = tpu.memref_squeeze %dma_wait3A_153 : memref<1x128xi32, #tpu.memory_space<vmem>> -> memref<128xi32, #tpu.memory_space<vmem>>
      %dma_wait3A_155 = arith.constant 0 : i32
      %dma_wait3A_156 = tpu.memref_slice %arg3[%dma_wait3A_144, %dma_wait3A_155] : memref<1x320000xi32, #tpu.memory_space<hbm>> -> memref<1x128xi32, #tpu.memory_space<hbm>>
      %dma_wait3A_157 = tpu.memref_squeeze %dma_wait3A_156 : memref<1x128xi32, #tpu.memory_space<hbm>> -> memref<128xi32, #tpu.memory_space<hbm>>
      tpu.wait_dma2 semaphore(%arg13 : memref<!tpu.dma_semaphore, #tpu.memory_space<semaphore_mem>>) src(%dma_wait3A_157 : memref<128xi32, #tpu.memory_space<hbm>>) dst(%dma_wait3A_154 : memref<128xi32, #tpu.memory_space<vmem>>)
      %dma_wait3A_158 = arith.constant 0 : i32
      %dma_wait3A_159 = arith.constant 0 : i32
      %dma_wait3A_160 = tpu.memref_slice %arg7[%dma_wait3A_158, %dma_wait3A_159] : memref<6x128xi32, #tpu.memory_space<vmem>> -> memref<1x128xi32, #tpu.memory_space<vmem>>
      %dma_wait3A_161 = tpu.memref_squeeze %dma_wait3A_160 : memref<1x128xi32, #tpu.memory_space<vmem>> -> memref<128xi32, #tpu.memory_space<vmem>>
      %dma_wait3A_162 = arith.constant 0 : i32
      %dma_wait3A_163 = arith.constant 0 : i32
      %dma_wait3A_164 = tpu.memref_slice %arg2[%dma_wait3A_162, %dma_wait3A_163] : memref<10240x128xf32, #tpu.memory_space<hbm>> -> memref<10240x128xf32, #tpu.memory_space<hbm>>
      tpu.wait_indirect_dma semaphore(%arg14 : memref<!tpu.dma_semaphore, #tpu.memory_space<semaphore_mem>>) src(%dma_wait3A_164 : memref<10240x128xf32, #tpu.memory_space<hbm>>) dst(%arg9 : memref<128x128xf32, #tpu.memory_space<vmem>>)
      %rem3A_165 = arith.constant 6 : i32
      %rem3A_166 = arith.remsi %mul3A_143, %rem3A_165 : i32
      "tpu.region"() ({
        %run_scoped3A = tpu.sem_alloc : memref<!tpu.dma_semaphore, #tpu.memory_space<semaphore_mem>>
        %dma_start3A_226 = arith.constant 0 : i32
        %dma_start3A_227 = tpu.memref_slice %arg8[%rem3A_166, %dma_start3A_226] : memref<6x128xi32, #tpu.memory_space<vmem>> -> memref<1x128xi32, #tpu.memory_space<vmem>>
        %dma_start3A_228 = tpu.memref_squeeze %dma_start3A_227 : memref<1x128xi32, #tpu.memory_space<vmem>> -> memref<128xi32, #tpu.memory_space<vmem>>
        %dma_start3A_229 = arith.constant 0 : i32
        %dma_start3A_230 = arith.constant 0 : i32
        %dma_start3A_231 = tpu.memref_slice %arg11[%dma_start3A_229, %dma_start3A_230] : memref<10240x128xf32, #tpu.memory_space<vmem_shared>> -> memref<10240x128xf32, #tpu.memory_space<vmem_shared>>
        tpu.enqueue_indirect_dma source(%arg9 : memref<128x128xf32, #tpu.memory_space<vmem>>) target(%dma_start3A_231 : memref<10240x128xf32, #tpu.memory_space<vmem_shared>>) offsets(%dma_start3A_228 : memref<128xi32, #tpu.memory_space<vmem>>) semaphore(%run_scoped3A : memref<!tpu.dma_semaphore, #tpu.memory_space<semaphore_mem>>) {add = true}
        %dma_wait3A_232 = arith.constant 0 : i32
        %dma_wait3A_233 = tpu.memref_slice %arg8[%rem3A_166, %dma_wait3A_232] : memref<6x128xi32, #tpu.memory_space<vmem>> -> memref<1x128xi32, #tpu.memory_space<vmem>>
        %dma_wait3A_234 = tpu.memref_squeeze %dma_wait3A_233 : memref<1x128xi32, #tpu.memory_space<vmem>> -> memref<128xi32, #tpu.memory_space<vmem>>
        %dma_wait3A_235 = arith.constant 0 : i32
        %dma_wait3A_236 = arith.constant 0 : i32
        %dma_wait3A_237 = tpu.memref_slice %arg11[%dma_wait3A_235, %dma_wait3A_236] : memref<10240x128xf32, #tpu.memory_space<vmem_shared>> -> memref<10240x128xf32, #tpu.memory_space<vmem_shared>>
        tpu.wait_indirect_dma semaphore(%run_scoped3A : memref<!tpu.dma_semaphore, #tpu.memory_space<semaphore_mem>>) src(%arg9 : memref<128x128xf32, #tpu.memory_space<vmem>>) dst(%dma_wait3A_237 : memref<10240x128xf32, #tpu.memory_space<vmem_shared>>)
        tpu.yield
      }) : () -> ()
      %add3A_167 = arith.constant 2 : i32
      %add3A_168 = arith.addi %mul3A_143, %add3A_167 : i32
      %lt3A_169 = arith.constant 79 : i32
      %lt3A_170 = arith.cmpi slt, %add3A_168, %lt3A_169 : i32
      %convert_element_type3A_171 = arith.extui %lt3A_170 : i1 to i32
      %cond3A_172 = arith.constant 0 : i32
      %cond3A_173 = arith.cmpi ne, %convert_element_type3A_171, %cond3A_172 : i32
      scf.if %cond3A_173 {
        %dma_wait3A_226 = arith.constant 0 : i32
        %dma_wait3A_227 = arith.constant 0 : i32
        %dma_wait3A_228 = arith.constant 0 : i32
        %dma_wait3A_229 = tpu.memref_slice %arg7[%dma_wait3A_227, %dma_wait3A_228] : memref<6x128xi32, #tpu.memory_space<vmem>> -> memref<1x128xi32, #tpu.memory_space<vmem>>
        %dma_wait3A_230 = tpu.memref_squeeze %dma_wait3A_229 : memref<1x128xi32, #tpu.memory_space<vmem>> -> memref<128xi32, #tpu.memory_space<vmem>>
        %dma_wait3A_231 = arith.constant 0 : i32
        %dma_wait3A_232 = tpu.memref_slice %arg3[%dma_wait3A_226, %dma_wait3A_231] : memref<1x320000xi32, #tpu.memory_space<hbm>> -> memref<1x128xi32, #tpu.memory_space<hbm>>
        %dma_wait3A_233 = tpu.memref_squeeze %dma_wait3A_232 : memref<1x128xi32, #tpu.memory_space<hbm>> -> memref<128xi32, #tpu.memory_space<hbm>>
        %dma_wait3A_234 = arith.constant 0 : i32
        %dma_wait3A_235 = tpu.memref_slice %arg7[%dma_wait3A_227, %dma_wait3A_234] : memref<6x128xi32, #tpu.memory_space<vmem>> -> memref<1x128xi32, #tpu.memory_space<vmem>>
        %dma_wait3A_236 = tpu.memref_squeeze %dma_wait3A_235 : memref<1x128xi32, #tpu.memory_space<vmem>> -> memref<128xi32, #tpu.memory_space<vmem>>
        %dma_wait3A_237 = arith.constant 0 : i32
        %dma_wait3A_238 = tpu.memref_slice %arg3[%dma_wait3A_226, %dma_wait3A_237] : memref<1x320000xi32, #tpu.memory_space<hbm>> -> memref<1x128xi32, #tpu.memory_space<hbm>>
        %dma_wait3A_239 = tpu.memref_squeeze %dma_wait3A_238 : memref<1x128xi32, #tpu.memory_space<hbm>> -> memref<128xi32, #tpu.memory_space<hbm>>
        tpu.wait_dma2 semaphore(%arg12 : memref<!tpu.dma_semaphore, #tpu.memory_space<semaphore_mem>>) src(%dma_wait3A_239 : memref<128xi32, #tpu.memory_space<hbm>>) dst(%dma_wait3A_236 : memref<128xi32, #tpu.memory_space<vmem>>)
        %add3A_240 = arith.constant 2 : i32
        %add3A_241 = arith.addi %mul3A_143, %add3A_240 : i32
        %rem3A_242 = arith.constant 6 : i32
        %rem3A_243 = arith.remsi %add3A_241, %rem3A_242 : i32
        %dma_start3A_244 = arith.constant 0 : i32
        %dma_start3A_245 = tpu.memref_slice %arg7[%rem3A_243, %dma_start3A_244] : memref<6x128xi32, #tpu.memory_space<vmem>> -> memref<1x128xi32, #tpu.memory_space<vmem>>
        %dma_start3A_246 = tpu.memref_squeeze %dma_start3A_245 : memref<1x128xi32, #tpu.memory_space<vmem>> -> memref<128xi32, #tpu.memory_space<vmem>>
        %dma_start3A_247 = arith.constant 0 : i32
        %dma_start3A_248 = arith.constant 0 : i32
        %dma_start3A_249 = tpu.memref_slice %arg2[%dma_start3A_247, %dma_start3A_248] : memref<10240x128xf32, #tpu.memory_space<hbm>> -> memref<10240x128xf32, #tpu.memory_space<hbm>>
        tpu.enqueue_indirect_dma source(%dma_start3A_249 : memref<10240x128xf32, #tpu.memory_space<hbm>>) target(%arg9 : memref<128x128xf32, #tpu.memory_space<vmem>>) offsets(%dma_start3A_246 : memref<128xi32, #tpu.memory_space<vmem>>) semaphore(%arg14 : memref<!tpu.dma_semaphore, #tpu.memory_space<semaphore_mem>>)
      } else {
      }
      %add3A_174 = arith.constant 6 : i32
      %add3A_175 = arith.addi %mul3A_143, %add3A_174 : i32
      %sub3A = arith.constant 1 : i32
      %sub3A_176 = arith.subi %add3A_175, %sub3A : i32
      %lt3A_177 = arith.constant 79 : i32
      %lt3A_178 = arith.cmpi slt, %sub3A_176, %lt3A_177 : i32
      %convert_element_type3A_179 = arith.extui %lt3A_178 : i1 to i32
      %cond3A_180 = arith.constant 0 : i32
      %cond3A_181 = arith.cmpi ne, %convert_element_type3A_179, %cond3A_180 : i32
      scf.if %cond3A_181 {
        %add3A_226 = arith.constant 6 : i32
        %add3A_227 = arith.addi %mul3A_143, %add3A_226 : i32
        %sub3A_228 = arith.constant 1 : i32
        %sub3A_229 = arith.subi %add3A_227, %sub3A_228 : i32
        %add3A_230 = arith.addi %mul3A_2, %sub3A_229 : i32
        %rem3A_231 = arith.constant 6 : i32
        %rem3A_232 = arith.remsi %sub3A_229, %rem3A_231 : i32
        %lt3A_233 = arith.constant 2500 : i32
        %lt3A_234 = arith.cmpi slt, %add3A_230, %lt3A_233 : i32
        %convert_element_type3A_235 = arith.extui %lt3A_234 : i1 to i32
        %cond3A_236 = arith.constant 0 : i32
        %cond3A_237 = arith.cmpi ne, %convert_element_type3A_235, %cond3A_236 : i32
        scf.if %cond3A_237 {
          %mul3A_243 = arith.constant 128 : i32
          %mul3A_244 = arith.muli %add3A_230, %mul3A_243 : i32
          %dma_start3A_245 = arith.constant 0 : i32
          %dma_start3A_246 = arith.constant 0 : i32
          %dma_start3A_247 = tpu.memref_slice %arg7[%rem3A_232, %dma_start3A_246] : memref<6x128xi32, #tpu.memory_space<vmem>> -> memref<1x128xi32, #tpu.memory_space<vmem>>
          %dma_start3A_248 = tpu.memref_squeeze %dma_start3A_247 : memref<1x128xi32, #tpu.memory_space<vmem>> -> memref<128xi32, #tpu.memory_space<vmem>>
          %dma_start3A_249 = tpu.memref_slice %arg3[%dma_start3A_245, %mul3A_244] : memref<1x320000xi32, #tpu.memory_space<hbm>> -> memref<1x128xi32, #tpu.memory_space<hbm>>
          %dma_start3A_250 = tpu.memref_squeeze %dma_start3A_249 : memref<1x128xi32, #tpu.memory_space<hbm>> -> memref<128xi32, #tpu.memory_space<hbm>>
          %dma_start3A_251 = arith.constant 0 : i32
          %dma_start3A_252 = tpu.memref_slice %arg7[%rem3A_232, %dma_start3A_251] : memref<6x128xi32, #tpu.memory_space<vmem>> -> memref<1x128xi32, #tpu.memory_space<vmem>>
          %dma_start3A_253 = tpu.memref_squeeze %dma_start3A_252 : memref<1x128xi32, #tpu.memory_space<vmem>> -> memref<128xi32, #tpu.memory_space<vmem>>
          %dma_start3A_254 = tpu.memref_slice %arg3[%dma_start3A_245, %mul3A_244] : memref<1x320000xi32, #tpu.memory_space<hbm>> -> memref<1x128xi32, #tpu.memory_space<hbm>>
          %dma_start3A_255 = tpu.memref_squeeze %dma_start3A_254 : memref<1x128xi32, #tpu.memory_space<hbm>> -> memref<128xi32, #tpu.memory_space<hbm>>
          tpu.enqueue_dma source(%dma_start3A_255 : memref<128xi32, #tpu.memory_space<hbm>>) target(%dma_start3A_253 : memref<128xi32, #tpu.memory_space<vmem>>) target_semaphore(%arg12 : memref<!tpu.dma_semaphore, #tpu.memory_space<semaphore_mem>>)
          %mul3A_256 = arith.constant 128 : i32
          %mul3A_257 = arith.muli %add3A_230, %mul3A_256 : i32
          %dma_start3A_258 = arith.constant 0 : i32
          %dma_start3A_259 = arith.constant 0 : i32
          %dma_start3A_260 = tpu.memref_slice %arg8[%rem3A_232, %dma_start3A_259] : memref<6x128xi32, #tpu.memory_space<vmem>> -> memref<1x128xi32, #tpu.memory_space<vmem>>
          %dma_start3A_261 = tpu.memref_squeeze %dma_start3A_260 : memref<1x128xi32, #tpu.memory_space<vmem>> -> memref<128xi32, #tpu.memory_space<vmem>>
          %dma_start3A_262 = tpu.memref_slice %arg4[%dma_start3A_258, %mul3A_257] : memref<1x320000xi32, #tpu.memory_space<hbm>> -> memref<1x128xi32, #tpu.memory_space<hbm>>
          %dma_start3A_263 = tpu.memref_squeeze %dma_start3A_262 : memref<1x128xi32, #tpu.memory_space<hbm>> -> memref<128xi32, #tpu.memory_space<hbm>>
          %dma_start3A_264 = arith.constant 0 : i32
          %dma_start3A_265 = tpu.memref_slice %arg8[%rem3A_232, %dma_start3A_264] : memref<6x128xi32, #tpu.memory_space<vmem>> -> memref<1x128xi32, #tpu.memory_space<vmem>>
          %dma_start3A_266 = tpu.memref_squeeze %dma_start3A_265 : memref<1x128xi32, #tpu.memory_space<vmem>> -> memref<128xi32, #tpu.memory_space<vmem>>
          %dma_start3A_267 = tpu.memref_slice %arg4[%dma_start3A_258, %mul3A_257] : memref<1x320000xi32, #tpu.memory_space<hbm>> -> memref<1x128xi32, #tpu.memory_space<hbm>>
          %dma_start3A_268 = tpu.memref_squeeze %dma_start3A_267 : memref<1x128xi32, #tpu.memory_space<hbm>> -> memref<128xi32, #tpu.memory_space<hbm>>
          tpu.enqueue_dma source(%dma_start3A_268 : memref<128xi32, #tpu.memory_space<hbm>>) target(%dma_start3A_266 : memref<128xi32, #tpu.memory_space<vmem>>) target_semaphore(%arg13 : memref<!tpu.dma_semaphore, #tpu.memory_space<semaphore_mem>>)
        } else {
        }
        %ge3A_238 = arith.constant 2500 : i32
        %ge3A_239 = arith.cmpi sge, %add3A_230, %ge3A_238 : i32
        %convert_element_type3A_240 = arith.extui %ge3A_239 : i1 to i32
        %cond3A_241 = arith.constant 0 : i32
        %cond3A_242 = arith.cmpi ne, %convert_element_type3A_240, %cond3A_241 : i32
        scf.if %cond3A_242 {
          %sub3A_243 = arith.constant 2500 : i32
          %sub3A_244 = arith.subi %add3A_230, %sub3A_243 : i32
          %dma_start3A_245 = arith.constant 0 : i32
          %dma_start3A_246 = tpu.memref_slice %arg7[%rem3A_232, %dma_start3A_245] : memref<6x128xi32, #tpu.memory_space<vmem>> -> memref<1x128xi32, #tpu.memory_space<vmem>>
          %dma_start3A_247 = tpu.memref_squeeze %dma_start3A_246 : memref<1x128xi32, #tpu.memory_space<vmem>> -> memref<128xi32, #tpu.memory_space<vmem>>
          %dma_start3A_248 = arith.constant 0 : i32
          %dma_start3A_249 = tpu.memref_slice %arg5[%sub3A_244, %dma_start3A_248] : memref<28x128xi32, #tpu.memory_space<hbm>> -> memref<1x128xi32, #tpu.memory_space<hbm>>
          %dma_start3A_250 = tpu.memref_squeeze %dma_start3A_249 : memref<1x128xi32, #tpu.memory_space<hbm>> -> memref<128xi32, #tpu.memory_space<hbm>>
          %dma_start3A_251 = arith.constant 0 : i32
          %dma_start3A_252 = tpu.memref_slice %arg7[%rem3A_232, %dma_start3A_251] : memref<6x128xi32, #tpu.memory_space<vmem>> -> memref<1x128xi32, #tpu.memory_space<vmem>>
          %dma_start3A_253 = tpu.memref_squeeze %dma_start3A_252 : memref<1x128xi32, #tpu.memory_space<vmem>> -> memref<128xi32, #tpu.memory_space<vmem>>
          %dma_start3A_254 = arith.constant 0 : i32
          %dma_start3A_255 = tpu.memref_slice %arg5[%sub3A_244, %dma_start3A_254] : memref<28x128xi32, #tpu.memory_space<hbm>> -> memref<1x128xi32, #tpu.memory_space<hbm>>
          %dma_start3A_256 = tpu.memref_squeeze %dma_start3A_255 : memref<1x128xi32, #tpu.memory_space<hbm>> -> memref<128xi32, #tpu.memory_space<hbm>>
          tpu.enqueue_dma source(%dma_start3A_256 : memref<128xi32, #tpu.memory_space<hbm>>) target(%dma_start3A_253 : memref<128xi32, #tpu.memory_space<vmem>>) target_semaphore(%arg12 : memref<!tpu.dma_semaphore, #tpu.memory_space<semaphore_mem>>)
          %sub3A_257 = arith.constant 2500 : i32
          %sub3A_258 = arith.subi %add3A_230, %sub3A_257 : i32
          %dma_start3A_259 = arith.constant 0 : i32
          %dma_start3A_260 = tpu.memref_slice %arg8[%rem3A_232, %dma_start3A_259] : memref<6x128xi32, #tpu.memory_space<vmem>> -> memref<1x128xi32, #tpu.memory_space<vmem>>
          %dma_start3A_261 = tpu.memref_squeeze %dma_start3A_260 : memref<1x128xi32, #tpu.memory_space<vmem>> -> memref<128xi32, #tpu.memory_space<vmem>>
          %dma_start3A_262 = arith.constant 0 : i32
          %dma_start3A_263 = tpu.memref_slice %arg5[%sub3A_258, %dma_start3A_262] : memref<28x128xi32, #tpu.memory_space<hbm>> -> memref<1x128xi32, #tpu.memory_space<hbm>>
          %dma_start3A_264 = tpu.memref_squeeze %dma_start3A_263 : memref<1x128xi32, #tpu.memory_space<hbm>> -> memref<128xi32, #tpu.memory_space<hbm>>
          %dma_start3A_265 = arith.constant 0 : i32
          %dma_start3A_266 = tpu.memref_slice %arg8[%rem3A_232, %dma_start3A_265] : memref<6x128xi32, #tpu.memory_space<vmem>> -> memref<1x128xi32, #tpu.memory_space<vmem>>
          %dma_start3A_267 = tpu.memref_squeeze %dma_start3A_266 : memref<1x128xi32, #tpu.memory_space<vmem>> -> memref<128xi32, #tpu.memory_space<vmem>>
          %dma_start3A_268 = arith.constant 0 : i32
          %dma_start3A_269 = tpu.memref_slice %arg5[%sub3A_258, %dma_start3A_268] : memref<28x128xi32, #tpu.memory_space<hbm>> -> memref<1x128xi32, #tpu.memory_space<hbm>>
          %dma_start3A_270 = tpu.memref_squeeze %dma_start3A_269 : memref<1x128xi32, #tpu.memory_space<hbm>> -> memref<128xi32, #tpu.memory_space<hbm>>
          tpu.enqueue_dma source(%dma_start3A_270 : memref<128xi32, #tpu.memory_space<hbm>>) target(%dma_start3A_267 : memref<128xi32, #tpu.memory_space<vmem>>) target_semaphore(%arg13 : memref<!tpu.dma_semaphore, #tpu.memory_space<semaphore_mem>>)
        } else {
        }
      } else {
      }
      %mul3A_182 = arith.constant 2 : i32
      %mul3A_183 = arith.muli %mul3A_182, %scan3A_140 : i32
      %add3A_184 = arith.constant 1 : i32
      %add3A_185 = arith.addi %mul3A_183, %add3A_184 : i32
      %dma_wait3A_186 = arith.constant 0 : i32
      %dma_wait3A_187 = arith.constant 0 : i32
      %dma_wait3A_188 = arith.constant 0 : i32
      %dma_wait3A_189 = tpu.memref_slice %arg8[%dma_wait3A_187, %dma_wait3A_188] : memref<6x128xi32, #tpu.memory_space<vmem>> -> memref<1x128xi32, #tpu.memory_space<vmem>>
      %dma_wait3A_190 = tpu.memref_squeeze %dma_wait3A_189 : memref<1x128xi32, #tpu.memory_space<vmem>> -> memref<128xi32, #tpu.memory_space<vmem>>
      %dma_wait3A_191 = arith.constant 0 : i32
      %dma_wait3A_192 = tpu.memref_slice %arg3[%dma_wait3A_186, %dma_wait3A_191] : memref<1x320000xi32, #tpu.memory_space<hbm>> -> memref<1x128xi32, #tpu.memory_space<hbm>>
      %dma_wait3A_193 = tpu.memref_squeeze %dma_wait3A_192 : memref<1x128xi32, #tpu.memory_space<hbm>> -> memref<128xi32, #tpu.memory_space<hbm>>
      %dma_wait3A_194 = arith.constant 0 : i32
      %dma_wait3A_195 = tpu.memref_slice %arg8[%dma_wait3A_187, %dma_wait3A_194] : memref<6x128xi32, #tpu.memory_space<vmem>> -> memref<1x128xi32, #tpu.memory_space<vmem>>
      %dma_wait3A_196 = tpu.memref_squeeze %dma_wait3A_195 : memref<1x128xi32, #tpu.memory_space<vmem>> -> memref<128xi32, #tpu.memory_space<vmem>>
      %dma_wait3A_197 = arith.constant 0 : i32
      %dma_wait3A_198 = tpu.memref_slice %arg3[%dma_wait3A_186, %dma_wait3A_197] : memref<1x320000xi32, #tpu.memory_space<hbm>> -> memref<1x128xi32, #tpu.memory_space<hbm>>
      %dma_wait3A_199 = tpu.memref_squeeze %dma_wait3A_198 : memref<1x128xi32, #tpu.memory_space<hbm>> -> memref<128xi32, #tpu.memory_space<hbm>>
      tpu.wait_dma2 semaphore(%arg13 : memref<!tpu.dma_semaphore, #tpu.memory_space<semaphore_mem>>) src(%dma_wait3A_199 : memref<128xi32, #tpu.memory_space<hbm>>) dst(%dma_wait3A_196 : memref<128xi32, #tpu.memory_space<vmem>>)
      %dma_wait3A_200 = arith.constant 0 : i32
      %dma_wait3A_201 = arith.constant 0 : i32
      %dma_wait3A_202 = tpu.memref_slice %arg7[%dma_wait3A_200, %dma_wait3A_201] : memref<6x128xi32, #tpu.memory_space<vmem>> -> memref<1x128xi32, #tpu.memory_space<vmem>>
      %dma_wait3A_203 = tpu.memref_squeeze %dma_wait3A_202 : memref<1x128xi32, #tpu.memory_space<vmem>> -> memref<128xi32, #tpu.memory_space<vmem>>
      %dma_wait3A_204 = arith.constant 0 : i32
      %dma_wait3A_205 = arith.constant 0 : i32
      %dma_wait3A_206 = tpu.memref_slice %arg2[%dma_wait3A_204, %dma_wait3A_205] : memref<10240x128xf32, #tpu.memory_space<hbm>> -> memref<10240x128xf32, #tpu.memory_space<hbm>>
      tpu.wait_indirect_dma semaphore(%arg15 : memref<!tpu.dma_semaphore, #tpu.memory_space<semaphore_mem>>) src(%dma_wait3A_206 : memref<10240x128xf32, #tpu.memory_space<hbm>>) dst(%arg10 : memref<128x128xf32, #tpu.memory_space<vmem>>)
      %rem3A_207 = arith.constant 6 : i32
      %rem3A_208 = arith.remsi %add3A_185, %rem3A_207 : i32
      "tpu.region"() ({
        %run_scoped3A = tpu.sem_alloc : memref<!tpu.dma_semaphore, #tpu.memory_space<semaphore_mem>>
        %dma_start3A_226 = arith.constant 0 : i32
        %dma_start3A_227 = tpu.memref_slice %arg8[%rem3A_208, %dma_start3A_226] : memref<6x128xi32, #tpu.memory_space<vmem>> -> memref<1x128xi32, #tpu.memory_space<vmem>>
        %dma_start3A_228 = tpu.memref_squeeze %dma_start3A_227 : memref<1x128xi32, #tpu.memory_space<vmem>> -> memref<128xi32, #tpu.memory_space<vmem>>
        %dma_start3A_229 = arith.constant 0 : i32
        %dma_start3A_230 = arith.constant 0 : i32
        %dma_start3A_231 = tpu.memref_slice %arg11[%dma_start3A_229, %dma_start3A_230] : memref<10240x128xf32, #tpu.memory_space<vmem_shared>> -> memref<10240x128xf32, #tpu.memory_space<vmem_shared>>
        tpu.enqueue_indirect_dma source(%arg10 : memref<128x128xf32, #tpu.memory_space<vmem>>) target(%dma_start3A_231 : memref<10240x128xf32, #tpu.memory_space<vmem_shared>>) offsets(%dma_start3A_228 : memref<128xi32, #tpu.memory_space<vmem>>) semaphore(%run_scoped3A : memref<!tpu.dma_semaphore, #tpu.memory_space<semaphore_mem>>) {add = true}
        %dma_wait3A_232 = arith.constant 0 : i32
        %dma_wait3A_233 = tpu.memref_slice %arg8[%rem3A_208, %dma_wait3A_232] : memref<6x128xi32, #tpu.memory_space<vmem>> -> memref<1x128xi32, #tpu.memory_space<vmem>>
        %dma_wait3A_234 = tpu.memref_squeeze %dma_wait3A_233 : memref<1x128xi32, #tpu.memory_space<vmem>> -> memref<128xi32, #tpu.memory_space<vmem>>
        %dma_wait3A_235 = arith.constant 0 : i32
        %dma_wait3A_236 = arith.constant 0 : i32
        %dma_wait3A_237 = tpu.memref_slice %arg11[%dma_wait3A_235, %dma_wait3A_236] : memref<10240x128xf32, #tpu.memory_space<vmem_shared>> -> memref<10240x128xf32, #tpu.memory_space<vmem_shared>>
        tpu.wait_indirect_dma semaphore(%run_scoped3A : memref<!tpu.dma_semaphore, #tpu.memory_space<semaphore_mem>>) src(%arg10 : memref<128x128xf32, #tpu.memory_space<vmem>>) dst(%dma_wait3A_237 : memref<10240x128xf32, #tpu.memory_space<vmem_shared>>)
        tpu.yield
      }) : () -> ()
      %add3A_209 = arith.constant 2 : i32
      %add3A_210 = arith.addi %add3A_185, %add3A_209 : i32
      %lt3A_211 = arith.constant 79 : i32
      %lt3A_212 = arith.cmpi slt, %add3A_210, %lt3A_211 : i32
      %convert_element_type3A_213 = arith.extui %lt3A_212 : i1 to i32
      %cond3A_214 = arith.constant 0 : i32
      %cond3A_215 = arith.cmpi ne, %convert_element_type3A_213, %cond3A_214 : i32
      scf.if %cond3A_215 {
        %dma_wait3A_226 = arith.constant 0 : i32
        %dma_wait3A_227 = arith.constant 0 : i32
        %dma_wait3A_228 = arith.constant 0 : i32
        %dma_wait3A_229 = tpu.memref_slice %arg7[%dma_wait3A_227, %dma_wait3A_228] : memref<6x128xi32, #tpu.memory_space<vmem>> -> memref<1x128xi32, #tpu.memory_space<vmem>>
        %dma_wait3A_230 = tpu.memref_squeeze %dma_wait3A_229 : memref<1x128xi32, #tpu.memory_space<vmem>> -> memref<128xi32, #tpu.memory_space<vmem>>
        %dma_wait3A_231 = arith.constant 0 : i32
        %dma_wait3A_232 = tpu.memref_slice %arg3[%dma_wait3A_226, %dma_wait3A_231] : memref<1x320000xi32, #tpu.memory_space<hbm>> -> memref<1x128xi32, #tpu.memory_space<hbm>>
        %dma_wait3A_233 = tpu.memref_squeeze %dma_wait3A_232 : memref<1x128xi32, #tpu.memory_space<hbm>> -> memref<128xi32, #tpu.memory_space<hbm>>
        %dma_wait3A_234 = arith.constant 0 : i32
        %dma_wait3A_235 = tpu.memref_slice %arg7[%dma_wait3A_227, %dma_wait3A_234] : memref<6x128xi32, #tpu.memory_space<vmem>> -> memref<1x128xi32, #tpu.memory_space<vmem>>
        %dma_wait3A_236 = tpu.memref_squeeze %dma_wait3A_235 : memref<1x128xi32, #tpu.memory_space<vmem>> -> memref<128xi32, #tpu.memory_space<vmem>>
        %dma_wait3A_237 = arith.constant 0 : i32
        %dma_wait3A_238 = tpu.memref_slice %arg3[%dma_wait3A_226, %dma_wait3A_237] : memref<1x320000xi32, #tpu.memory_space<hbm>> -> memref<1x128xi32, #tpu.memory_space<hbm>>
        %dma_wait3A_239 = tpu.memref_squeeze %dma_wait3A_238 : memref<1x128xi32, #tpu.memory_space<hbm>> -> memref<128xi32, #tpu.memory_space<hbm>>
        tpu.wait_dma2 semaphore(%arg12 : memref<!tpu.dma_semaphore, #tpu.memory_space<semaphore_mem>>) src(%dma_wait3A_239 : memref<128xi32, #tpu.memory_space<hbm>>) dst(%dma_wait3A_236 : memref<128xi32, #tpu.memory_space<vmem>>)
        %add3A_240 = arith.constant 2 : i32
        %add3A_241 = arith.addi %add3A_185, %add3A_240 : i32
        %rem3A_242 = arith.constant 6 : i32
        %rem3A_243 = arith.remsi %add3A_241, %rem3A_242 : i32
        %dma_start3A_244 = arith.constant 0 : i32
        %dma_start3A_245 = tpu.memref_slice %arg7[%rem3A_243, %dma_start3A_244] : memref<6x128xi32, #tpu.memory_space<vmem>> -> memref<1x128xi32, #tpu.memory_space<vmem>>
        %dma_start3A_246 = tpu.memref_squeeze %dma_start3A_245 : memref<1x128xi32, #tpu.memory_space<vmem>> -> memref<128xi32, #tpu.memory_space<vmem>>
        %dma_start3A_247 = arith.constant 0 : i32
        %dma_start3A_248 = arith.constant 0 : i32
        %dma_start3A_249 = tpu.memref_slice %arg2[%dma_start3A_247, %dma_start3A_248] : memref<10240x128xf32, #tpu.memory_space<hbm>> -> memref<10240x128xf32, #tpu.memory_space<hbm>>
        tpu.enqueue_indirect_dma source(%dma_start3A_249 : memref<10240x128xf32, #tpu.memory_space<hbm>>) target(%arg10 : memref<128x128xf32, #tpu.memory_space<vmem>>) offsets(%dma_start3A_246 : memref<128xi32, #tpu.memory_space<vmem>>) semaphore(%arg15 : memref<!tpu.dma_semaphore, #tpu.memory_space<semaphore_mem>>)
      } else {
      }
      %add3A_216 = arith.constant 6 : i32
      %add3A_217 = arith.addi %add3A_185, %add3A_216 : i32
      %sub3A_218 = arith.constant 1 : i32
      %sub3A_219 = arith.subi %add3A_217, %sub3A_218 : i32
      %lt3A_220 = arith.constant 79 : i32
      %lt3A_221 = arith.cmpi slt, %sub3A_219, %lt3A_220 : i32
      %convert_element_type3A_222 = arith.extui %lt3A_221 : i1 to i32
      %cond3A_223 = arith.constant 0 : i32
      %cond3A_224 = arith.cmpi ne, %convert_element_type3A_222, %cond3A_223 : i32
      scf.if %cond3A_224 {
        %add3A_226 = arith.constant 6 : i32
        %add3A_227 = arith.addi %add3A_185, %add3A_226 : i32
        %sub3A_228 = arith.constant 1 : i32
        %sub3A_229 = arith.subi %add3A_227, %sub3A_228 : i32
        %add3A_230 = arith.addi %mul3A_2, %sub3A_229 : i32
        %rem3A_231 = arith.constant 6 : i32
        %rem3A_232 = arith.remsi %sub3A_229, %rem3A_231 : i32
        %lt3A_233 = arith.constant 2500 : i32
        %lt3A_234 = arith.cmpi slt, %add3A_230, %lt3A_233 : i32
        %convert_element_type3A_235 = arith.extui %lt3A_234 : i1 to i32
        %cond3A_236 = arith.constant 0 : i32
        %cond3A_237 = arith.cmpi ne, %convert_element_type3A_235, %cond3A_236 : i32
        scf.if %cond3A_237 {
          %mul3A_243 = arith.constant 128 : i32
          %mul3A_244 = arith.muli %add3A_230, %mul3A_243 : i32
          %dma_start3A_245 = arith.constant 0 : i32
          %dma_start3A_246 = arith.constant 0 : i32
          %dma_start3A_247 = tpu.memref_slice %arg7[%rem3A_232, %dma_start3A_246] : memref<6x128xi32, #tpu.memory_space<vmem>> -> memref<1x128xi32, #tpu.memory_space<vmem>>
          %dma_start3A_248 = tpu.memref_squeeze %dma_start3A_247 : memref<1x128xi32, #tpu.memory_space<vmem>> -> memref<128xi32, #tpu.memory_space<vmem>>
          %dma_start3A_249 = tpu.memref_slice %arg3[%dma_start3A_245, %mul3A_244] : memref<1x320000xi32, #tpu.memory_space<hbm>> -> memref<1x128xi32, #tpu.memory_space<hbm>>
          %dma_start3A_250 = tpu.memref_squeeze %dma_start3A_249 : memref<1x128xi32, #tpu.memory_space<hbm>> -> memref<128xi32, #tpu.memory_space<hbm>>
          %dma_start3A_251 = arith.constant 0 : i32
          %dma_start3A_252 = tpu.memref_slice %arg7[%rem3A_232, %dma_start3A_251] : memref<6x128xi32, #tpu.memory_space<vmem>> -> memref<1x128xi32, #tpu.memory_space<vmem>>
          %dma_start3A_253 = tpu.memref_squeeze %dma_start3A_252 : memref<1x128xi32, #tpu.memory_space<vmem>> -> memref<128xi32, #tpu.memory_space<vmem>>
          %dma_start3A_254 = tpu.memref_slice %arg3[%dma_start3A_245, %mul3A_244] : memref<1x320000xi32, #tpu.memory_space<hbm>> -> memref<1x128xi32, #tpu.memory_space<hbm>>
          %dma_start3A_255 = tpu.memref_squeeze %dma_start3A_254 : memref<1x128xi32, #tpu.memory_space<hbm>> -> memref<128xi32, #tpu.memory_space<hbm>>
          tpu.enqueue_dma source(%dma_start3A_255 : memref<128xi32, #tpu.memory_space<hbm>>) target(%dma_start3A_253 : memref<128xi32, #tpu.memory_space<vmem>>) target_semaphore(%arg12 : memref<!tpu.dma_semaphore, #tpu.memory_space<semaphore_mem>>)
          %mul3A_256 = arith.constant 128 : i32
          %mul3A_257 = arith.muli %add3A_230, %mul3A_256 : i32
          %dma_start3A_258 = arith.constant 0 : i32
          %dma_start3A_259 = arith.constant 0 : i32
          %dma_start3A_260 = tpu.memref_slice %arg8[%rem3A_232, %dma_start3A_259] : memref<6x128xi32, #tpu.memory_space<vmem>> -> memref<1x128xi32, #tpu.memory_space<vmem>>
          %dma_start3A_261 = tpu.memref_squeeze %dma_start3A_260 : memref<1x128xi32, #tpu.memory_space<vmem>> -> memref<128xi32, #tpu.memory_space<vmem>>
          %dma_start3A_262 = tpu.memref_slice %arg4[%dma_start3A_258, %mul3A_257] : memref<1x320000xi32, #tpu.memory_space<hbm>> -> memref<1x128xi32, #tpu.memory_space<hbm>>
          %dma_start3A_263 = tpu.memref_squeeze %dma_start3A_262 : memref<1x128xi32, #tpu.memory_space<hbm>> -> memref<128xi32, #tpu.memory_space<hbm>>
          %dma_start3A_264 = arith.constant 0 : i32
          %dma_start3A_265 = tpu.memref_slice %arg8[%rem3A_232, %dma_start3A_264] : memref<6x128xi32, #tpu.memory_space<vmem>> -> memref<1x128xi32, #tpu.memory_space<vmem>>
          %dma_start3A_266 = tpu.memref_squeeze %dma_start3A_265 : memref<1x128xi32, #tpu.memory_space<vmem>> -> memref<128xi32, #tpu.memory_space<vmem>>
          %dma_start3A_267 = tpu.memref_slice %arg4[%dma_start3A_258, %mul3A_257] : memref<1x320000xi32, #tpu.memory_space<hbm>> -> memref<1x128xi32, #tpu.memory_space<hbm>>
          %dma_start3A_268 = tpu.memref_squeeze %dma_start3A_267 : memref<1x128xi32, #tpu.memory_space<hbm>> -> memref<128xi32, #tpu.memory_space<hbm>>
          tpu.enqueue_dma source(%dma_start3A_268 : memref<128xi32, #tpu.memory_space<hbm>>) target(%dma_start3A_266 : memref<128xi32, #tpu.memory_space<vmem>>) target_semaphore(%arg13 : memref<!tpu.dma_semaphore, #tpu.memory_space<semaphore_mem>>)
        } else {
        }
        %ge3A_238 = arith.constant 2500 : i32
        %ge3A_239 = arith.cmpi sge, %add3A_230, %ge3A_238 : i32
        %convert_element_type3A_240 = arith.extui %ge3A_239 : i1 to i32
        %cond3A_241 = arith.constant 0 : i32
        %cond3A_242 = arith.cmpi ne, %convert_element_type3A_240, %cond3A_241 : i32
        scf.if %cond3A_242 {
          %sub3A_243 = arith.constant 2500 : i32
          %sub3A_244 = arith.subi %add3A_230, %sub3A_243 : i32
          %dma_start3A_245 = arith.constant 0 : i32
          %dma_start3A_246 = tpu.memref_slice %arg7[%rem3A_232, %dma_start3A_245] : memref<6x128xi32, #tpu.memory_space<vmem>> -> memref<1x128xi32, #tpu.memory_space<vmem>>
          %dma_start3A_247 = tpu.memref_squeeze %dma_start3A_246 : memref<1x128xi32, #tpu.memory_space<vmem>> -> memref<128xi32, #tpu.memory_space<vmem>>
          %dma_start3A_248 = arith.constant 0 : i32
          %dma_start3A_249 = tpu.memref_slice %arg5[%sub3A_244, %dma_start3A_248] : memref<28x128xi32, #tpu.memory_space<hbm>> -> memref<1x128xi32, #tpu.memory_space<hbm>>
          %dma_start3A_250 = tpu.memref_squeeze %dma_start3A_249 : memref<1x128xi32, #tpu.memory_space<hbm>> -> memref<128xi32, #tpu.memory_space<hbm>>
          %dma_start3A_251 = arith.constant 0 : i32
          %dma_start3A_252 = tpu.memref_slice %arg7[%rem3A_232, %dma_start3A_251] : memref<6x128xi32, #tpu.memory_space<vmem>> -> memref<1x128xi32, #tpu.memory_space<vmem>>
          %dma_start3A_253 = tpu.memref_squeeze %dma_start3A_252 : memref<1x128xi32, #tpu.memory_space<vmem>> -> memref<128xi32, #tpu.memory_space<vmem>>
          %dma_start3A_254 = arith.constant 0 : i32
          %dma_start3A_255 = tpu.memref_slice %arg5[%sub3A_244, %dma_start3A_254] : memref<28x128xi32, #tpu.memory_space<hbm>> -> memref<1x128xi32, #tpu.memory_space<hbm>>
          %dma_start3A_256 = tpu.memref_squeeze %dma_start3A_255 : memref<1x128xi32, #tpu.memory_space<hbm>> -> memref<128xi32, #tpu.memory_space<hbm>>
          tpu.enqueue_dma source(%dma_start3A_256 : memref<128xi32, #tpu.memory_space<hbm>>) target(%dma_start3A_253 : memref<128xi32, #tpu.memory_space<vmem>>) target_semaphore(%arg12 : memref<!tpu.dma_semaphore, #tpu.memory_space<semaphore_mem>>)
          %sub3A_257 = arith.constant 2500 : i32
          %sub3A_258 = arith.subi %add3A_230, %sub3A_257 : i32
          %dma_start3A_259 = arith.constant 0 : i32
          %dma_start3A_260 = tpu.memref_slice %arg8[%rem3A_232, %dma_start3A_259] : memref<6x128xi32, #tpu.memory_space<vmem>> -> memref<1x128xi32, #tpu.memory_space<vmem>>
          %dma_start3A_261 = tpu.memref_squeeze %dma_start3A_260 : memref<1x128xi32, #tpu.memory_space<vmem>> -> memref<128xi32, #tpu.memory_space<vmem>>
          %dma_start3A_262 = arith.constant 0 : i32
          %dma_start3A_263 = tpu.memref_slice %arg5[%sub3A_258, %dma_start3A_262] : memref<28x128xi32, #tpu.memory_space<hbm>> -> memref<1x128xi32, #tpu.memory_space<hbm>>
          %dma_start3A_264 = tpu.memref_squeeze %dma_start3A_263 : memref<1x128xi32, #tpu.memory_space<hbm>> -> memref<128xi32, #tpu.memory_space<hbm>>
          %dma_start3A_265 = arith.constant 0 : i32
          %dma_start3A_266 = tpu.memref_slice %arg8[%rem3A_232, %dma_start3A_265] : memref<6x128xi32, #tpu.memory_space<vmem>> -> memref<1x128xi32, #tpu.memory_space<vmem>>
          %dma_start3A_267 = tpu.memref_squeeze %dma_start3A_266 : memref<1x128xi32, #tpu.memory_space<vmem>> -> memref<128xi32, #tpu.memory_space<vmem>>
          %dma_start3A_268 = arith.constant 0 : i32
          %dma_start3A_269 = tpu.memref_slice %arg5[%sub3A_258, %dma_start3A_268] : memref<28x128xi32, #tpu.memory_space<hbm>> -> memref<1x128xi32, #tpu.memory_space<hbm>>
          %dma_start3A_270 = tpu.memref_squeeze %dma_start3A_269 : memref<1x128xi32, #tpu.memory_space<hbm>> -> memref<128xi32, #tpu.memory_space<hbm>>
          tpu.enqueue_dma source(%dma_start3A_270 : memref<128xi32, #tpu.memory_space<hbm>>) target(%dma_start3A_267 : memref<128xi32, #tpu.memory_space<vmem>>) target_semaphore(%arg13 : memref<!tpu.dma_semaphore, #tpu.memory_space<semaphore_mem>>)
        } else {
        }
      } else {
      }
      %scan3A_225 = arith.constant 0 : i32
      scf.yield %scan3A_225 : i32
    }
    %scan3A_115 = arith.constant 39 : i32
    %dma_wait3A_116 = arith.constant 0 : i32
    %dma_wait3A_117 = arith.constant 0 : i32
    %dma_wait3A_118 = arith.constant 0 : i32
    %dma_wait3A_119 = tpu.memref_slice %arg8[%dma_wait3A_117, %dma_wait3A_118] : memref<6x128xi32, #tpu.memory_space<vmem>> -> memref<1x128xi32, #tpu.memory_space<vmem>>
    %dma_wait3A_120 = tpu.memref_squeeze %dma_wait3A_119 : memref<1x128xi32, #tpu.memory_space<vmem>> -> memref<128xi32, #tpu.memory_space<vmem>>
    %dma_wait3A_121 = arith.constant 0 : i32
    %dma_wait3A_122 = tpu.memref_slice %arg3[%dma_wait3A_116, %dma_wait3A_121] : memref<1x320000xi32, #tpu.memory_space<hbm>> -> memref<1x128xi32, #tpu.memory_space<hbm>>
    %dma_wait3A_123 = tpu.memref_squeeze %dma_wait3A_122 : memref<1x128xi32, #tpu.memory_space<hbm>> -> memref<128xi32, #tpu.memory_space<hbm>>
    %dma_wait3A_124 = arith.constant 0 : i32
    %dma_wait3A_125 = tpu.memref_slice %arg8[%dma_wait3A_117, %dma_wait3A_124] : memref<6x128xi32, #tpu.memory_space<vmem>> -> memref<1x128xi32, #tpu.memory_space<vmem>>
    %dma_wait3A_126 = tpu.memref_squeeze %dma_wait3A_125 : memref<1x128xi32, #tpu.memory_space<vmem>> -> memref<128xi32, #tpu.memory_space<vmem>>
    %dma_wait3A_127 = arith.constant 0 : i32
    %dma_wait3A_128 = tpu.memref_slice %arg3[%dma_wait3A_116, %dma_wait3A_127] : memref<1x320000xi32, #tpu.memory_space<hbm>> -> memref<1x128xi32, #tpu.memory_space<hbm>>
    %dma_wait3A_129 = tpu.memref_squeeze %dma_wait3A_128 : memref<1x128xi32, #tpu.memory_space<hbm>> -> memref<128xi32, #tpu.memory_space<hbm>>
    tpu.wait_dma2 semaphore(%arg13 : memref<!tpu.dma_semaphore, #tpu.memory_space<semaphore_mem>>) src(%dma_wait3A_129 : memref<128xi32, #tpu.memory_space<hbm>>) dst(%dma_wait3A_126 : memref<128xi32, #tpu.memory_space<vmem>>)
    %dma_wait3A_130 = arith.constant 0 : i32
    %dma_wait3A_131 = arith.constant 0 : i32
    %dma_wait3A_132 = tpu.memref_slice %arg7[%dma_wait3A_130, %dma_wait3A_131] : memref<6x128xi32, #tpu.memory_space<vmem>> -> memref<1x128xi32, #tpu.memory_space<vmem>>
    %dma_wait3A_133 = tpu.memref_squeeze %dma_wait3A_132 : memref<1x128xi32, #tpu.memory_space<vmem>> -> memref<128xi32, #tpu.memory_space<vmem>>
    %dma_wait3A_134 = arith.constant 0 : i32
    %dma_wait3A_135 = arith.constant 0 : i32
    %dma_wait3A_136 = tpu.memref_slice %arg2[%dma_wait3A_134, %dma_wait3A_135] : memref<10240x128xf32, #tpu.memory_space<hbm>> -> memref<10240x128xf32, #tpu.memory_space<hbm>>
    tpu.wait_indirect_dma semaphore(%arg14 : memref<!tpu.dma_semaphore, #tpu.memory_space<semaphore_mem>>) src(%dma_wait3A_136 : memref<10240x128xf32, #tpu.memory_space<hbm>>) dst(%arg9 : memref<128x128xf32, #tpu.memory_space<vmem>>)
    %rem3A = arith.constant 78 : i32
    %rem3A_137 = arith.constant 6 : i32
    %rem3A_138 = arith.remsi %rem3A, %rem3A_137 : i32
    "tpu.region"() ({
      %run_scoped3A = tpu.sem_alloc : memref<!tpu.dma_semaphore, #tpu.memory_space<semaphore_mem>>
      %dma_start3A_140 = arith.constant 0 : i32
      %dma_start3A_141 = tpu.memref_slice %arg8[%rem3A_138, %dma_start3A_140] : memref<6x128xi32, #tpu.memory_space<vmem>> -> memref<1x128xi32, #tpu.memory_space<vmem>>
      %dma_start3A_142 = tpu.memref_squeeze %dma_start3A_141 : memref<1x128xi32, #tpu.memory_space<vmem>> -> memref<128xi32, #tpu.memory_space<vmem>>
      %dma_start3A_143 = arith.constant 0 : i32
      %dma_start3A_144 = arith.constant 0 : i32
      %dma_start3A_145 = tpu.memref_slice %arg11[%dma_start3A_143, %dma_start3A_144] : memref<10240x128xf32, #tpu.memory_space<vmem_shared>> -> memref<10240x128xf32, #tpu.memory_space<vmem_shared>>
      tpu.enqueue_indirect_dma source(%arg9 : memref<128x128xf32, #tpu.memory_space<vmem>>) target(%dma_start3A_145 : memref<10240x128xf32, #tpu.memory_space<vmem_shared>>) offsets(%dma_start3A_142 : memref<128xi32, #tpu.memory_space<vmem>>) semaphore(%run_scoped3A : memref<!tpu.dma_semaphore, #tpu.memory_space<semaphore_mem>>) {add = true}
      %dma_wait3A_146 = arith.constant 0 : i32
      %dma_wait3A_147 = tpu.memref_slice %arg8[%rem3A_138, %dma_wait3A_146] : memref<6x128xi32, #tpu.memory_space<vmem>> -> memref<1x128xi32, #tpu.memory_space<vmem>>
      %dma_wait3A_148 = tpu.memref_squeeze %dma_wait3A_147 : memref<1x128xi32, #tpu.memory_space<vmem>> -> memref<128xi32, #tpu.memory_space<vmem>>
      %dma_wait3A_149 = arith.constant 0 : i32
      %dma_wait3A_150 = arith.constant 0 : i32
      %dma_wait3A_151 = tpu.memref_slice %arg11[%dma_wait3A_149, %dma_wait3A_150] : memref<10240x128xf32, #tpu.memory_space<vmem_shared>> -> memref<10240x128xf32, #tpu.memory_space<vmem_shared>>
      tpu.wait_indirect_dma semaphore(%run_scoped3A : memref<!tpu.dma_semaphore, #tpu.memory_space<semaphore_mem>>) src(%arg9 : memref<128x128xf32, #tpu.memory_space<vmem>>) dst(%dma_wait3A_151 : memref<10240x128xf32, #tpu.memory_space<vmem_shared>>)
      tpu.yield
    }) : () -> ()
    %barrier3A_139 = arith.constant 0 : index
    tpu.barrier barrier_id(%barrier3A_139)
    "tpu.region"() ({
      %run_scoped3A = tpu.sem_alloc : memref<!tpu.dma_semaphore, #tpu.memory_space<semaphore_mem>>
      %dma_start3A_140 = arith.constant 0 : i32
      %dma_start3A_141 = tpu.memref_slice %arg6[%arg0, %mul3A_100, %dma_start3A_140] : memref<2x10240x128xf32, #tpu.memory_space<hbm>> -> memref<1x640x128xf32, #tpu.memory_space<hbm>>
      %dma_start3A_142 = tpu.memref_squeeze %dma_start3A_141 : memref<1x640x128xf32, #tpu.memory_space<hbm>> -> memref<640x128xf32, #tpu.memory_space<hbm>>
      %dma_start3A_143 = arith.constant 0 : i32
      %dma_start3A_144 = tpu.memref_slice %arg11[%mul3A_100, %dma_start3A_143] : memref<10240x128xf32, #tpu.memory_space<vmem_shared>> -> memref<640x128xf32, #tpu.memory_space<vmem_shared>>
      tpu.enqueue_dma source(%dma_start3A_144 : memref<640x128xf32, #tpu.memory_space<vmem_shared>>) target(%dma_start3A_142 : memref<640x128xf32, #tpu.memory_space<hbm>>) target_semaphore(%run_scoped3A : memref<!tpu.dma_semaphore, #tpu.memory_space<semaphore_mem>>)
      %dma_wait3A_145 = arith.constant 0 : i32
      %dma_wait3A_146 = tpu.memref_slice %arg6[%arg0, %mul3A_100, %dma_wait3A_145] : memref<2x10240x128xf32, #tpu.memory_space<hbm>> -> memref<1x640x128xf32, #tpu.memory_space<hbm>>
      %dma_wait3A_147 = tpu.memref_squeeze %dma_wait3A_146 : memref<1x640x128xf32, #tpu.memory_space<hbm>> -> memref<640x128xf32, #tpu.memory_space<hbm>>
      %dma_wait3A_148 = arith.constant 0 : i32
      %dma_wait3A_149 = tpu.memref_slice %arg11[%mul3A_100, %dma_wait3A_148] : memref<10240x128xf32, #tpu.memory_space<vmem_shared>> -> memref<640x128xf32, #tpu.memory_space<vmem_shared>>
      tpu.wait_dma2 semaphore(%run_scoped3A : memref<!tpu.dma_semaphore, #tpu.memory_space<semaphore_mem>>) src(%dma_wait3A_149 : memref<640x128xf32, #tpu.memory_space<vmem_shared>>) dst(%dma_wait3A_147 : memref<640x128xf32, #tpu.memory_space<hbm>>)
      tpu.yield
    }) : () -> ()
    return
  }
}

module attributes {stable_mosaic.version = 14 : i64} {
  func.func @_tc1_body(%arg0: i32, %arg1: memref<1024x128xf32, #tpu.memory_space<vmem>>, %arg2: memref<128x128xf32, #tpu.memory_space<vmem>>, %arg3: memref<2x1024x16xf32, #tpu.memory_space<vmem>>, %arg4: memref<1024x128xf32, #tpu.memory_space<vmem>>) attributes {dimension_semantics = [#tpu.dimension_semantics<arbitrary>], iteration_bounds = array<i64: 10>, scalar_prefetch = 0 : i64, scratch_operands = 0 : i64, tpu.core_type = #tpu.core_type<tc>, window_params = [{transform_indices = @transform_0, window_bounds = array<i64: 1024, 128>}, {pipeline_mode = #tpu.pipeline_mode<synchronous>, transform_indices = @transform_1, window_bounds = array<i64: 128, 128>}, {transform_indices = @transform_2, window_bounds = array<i64: 2, 1024, 16>}, {transform_indices = @transform_3, window_bounds = array<i64: 1024, 128>}]} {
    %get3A = arith.constant 0 : index
    %get3A_0 = arith.constant 0 : index
    %get3A_1 = arith.constant 0 : index
    %get3A_2 = vector.load %arg3[%get3A, %get3A_0, %get3A_1] : memref<2x1024x16xf32, #tpu.memory_space<vmem>>, vector<2x1024x16xf32>
    %reduce_sum3A = arith.constant dense<0.000000e+00> : vector<1024x16xf32>
    %reduce_sum3A_3 = vector.multi_reduction <add>, %get3A_2, %reduce_sum3A [0] : vector<2x1024x16xf32> to vector<1024x16xf32>
    %slice3A = vector.extract_strided_slice %reduce_sum3A_3 {offsets = [0, 0], sizes = [1024, 1], strides = [1, 1]} : vector<1024x16xf32> to vector<1024x1xf32>
    %add3A = arith.constant 1.000000e+00 : f32
    %add3A_4 = vector.broadcast %add3A : f32 to vector<1024x1xf32>
    %add3A_5 = arith.addf %slice3A, %add3A_4 : vector<1024x1xf32>
    %rsqrt3A = math.rsqrt %add3A_5 : vector<1024x1xf32>
    %get3A_6 = arith.constant 0 : index
    %get3A_7 = arith.constant 0 : index
    %get3A_8 = vector.load %arg1[%get3A_6, %get3A_7] : memref<1024x128xf32, #tpu.memory_space<vmem>>, vector<1024x128xf32>
    %get3A_9 = arith.constant 0 : index
    %get3A_10 = arith.constant 0 : index
    %get3A_11 = vector.load %arg2[%get3A_9, %get3A_10] : memref<128x128xf32, #tpu.memory_space<vmem>>, vector<128x128xf32>
    %dot_general3A = arith.constant dense<0.000000e+00> : vector<1024x128xf32>
    %dot_general3A_12 = tpu.matmul %get3A_8, %get3A_11, %dot_general3A {dimension_numbers = #tpu.dot_dimension_numbers<[1], [0], [0], [1], [0, 0, 1, 1], [], []>, transpose_lhs_hint = false} : vector<1024x128xf32>, vector<128x128xf32>, vector<1024x128xf32> -> vector<1024x128xf32>
    %mul3A = vector.broadcast %rsqrt3A : vector<1024x1xf32> to vector<1024x128xf32>
    %mul3A_13 = arith.mulf %dot_general3A_12, %mul3A : vector<1024x128xf32>
    %mul3A_14 = arith.constant 1024 : i32
    %mul3A_15 = arith.muli %arg0, %mul3A_14 : i32
    %iota3A = tpu.iota {dimensions = array<i32: 0>} : vector<1024x1xi32>
    %add3A_16 = vector.broadcast %mul3A_15 : i32 to vector<1024x1xi32>
    %add3A_17 = arith.addi %add3A_16, %iota3A : vector<1024x1xi32>
    %lt3A = arith.constant 10000 : i32
    %lt3A_18 = vector.broadcast %lt3A : i32 to vector<1024x1xi32>
    %lt3A_19 = arith.cmpi slt, %add3A_17, %lt3A_18 : vector<1024x1xi32>
    %jit3A = arith.constant 0.000000e+00 : f32
    %broadcast_in_dim3A = vector.shape_cast %lt3A_19 : vector<1024x1xi1> to vector<1024x1xi1>
    %broadcast_in_dim3A_20 = vector.broadcast %broadcast_in_dim3A : vector<1024x1xi1> to vector<1024x128xi1>
    %broadcast_in_dim3A_21 = vector.broadcast %jit3A : f32 to vector<1024x128xf32>
    %select_n3A = arith.select %broadcast_in_dim3A_20, %mul3A_13, %broadcast_in_dim3A_21 : vector<1024x128xi1>, vector<1024x128xf32>
    %swap3A = arith.constant 0 : index
    %swap3A_22 = arith.constant 0 : index
    %swap3A_23 = vector.load %arg4[%swap3A, %swap3A_22] : memref<1024x128xf32, #tpu.memory_space<vmem>>, vector<1024x128xf32>
    tpu.vector_store %arg4[%swap3A, %swap3A_22], %select_n3A {strides = array<i32>} : memref<1024x128xf32, #tpu.memory_space<vmem>>, vector<1024x128xf32>,
    return
  }
  func.func @transform_0(%arg0: i32) -> (i32, i32) {
    %c0_i32 = arith.constant 0 : i32
    %c0_i32_0 = arith.constant 0 : i32
    return %arg0, %c0_i32 : i32, i32
  }
  func.func @transform_1(%arg0: i32) -> (i32, i32) {
    %c0_i32 = arith.constant 0 : i32
    %c0_i32_0 = arith.constant 0 : i32
    %c0_i32_1 = arith.constant 0 : i32
    return %c0_i32, %c0_i32_0 : i32, i32
  }
  func.func @transform_2(%arg0: i32) -> (i32, i32, i32) {
    %c0_i32 = arith.constant 0 : i32
    %c0_i32_0 = arith.constant 0 : i32
    %c0_i32_1 = arith.constant 0 : i32
    return %c0_i32, %arg0, %c0_i32_0 : i32, i32, i32
  }
  func.func @transform_3(%arg0: i32) -> (i32, i32) {
    %c0_i32 = arith.constant 0 : i32
    %c0_i32_0 = arith.constant 0 : i32
    return %arg0, %c0_i32 : i32, i32
  }
}

module attributes {stable_mosaic.version = 14 : i64} {
  func.func @_tc2_body(%arg0: i32, %arg1: memref<2x1024x128xf32, #tpu.memory_space<vmem>>, %arg2: memref<2x1024x16xf32, #tpu.memory_space<vmem>>, %arg3: memref<1x128xf32, #tpu.memory_space<vmem>>, %arg4: memref<128x64xf32, #tpu.memory_space<vmem>>, %arg5: memref<1024x64xf32, #tpu.memory_space<vmem>>) attributes {dimension_semantics = [#tpu.dimension_semantics<arbitrary>], iteration_bounds = array<i64: 10>, scalar_prefetch = 0 : i64, scratch_operands = 0 : i64, tpu.core_type = #tpu.core_type<tc>, window_params = [{transform_indices = @transform_0, window_bounds = array<i64: 2, 1024, 128>}, {transform_indices = @transform_1, window_bounds = array<i64: 2, 1024, 16>}, {pipeline_mode = #tpu.pipeline_mode<synchronous>, transform_indices = @transform_2, window_bounds = array<i64: 1, 128>}, {pipeline_mode = #tpu.pipeline_mode<synchronous>, transform_indices = @transform_3, window_bounds = array<i64: 128, 64>}, {transform_indices = @transform_4, window_bounds = array<i64: 1024, 64>}]} {
    %get3A = arith.constant 0 : index
    %get3A_0 = arith.constant 0 : index
    %get3A_1 = arith.constant 0 : index
    %get3A_2 = vector.load %arg2[%get3A, %get3A_0, %get3A_1] : memref<2x1024x16xf32, #tpu.memory_space<vmem>>, vector<2x1024x16xf32>
    %reduce_sum3A = arith.constant dense<0.000000e+00> : vector<1024x16xf32>
    %reduce_sum3A_3 = vector.multi_reduction <add>, %get3A_2, %reduce_sum3A [0] : vector<2x1024x16xf32> to vector<1024x16xf32>
    %slice3A = vector.extract_strided_slice %reduce_sum3A_3 {offsets = [0, 0], sizes = [1024, 1], strides = [1, 1]} : vector<1024x16xf32> to vector<1024x1xf32>
    %add3A = arith.constant 1.000000e+00 : f32
    %add3A_4 = vector.broadcast %add3A : f32 to vector<1024x1xf32>
    %add3A_5 = arith.addf %slice3A, %add3A_4 : vector<1024x1xf32>
    %rsqrt3A = math.rsqrt %add3A_5 : vector<1024x1xf32>
    %get3A_6 = arith.constant 0 : index
    %get3A_7 = arith.constant 0 : index
    %get3A_8 = arith.constant 0 : index
    %get3A_9 = vector.load %arg1[%get3A_6, %get3A_7, %get3A_8] : memref<2x1024x128xf32, #tpu.memory_space<vmem>>, vector<2x1024x128xf32>
    %slice3A_10 = vector.extract_strided_slice %get3A_9 {offsets = [0, 0, 0], sizes = [1, 1024, 128], strides = [1, 1, 1]} : vector<2x1024x128xf32> to vector<1x1024x128xf32>
    %squeeze3A = vector.shape_cast %slice3A_10 : vector<1x1024x128xf32> to vector<1024x128xf32>
    %slice3A_11 = vector.extract_strided_slice %get3A_9 {offsets = [1, 0, 0], sizes = [1, 1024, 128], strides = [1, 1, 1]} : vector<2x1024x128xf32> to vector<1x1024x128xf32>
    %squeeze3A_12 = vector.shape_cast %slice3A_11 : vector<1x1024x128xf32> to vector<1024x128xf32>
    %add3A_13 = arith.addf %squeeze3A, %squeeze3A_12 : vector<1024x128xf32>
    %mul3A = vector.broadcast %rsqrt3A : vector<1024x1xf32> to vector<1024x128xf32>
    %mul3A_14 = arith.mulf %add3A_13, %mul3A : vector<1024x128xf32>
    %get3A_15 = arith.constant 0 : index
    %get3A_16 = arith.constant 0 : index
    %get3A_17 = vector.load %arg3[%get3A_15, %get3A_16] : memref<1x128xf32, #tpu.memory_space<vmem>>, vector<1x128xf32>
    %add3A_18 = vector.broadcast %get3A_17 : vector<1x128xf32> to vector<1024x128xf32>
    %add3A_19 = arith.addf %mul3A_14, %add3A_18 : vector<1024x128xf32>
    %max3A = arith.constant 0.000000e+00 : f32
    %max3A_20 = vector.broadcast %max3A : f32 to vector<1024x128xf32>
    %max3A_21 = arith.maximumf %add3A_19, %max3A_20 : vector<1024x128xf32>
    %get3A_22 = arith.constant 0 : index
    %get3A_23 = arith.constant 0 : index
    %get3A_24 = vector.load %arg4[%get3A_22, %get3A_23] : memref<128x64xf32, #tpu.memory_space<vmem>>, vector<128x64xf32>
    %dot_general3A = arith.constant dense<0.000000e+00> : vector<1024x64xf32>
    %dot_general3A_25 = tpu.matmul %max3A_21, %get3A_24, %dot_general3A {dimension_numbers = #tpu.dot_dimension_numbers<[1], [0], [0], [1], [0, 0, 1, 1], [], []>, transpose_lhs_hint = false} : vector<1024x128xf32>, vector<128x64xf32>, vector<1024x64xf32> -> vector<1024x64xf32>
    %mul3A_26 = vector.broadcast %rsqrt3A : vector<1024x1xf32> to vector<1024x64xf32>
    %mul3A_27 = arith.mulf %dot_general3A_25, %mul3A_26 : vector<1024x64xf32>
    %mul3A_28 = arith.constant 1024 : i32
    %mul3A_29 = arith.muli %arg0, %mul3A_28 : i32
    %iota3A = tpu.iota {dimensions = array<i32: 0>} : vector<1024x1xi32>
    %add3A_30 = vector.broadcast %mul3A_29 : i32 to vector<1024x1xi32>
    %add3A_31 = arith.addi %add3A_30, %iota3A : vector<1024x1xi32>
    %lt3A = arith.constant 10000 : i32
    %lt3A_32 = vector.broadcast %lt3A : i32 to vector<1024x1xi32>
    %lt3A_33 = arith.cmpi slt, %add3A_31, %lt3A_32 : vector<1024x1xi32>
    %jit3A = arith.constant 0.000000e+00 : f32
    %broadcast_in_dim3A = vector.shape_cast %lt3A_33 : vector<1024x1xi1> to vector<1024x1xi1>
    %broadcast_in_dim3A_34 = vector.broadcast %broadcast_in_dim3A : vector<1024x1xi1> to vector<1024x64xi1>
    %broadcast_in_dim3A_35 = vector.broadcast %jit3A : f32 to vector<1024x64xf32>
    %select_n3A = arith.select %broadcast_in_dim3A_34, %mul3A_27, %broadcast_in_dim3A_35 : vector<1024x64xi1>, vector<1024x64xf32>
    %swap3A = arith.constant 0 : index
    %swap3A_36 = arith.constant 0 : index
    %swap3A_37 = vector.load %arg5[%swap3A, %swap3A_36] : memref<1024x64xf32, #tpu.memory_space<vmem>>, vector<1024x64xf32>
    tpu.vector_store %arg5[%swap3A, %swap3A_36], %select_n3A {strides = array<i32>} : memref<1024x64xf32, #tpu.memory_space<vmem>>, vector<1024x64xf32>,
    return
  }
  func.func @transform_0(%arg0: i32) -> (i32, i32, i32) {
    %c0_i32 = arith.constant 0 : i32
    %c0_i32_0 = arith.constant 0 : i32
    %c0_i32_1 = arith.constant 0 : i32
    return %c0_i32, %arg0, %c0_i32_0 : i32, i32, i32
  }
  func.func @transform_1(%arg0: i32) -> (i32, i32, i32) {
    %c0_i32 = arith.constant 0 : i32
    %c0_i32_0 = arith.constant 0 : i32
    %c0_i32_1 = arith.constant 0 : i32
    return %c0_i32, %arg0, %c0_i32_0 : i32, i32, i32
  }
  func.func @transform_2(%arg0: i32) -> (i32, i32) {
    %c0_i32 = arith.constant 0 : i32
    %c0_i32_0 = arith.constant 0 : i32
    %c0_i32_1 = arith.constant 0 : i32
    return %c0_i32, %c0_i32_0 : i32, i32
  }
  func.func @transform_3(%arg0: i32) -> (i32, i32) {
    %c0_i32 = arith.constant 0 : i32
    %c0_i32_0 = arith.constant 0 : i32
    %c0_i32_1 = arith.constant 0 : i32
    return %c0_i32, %c0_i32_0 : i32, i32
  }
  func.func @transform_4(%arg0: i32) -> (i32, i32) {
    %c0_i32 = arith.constant 0 : i32
    %c0_i32_0 = arith.constant 0 : i32
    return %arg0, %c0_i32 : i32, i32
  }
}

module attributes {stable_mosaic.version = 14 : i64} {
  func.func @_tc3_body(%arg0: i32, %arg1: memref<2x1024x64xf32, #tpu.memory_space<vmem>>, %arg2: memref<2x1024x16xf32, #tpu.memory_space<vmem>>, %arg3: memref<1x64xf32, #tpu.memory_space<vmem>>, %arg4: memref<64x64xf32, #tpu.memory_space<vmem>>, %arg5: memref<1x64xf32, #tpu.memory_space<vmem>>, %arg6: memref<1024x64xf32, #tpu.memory_space<vmem>>, %arg7: memref<1024x64xf32, #tpu.memory_space<vmem>>) attributes {dimension_semantics = [#tpu.dimension_semantics<arbitrary>], iteration_bounds = array<i64: 10>, scalar_prefetch = 0 : i64, scratch_operands = 0 : i64, tpu.core_type = #tpu.core_type<tc>, window_params = [{transform_indices = @transform_0, window_bounds = array<i64: 2, 1024, 64>}, {transform_indices = @transform_1, window_bounds = array<i64: 2, 1024, 16>}, {pipeline_mode = #tpu.pipeline_mode<synchronous>, transform_indices = @transform_2, window_bounds = array<i64: 1, 64>}, {pipeline_mode = #tpu.pipeline_mode<synchronous>, transform_indices = @transform_3, window_bounds = array<i64: 64, 64>}, {pipeline_mode = #tpu.pipeline_mode<synchronous>, transform_indices = @transform_4, window_bounds = array<i64: 1, 64>}, {transform_indices = @transform_5, window_bounds = array<i64: 1024, 64>}, {transform_indices = @transform_6, window_bounds = array<i64: 1024, 64>}]} {
    %get3A = arith.constant 0 : index
    %get3A_0 = arith.constant 0 : index
    %get3A_1 = arith.constant 0 : index
    %get3A_2 = vector.load %arg2[%get3A, %get3A_0, %get3A_1] : memref<2x1024x16xf32, #tpu.memory_space<vmem>>, vector<2x1024x16xf32>
    %reduce_sum3A = arith.constant dense<0.000000e+00> : vector<1024x16xf32>
    %reduce_sum3A_3 = vector.multi_reduction <add>, %get3A_2, %reduce_sum3A [0] : vector<2x1024x16xf32> to vector<1024x16xf32>
    %slice3A = vector.extract_strided_slice %reduce_sum3A_3 {offsets = [0, 0], sizes = [1024, 1], strides = [1, 1]} : vector<1024x16xf32> to vector<1024x1xf32>
    %add3A = arith.constant 1.000000e+00 : f32
    %add3A_4 = vector.broadcast %add3A : f32 to vector<1024x1xf32>
    %add3A_5 = arith.addf %slice3A, %add3A_4 : vector<1024x1xf32>
    %rsqrt3A = math.rsqrt %add3A_5 : vector<1024x1xf32>
    %get3A_6 = arith.constant 0 : index
    %get3A_7 = arith.constant 0 : index
    %get3A_8 = arith.constant 0 : index
    %get3A_9 = vector.load %arg1[%get3A_6, %get3A_7, %get3A_8] : memref<2x1024x64xf32, #tpu.memory_space<vmem>>, vector<2x1024x64xf32>
    %slice3A_10 = vector.extract_strided_slice %get3A_9 {offsets = [0, 0, 0], sizes = [1, 1024, 64], strides = [1, 1, 1]} : vector<2x1024x64xf32> to vector<1x1024x64xf32>
    %squeeze3A = vector.shape_cast %slice3A_10 : vector<1x1024x64xf32> to vector<1024x64xf32>
    %slice3A_11 = vector.extract_strided_slice %get3A_9 {offsets = [1, 0, 0], sizes = [1, 1024, 64], strides = [1, 1, 1]} : vector<2x1024x64xf32> to vector<1x1024x64xf32>
    %squeeze3A_12 = vector.shape_cast %slice3A_11 : vector<1x1024x64xf32> to vector<1024x64xf32>
    %add3A_13 = arith.addf %squeeze3A, %squeeze3A_12 : vector<1024x64xf32>
    %mul3A = vector.broadcast %rsqrt3A : vector<1024x1xf32> to vector<1024x64xf32>
    %mul3A_14 = arith.mulf %add3A_13, %mul3A : vector<1024x64xf32>
    %get3A_15 = arith.constant 0 : index
    %get3A_16 = arith.constant 0 : index
    %get3A_17 = vector.load %arg3[%get3A_15, %get3A_16] : memref<1x64xf32, #tpu.memory_space<vmem>>, vector<1x64xf32>
    %add3A_18 = vector.broadcast %get3A_17 : vector<1x64xf32> to vector<1024x64xf32>
    %add3A_19 = arith.addf %mul3A_14, %add3A_18 : vector<1024x64xf32>
    %mul3A_20 = arith.mulf %add3A_19, %add3A_19 : vector<1024x64xf32>
    %reduce_sum3A_21 = arith.constant dense<0.000000e+00> : vector<1024xf32>
    %reduce_sum3A_22 = vector.multi_reduction <add>, %mul3A_20, %reduce_sum3A_21 [1] : vector<1024x64xf32> to vector<1024xf32>
    %broadcast_in_dim3A = vector.shape_cast %reduce_sum3A_22 : vector<1024xf32> to vector<1024x1xf32>
    %sqrt3A = math.sqrt %broadcast_in_dim3A : vector<1024x1xf32>
    %add3A_23 = arith.constant 9.99999996E-13 : f32
    %add3A_24 = vector.broadcast %add3A_23 : f32 to vector<1024x1xf32>
    %add3A_25 = arith.addf %sqrt3A, %add3A_24 : vector<1024x1xf32>
    %div3A = vector.broadcast %add3A_25 : vector<1024x1xf32> to vector<1024x64xf32>
    %div3A_26 = arith.divf %add3A_19, %div3A : vector<1024x64xf32>
    %get3A_27 = arith.constant 0 : index
    %get3A_28 = arith.constant 0 : index
    %get3A_29 = vector.load %arg4[%get3A_27, %get3A_28] : memref<64x64xf32, #tpu.memory_space<vmem>>, vector<64x64xf32>
    %dot_general3A = arith.constant dense<0.000000e+00> : vector<1024x64xf32>
    %dot_general3A_30 = tpu.matmul %div3A_26, %get3A_29, %dot_general3A {dimension_numbers = #tpu.dot_dimension_numbers<[1], [0], [0], [1], [0, 0, 1, 1], [], []>, transpose_lhs_hint = false} : vector<1024x64xf32>, vector<64x64xf32>, vector<1024x64xf32> -> vector<1024x64xf32>
    %get3A_31 = arith.constant 0 : index
    %get3A_32 = arith.constant 0 : index
    %get3A_33 = vector.load %arg5[%get3A_31, %get3A_32] : memref<1x64xf32, #tpu.memory_space<vmem>>, vector<1x64xf32>
    %add3A_34 = vector.broadcast %get3A_33 : vector<1x64xf32> to vector<1024x64xf32>
    %add3A_35 = arith.addf %dot_general3A_30, %add3A_34 : vector<1024x64xf32>
    %reduce_max3A = arith.constant dense<0xFF800000> : vector<1024xf32>
    %reduce_max3A_36 = vector.multi_reduction <maximumf>, %add3A_35, %reduce_max3A [1] : vector<1024x64xf32> to vector<1024xf32>
    %broadcast_in_dim3A_37 = vector.shape_cast %reduce_max3A_36 : vector<1024xf32> to vector<1024x1xf32>
    %sub3A = vector.broadcast %broadcast_in_dim3A_37 : vector<1024x1xf32> to vector<1024x64xf32>
    %sub3A_38 = arith.subf %add3A_35, %sub3A : vector<1024x64xf32>
    %exp3A = math.exp %sub3A_38 : vector<1024x64xf32>
    %reduce_sum3A_39 = arith.constant dense<0.000000e+00> : vector<1024xf32>
    %reduce_sum3A_40 = vector.multi_reduction <add>, %exp3A, %reduce_sum3A_39 [1] : vector<1024x64xf32> to vector<1024xf32>
    %broadcast_in_dim3A_41 = vector.shape_cast %reduce_sum3A_40 : vector<1024xf32> to vector<1024x1xf32>
    %log3A = math.log %broadcast_in_dim3A_41 : vector<1024x1xf32>
    %add3A_42 = arith.addf %log3A, %broadcast_in_dim3A_37 : vector<1024x1xf32>
    %sub3A_43 = vector.broadcast %add3A_42 : vector<1024x1xf32> to vector<1024x64xf32>
    %sub3A_44 = arith.subf %add3A_35, %sub3A_43 : vector<1024x64xf32>
    %swap3A = arith.constant 0 : index
    %swap3A_45 = arith.constant 0 : index
    %swap3A_46 = vector.load %arg6[%swap3A, %swap3A_45] : memref<1024x64xf32, #tpu.memory_space<vmem>>, vector<1024x64xf32>
    tpu.vector_store %arg6[%swap3A, %swap3A_45], %sub3A_44 {strides = array<i32>} : memref<1024x64xf32, #tpu.memory_space<vmem>>, vector<1024x64xf32>,
    %swap3A_47 = arith.constant 0 : index
    %swap3A_48 = arith.constant 0 : index
    %swap3A_49 = vector.load %arg7[%swap3A_47, %swap3A_48] : memref<1024x64xf32, #tpu.memory_space<vmem>>, vector<1024x64xf32>
    tpu.vector_store %arg7[%swap3A_47, %swap3A_48], %div3A_26 {strides = array<i32>} : memref<1024x64xf32, #tpu.memory_space<vmem>>, vector<1024x64xf32>,
    return
  }
  func.func @transform_0(%arg0: i32) -> (i32, i32, i32) {
    %c0_i32 = arith.constant 0 : i32
    %c0_i32_0 = arith.constant 0 : i32
    %c0_i32_1 = arith.constant 0 : i32
    return %c0_i32, %arg0, %c0_i32_0 : i32, i32, i32
  }
  func.func @transform_1(%arg0: i32) -> (i32, i32, i32) {
    %c0_i32 = arith.constant 0 : i32
    %c0_i32_0 = arith.constant 0 : i32
    %c0_i32_1 = arith.constant 0 : i32
    return %c0_i32, %arg0, %c0_i32_0 : i32, i32, i32
  }
  func.func @transform_2(%arg0: i32) -> (i32, i32) {
    %c0_i32 = arith.constant 0 : i32
    %c0_i32_0 = arith.constant 0 : i32
    %c0_i32_1 = arith.constant 0 : i32
    return %c0_i32, %c0_i32_0 : i32, i32
  }
  func.func @transform_3(%arg0: i32) -> (i32, i32) {
    %c0_i32 = arith.constant 0 : i32
    %c0_i32_0 = arith.constant 0 : i32
    %c0_i32_1 = arith.constant 0 : i32
    return %c0_i32, %c0_i32_0 : i32, i32
  }
  func.func @transform_4(%arg0: i32) -> (i32, i32) {
    %c0_i32 = arith.constant 0 : i32
    %c0_i32_0 = arith.constant 0 : i32
    %c0_i32_1 = arith.constant 0 : i32
    return %c0_i32, %c0_i32_0 : i32, i32
  }
  func.func @transform_5(%arg0: i32) -> (i32, i32) {
    %c0_i32 = arith.constant 0 : i32
    %c0_i32_0 = arith.constant 0 : i32
    return %arg0, %c0_i32 : i32, i32
  }
  func.func @transform_6(%arg0: i32) -> (i32, i32) {
    %c0_i32 = arith.constant 0 : i32
    %c0_i32_0 = arith.constant 0 : i32
    return %arg0, %c0_i32 : i32, i32
  }
}

</mosaic_0001>

<sc_bundles>
// kernel: kernel.11.cloned.1.call-start
scs
__scs_entry_jumppad:
0x0: {  	(pc) =	sbr.rel $0x88, $3  }
0x1: {  	(tag) =	ssettag $0x0;
	lr =	simm.s32 $0x1  }
0x2: {  	[smem:$0x3F99] =	sst lr;
	_ =	strace $0xD0000000  }
0x3: {  	_ = 	snop  }
0x4: {  	_ = 	snop  }
0x5: {  	_ = 	snop  }
0x6: {  	_ = 	snop  }
0x7: {  	_ = 	snop  }
__scs_overlays_trampoline_lowered:
0x8: {  	[smem:$0x3FA8] =	sst s0  }
0x9: {  	[smem:$0x3FA9] =	sst s1  }
0xa: {  	[smem:$0x3FAA] =	sst s2  }
0xb: {  	[smem:$0x3FAB] =	sst s3  }
0xc: {  	[smem:$0x3FAC] =	sst s4  }
0xd: {  	[smem:$0x3FAD] =	sst s5  }
0xe: {  	[smem:$0x3FAE] =	sst s6  }
0xf: {  	[smem:$0x3FAF] =	sst s7  }
0x10: {  	[smem:$0x3FB0] =	sst s8  }
0x11: {  	[smem:$0x3FB1] =	sst s9;
	s0 =	simm.s32 @!p0 $0x0  }
0x12: {  	s1 =	sld [smem:$0x3F97];
	s0 =	simm.s32 @p0 $0x1  }
0x13: {  	[smem:$0x3FB2] =	sst s0;
	s0 =	simm.s32 @!p1 $0x0  }
0x14: {  	s2 =	sld [smem:$0x3F96];
	s0 =	simm.s32 @p1 $0x1  }
0x15: {  	[smem:$0x3FB3] =	sst s0;
	s0 =	simm.s32 @!p2 $0x0  }
0x16: {  	s3 =	sld [smem:$0x3FDB];
	s0 =	simm.s32 @p2 $0x1  }
0x17: {  	s4 =	simm.s32 $0x1BF5;
	[smem:$0x3FB5] =	sst s0  }
0x18: {  	s0 =	sld [smem:$0x3F98];
	_ =	swait.ge [sflag:s4], $0x0  }
0x19: {  	s7 =	sld [smem:$0x3F99]  }
0x1a: {  	s8 =	sadd.s32 $0xFFFFE003, lr  }
0x1b: {  	s9 =	sadd.s32 $0xFFFFFEF7, lr;
	s5 =	simm.s32 $0xFFFFFFFF;
	p2 =	slt.u32 s8, $0xFFFFF086  }
0x1c: {  	p1 =	slt.u32 s9, $0xF7A;
	s5 =	simm.s32 @!p2 $0x0  }
0x1d: {  	s5 =	simm.s32 @p1 $0x1;
	p0 =	seq.s32 s7, s2  }
0x1e: {  	s7 =	smul.u32 @!p0 $0xF7A, s2;
	p2 =	seq.s32 @!p0 s5, $0x0  }
0x1f: {  	s9 =	smul.u32 $0xF7A, s1;
	s8 =	simm.s32 @!p0 $0x1BF5;
	p2 =	por !p2, p0  }
0x20: {  	[sflag:s8] =	ssyncset.s32 @!p0 $0xFFFFF086;
	s6 =	sadd.s32 @!p0 s3, s7;
	s7 =	simm.s32 @!p0 $0x108  }
0x21: {  	s3 =	sadd.s32 s3, s9;
	s6 =	sadd.s32 @!p0 $0x88, s6;
	s7 =	simm.s32 @p2 $0x1082  }
0x22: {  	[simem:s7], [sflag:s8] =	dma.local @!p0 [hbm:s6], $0xF7A  }
0x23: {  	s9 =	sor.u32 $0xD0000000, s2;
	s6 =	simm.s32 $0x108;
	_ =	swait.ge @!p0 [sflag:s8], $0x0  }
0x24: {  	s3 =	sadd.s32 $0x88, s3;
	s6 =	simm.s32 @!p1 $0x1082;
	[sflag:s4] =	ssyncset.s32 $0xFFFFF086  }
0x25: {  	[simem:s6], [sflag:s4] =	dma.local [hbm:s3], $0xF7A  }
0x26: {  	[smem:$0x3F99] =	sst s1;
	(tag) =	ssettag s2;
	_ =	strace s9  }
0x27: {  	s1 =	sld [smem:$0x3FA9]  }
0x28: {  	s2 =	sld [smem:$0x3FAA]  }
0x29: {  	s4 =	sld [smem:$0x3FAC]  }
0x2a: {  	p0 =	seq.s32 s5, $0x0;
	s5 =	sld [smem:$0x3FAD]  }
0x2b: {  	s6 =	sld [smem:$0x3FAE]  }
0x2c: {  	s7 =	sld [smem:$0x3FAF]  }
0x2d: {  	s3 =	simm.s32 $0x108;
	s8 =	sld [smem:$0x3FB0]  }
0x2e: {  	s3 =	simm.s32 @!p0 $0x1082;
	s9 =	sld [smem:$0x3FB1]  }
0x2f: {  	lr =	sadd.s32 s0, s3;
	s0 =	sld [smem:$0x3FA8]  }
0x30: {  	s3 =	sld [smem:$0x3FAB]  }
0x31: {  	[smem:$0x3FB4] =	sst s10  }
0x32: {  	s10 =	sld [smem:$0x3FB2];
	_ =	sdelay $0x3  }
0x33: {  	p0 =	seq.s32 s10, $0x1;
	s10 =	sld [smem:$0x3FB4];
	_ =	sdelay $0x3  }
0x34: {  	[smem:$0x3FB4] =	sst s10  }
0x35: {  	s10 =	sld [smem:$0x3FB3];
	_ =	sdelay $0x3  }
0x36: {  	p1 =	seq.s32 s10, $0x1;
	s10 =	sld [smem:$0x3FB4];
	_ =	sdelay $0x3  }
0x37: {  	[smem:$0x3FB4] =	sst s10  }
0x38: {  	s10 =	sld [smem:$0x3FB5]  }
0x39: {  	_ = 	snop;
	(pc) =	sbr.ind lr, $3  }
0x3a: {  	_ = 	snop  }
0x3b: {  	_ = 	snop  }
0x3c: {  	p2 =	seq.s32 s10, $0x1;
	s10 =	sld [smem:$0x3FB4]  }
0x3d: {  	_ =	shalt  }
0x3e: {  	_ =	shalt  }
0x3f: {  	_ =	shalt  }
0x40: {  	_ =	shalt  }
0x41: {  	_ =	shalt  }
0x42: {  	_ =	shalt  }
0x43: {  	_ =	shalt  }
0x44: {  	_ =	shalt  }
0x45: {  	_ =	shalt  }
0x46: {  	_ =	shalt  }
0x47: {  	_ =	shalt  }
0x48: {  	_ =	shalt  }
0x49: {  	_ =	shalt  }
0x4a: {  	_ =	shalt  }
0x4b: {  	_ =	shalt  }
0x4c: {  	_ =	shalt  }
0x4d: {  	_ =	shalt  }
0x4e: {  	_ =	shalt  }
0x4f: {  	_ =	shalt  }
0x50: {  	_ =	shalt  }
0x51: {  	_ =	shalt  }
0x52: {  	_ =	shalt  }
0x53: {  	_ =	shalt  }
0x54: {  	_ =	shalt  }
0x55: {  	_ =	shalt  }
0x56: {  	_ =	shalt  }
0x57: {  	_ =	shalt  }
0x58: {  	_ =	shalt  }
0x59: {  	_ =	shalt  }
0x5a: {  	_ =	shalt  }
0x5b: {  	_ =	shalt  }
0x5c: {  	_ =	shalt  }
0x5d: {  	_ =	shalt  }
0x5e: {  	_ =	shalt  }
0x5f: {  	_ =	shalt  }
0x60: {  	_ =	shalt  }
0x61: {  	_ =	shalt  }
0x62: {  	_ =	shalt  }
0x63: {  	_ =	shalt  }
0x64: {  	_ =	shalt  }
0x65: {  	_ =	shalt  }
0x66: {  	_ =	shalt  }
0x67: {  	_ =	shalt  }
0x68: {  	_ =	shalt  }
0x69: {  	_ =	shalt  }
0x6a: {  	_ =	shalt  }
0x6b: {  	_ =	shalt  }
0x6c: {  	_ =	shalt  }
0x6d: {  	_ =	shalt  }
0x6e: {  	_ =	shalt  }
0x6f: {  	_ =	shalt  }
0x70: {  	_ =	shalt  }
0x71: {  	_ =	shalt  }
0x72: {  	_ =	shalt  }
0x73: {  	_ =	shalt  }
0x74: {  	_ =	shalt  }
0x75: {  	_ =	shalt  }
0x76: {  	_ =	shalt  }
0x77: {  	_ =	shalt  }
0x78: {  	_ =	shalt  }
0x79: {  	_ =	shalt  }
0x7a: {  	_ =	shalt  }
0x7b: {  	_ =	shalt  }
0x7c: {  	_ =	shalt  }
0x7d: {  	_ =	shalt  }
0x7e: {  	_ =	shalt  }
0x7f: {  	_ =	shalt  }
0x80: {  	_ =	shalt  }
0x81: {  	_ =	shalt  }
0x82: {  	_ =	shalt  }
0x83: {  	_ =	shalt  }
0x84: {  	_ =	shalt  }
0x85: {  	_ =	shalt  }
0x86: {  	_ =	shalt  }
0x87: {  	_ =	shalt  }
.Lfunc_end0:
.L_simem_size_0:
called_computation.1_lowered:
.L_overlay_start_0:
0x88: {  	s2 =	sld [smem:$0x3FD9]  }
0x89: {  	s3 =	sld [smem:$0x3FFE];
	_ =	sdelay $0x1  }
0x8a: {  	s1 =	srdreg.scid  }
0x8b: {  	s0 =	sand.u32 $0x1, s1  }
0x8c: {  	s14 =	sshll.u32 s0, $0xA;
	s2 =	sadd.s32 s3, s2  }
0x8d: {  	s2 =	sadd.s32 s2, s14  }
0x8e: {  	[smem:$0x3FC0] =	sst s2  }
0x8f: {  	_ = 	snop  }
0x90: {  	s2 =	sld [smem:$0x3FD0];
	_ =	sdelay $0x2  }
0x91: {  	s15 =	simm.s32 $0xA;
	s4 =	simm.s32 $0x10  }
0x92: {  	[smem:s4], [sflag:s15] =	dma.local [hbm:s2], $0x1  }
0x93: {  	_ =	swait.eq [sflag:s15], $0x1  }
0x94: {  	[sflag:s15] =	ssyncset.done $0x0  }
0x95: {  	[sflag:s15] =	ssyncadd.s32 $0xFFFFFFFF  }
0x96: {  	s16 =	sld [smem:$0x10];
	(tm) =	ssettm $0x1  }
0x97: {  	s17 =	sld [smem:$0x3FFB];
	_ =	sdelay $0x3  }
0x98: {  	_ =	strace s17  }
0x99: {  	s3 =	sld [smem:$0x3FFC];
	_ =	sdelay $0x3  }
0x9a: {  	_ =	strace s3  }
0x9b: {  	s3 =	sld [smem:$0x3FFD];
	_ =	sdelay $0x3  }
0x9c: {  	_ =	strace s3  }
0x9d: {  	_ =	strace $0x8FFFFFFF  }
0x9e: {  	s18 =	sld [smem:$0x3FDB];
	_ =	sdelay $0x1  }
0x9f: {  	s19 =	simm.s32 $_scs_section_size  }
0xa0: {  	s5 =	simm.s32 $_size__tile_overlayer_lowered;
	s6 =	simm.s32 $_tile_overlayer_lowered  }
0xa1: {  	s22 =	simm.s32 $0x1BFF;
	s21 =	sshll.u32 s6, $0x1;
	s3 =	sadd.s32 s19, s18  }
0xa2: {  	s7 =	simm.s32 $0x0;
	s20 =	sshll.u32 s5, $0x1;
	s5 =	sadd.s32 s21, s3  }
0xa3: {  	[timem:s7], [sflag:s22] =	dma.local [hbm:s5], s20  }
0xa4: {  	_ =	swait.ge [sflag:s22], s20  }
0xa5: {  	s4 =	ssub.s32 $0x0, s20;
	[sflag:s22] =	ssyncset.done $0x0  }
0xa6: {  	[sflag:s22] =	ssyncadd.s32 s4;
	_ =	sdelay $0x1  }
0xa7: {  	s23 =	simm.s32 $0x1B8B  }
0xa8: {  	_ =	swait.ge [sflag:s23], $0x1  }
0xa9: {  	[sflag:s23] =	ssyncset.done $0x0  }
0xaa: {  	s25 =	simm.s32 $0x1B8E;
	s24 =	sld [smem:$0x3FFE];
	[sflag:s23] =	ssyncadd.s32 $0xFFFFFFFF  }
0xab: {  	s26 =	simm.s32 $execute0_lowered;
	[smem:$0x3FD2] =	sst s25  }
0xac: {  	s5 =	sshll.u32 s26, $0x1;
	_ =	strace $0x80000049;
	[dreg:$0x1] =	wrdreg $0xFFFFFFFF  }
0xad: {  	s28 =	simm.s32 $_size_execute0_lowered;
	s3 =	sadd.s32 s3, s5;
	[dreg:$0x0] =	wrdreg $0x0  }
0xae: {  	s5 =	sshll.u32 s28, $0x1;
	[dreg:$0x2] =	wrdreg s3  }
0xaf: {  	[dreg:$0x3] =	wrdreg s5  }
0xb0: {  	[dreg:$0x4] =	wrdreg $0xC0  }
0xb1: {  	_ =	task [dreg:s7], $0x5FFFF  }
0xb2: {  	[dreg:$0x1] =	wrdreg $0xFFFFFFFF  }
0xb3: {  	[dreg:$0x0] =	wrdreg $0x60  }
0xb4: {  	[dreg:$0x2] =	wrdreg s24  }
0xb5: {  	[dreg:$0x3] =	wrdreg s16  }
0xb6: {  	[dreg:$0x4] =	wrdreg $0x86000  }
0xb7: {  	[dreg:$0x5] =	wrdreg $0x9  }
0xb8: {  	_ =	task.clear_ibuf [dreg:s7], $0x6FFFF;
	_ =	strace $0x90000049  }
0xb9: {  	s29 =	simm.s32 $0x9;
	_ =	strace $0x8000004B  }
0xba: {  	_ =	swait.ge [sflag:s29], $0x1  }
0xbb: {  	[sflag:s29] =	ssyncadd.s32 $0xFFFFFFFF  }
0xbc: {  	_ =	strace $0x9000004B  }
0xbd: {  	_ =	sfence  }
0xbe: {  	s30 =	sld [smem:$0x0];
	_ =	sdelay $0x2  }
0xbf: {  	s31 =	sshll.u32 s1, $0xD;
	s1 =	sshrl.u32 s1, $0x2  }
0xc0: {  	s3 =	sand.u32 $0x4000, s31;
	s1 =	sadd.s32 s1, s30  }
0xc1: {  	s0 =	sor.u32 s3, s0;
	s1 =	sshll.u32 s1, $0x11  }
0xc2: {  	s0 =	sor.u32 s1, s0  }
0xc3: {  	s0 =	sadd.s32 $0x8F2B, s0  }
0xc4: {  	[sflag:s0] =	ssyncadd.remote.s32 $0x1  }
0xc5: {  	_ =	sfence.sel $0xFFFF  }
0xc6: {  	[dreg:$0x0] =	wrdreg $0xFFFFFFFF;
	(pc) =	sbr.abs _section_cstart, $3  }
0xc7: {  	[dreg:$0x1] =	wrdreg $0xFFFFFFFF  }
0xc8: {  	_ =	task.clear_ibuf [dreg:s7], $0x2FFFF;
	_ =	strace $0x9FFFFFFF  }
0xc9: {  	(tm) =	ssettm $0x7FFFFFFF  }
tec
execute0_lowered:
.L_overlay_start_1:
0x0: {  	(tag) =	ssettag $0x1  }
0x1: {  	s0 =	rddreg [dreg:$0x0];
	s2 =	stileid.u32  }
0x2: {  	s6 =	rddreg [dreg:$0x1];
	s8 =	smul.u32 $0x14000, s2  }
0x3: {  	s1 =	rddreg [dreg:$0x2];
	s3 =	simm.s32 $0x0;
	s18 =	smul.u32 $0x2780, s2  }
0x4: {  	s4 =	srdreg.scid;
	s31 =	simm.s32 $0x80;
	s22 =	smul.u32 $0x4F, s2  }
0x5: {  	[smem:$0x7FF] =	sst s3;
	s7 =	sand.u32 $0x1, s4;
	s23 =	smul.u32 $0x50000, s2  }
0x6: {  	s4 =	sadd.s32 $0x5C000, s0;
	s10 =	sadd.s32 $0x2200, s0;
	s29 =	smul.u32 $0x4F0, s2  }
0x7: {  	_ =	strace $0x8000004A;
	s5 =	smul.u32 $0x140000, s7;
	s9 =	sshll.u32 s7, $0x4  }
0x8: {  	s11 =	ssub.s32 $0x2, s7;
	s19 =	smul.u32 $0x4F00, s7;
	s9 =	sor.u32 s2, s9  }
0x9: {  	p0 =	seq.s32 s7, $0x1;
	s13 =	sshrl.u32 s11, $0x1;
	s9 =	smul.u32 $0x4F0, s9  }
0xa: {  	s12 =	sadd.s32 s8, s5;
	s5 =	sadd.s32 $0x2000, s0;
	s11 =	ssub.s32 s11, s13  }
0xb: {  	s12 =	sshrl.u32 s12, $0x3;
	s24 =	sadd.s32 s6, s9;
	s25 =	sadd.s32 s10, s9  }
0xc: {  	s26 =	sadd.s32 $0x10, s9;
	s30 =	sadd.s32 $0x20, s9;
	[dreg:$0x4] =	wrdreg s24  }
0xd: {  	s16 =	sadd.s32 $0x30, s9;
	[dreg:$0x5] =	wrdreg s25;
	s14 =	sadd.s32 s6, s26  }
0xe: {  	s9 =	sadd.s32 $0x40, s9;
	s13 =	sadd.s32 s10, s26;
	[dreg:$0x6] =	wrdreg s14  }
0xf: {  	s15 =	sadd.s32 s6, s30;
	s17 =	sadd.s32 s6, s16;
	[dreg:$0x7] =	wrdreg s13  }
0x10: {  	s24 =	sadd.s32 s12, s0;
	s25 =	sshrl.u32 s8, $0x3;
	[dreg:$0x8] =	wrdreg s15  }
0x11: {  	s12 =	simm.s32 $0x0;
	s13 =	sadd.s32 s10, s30;
	[dreg:$0xa] =	wrdreg s17  }
0x12: {  	s15 =	smul.u32 $0x27800, s7;
	s14 =	sadd.s32 s10, s16;
	[dreg:$0x9] =	wrdreg s13  }
0x13: {  	s16 =	sadd.s32 s6, s9;
	s7 =	smul.u32 $0x4F0, s7;
	[dreg:$0xb] =	wrdreg s14  }
0x14: {  	s9 =	sadd.s32 s10, s9;
	s10 =	sadd.s32 s19, s10;
	[dreg:$0xc] =	wrdreg s16  }
0x15: {  	s6 =	sadd.s32 s19, s6;
	s19 =	sadd.s32 s8, s1;
	[dreg:$0xd] =	wrdreg s9  }
0x16: {  	s26 =	sadd.s32 $0x84000, s24;
	s30 =	smax.u32 s11, $0x1;
	[dreg:$0xe] =	wrdreg s10  }
0x17: {  	s17 =	simm.s32 $0x300;
	s8 =	simm.s32 $0x2;
	[dreg:$0xf] =	wrdreg s6  }
0x18: {  	s11 =	simm.s32 $0x4;
	s6 =	sshrl.u32 s23, $0x2;
	[dreg:$0x11] =	wrdreg s26  }
0x19: {  	[dreg:$0x12] =	wrdreg s30;
	s9 =	simm.s32 $0x3;
	s10 =	simm.s32 $0x5  }
0x1a: {  	s20 =	sadd.s32 s18, s15;
	s18 =	sadd.s32 s22, s7;
	s7 =	sadd.s32 s4, s25  }
0x1b: {  	s21 =	sadd.s32 s6, s1;
	s22 =	sadd.s32 $0x83100, s0;
	[dreg:$0x10] =	wrdreg s7  }
0x1c: {  	s0 =	sadd.s32 $0x7800, s21;
	s6 =	sadd.s32 $0xF000, s21;
	s15 =	sadd.s32 $0xFFFB2080, s20  }
0x1d: {  	s7 =	simm.s32 $0x4600;
	s0 =	sshrl.u32 @p0 s0, $0x3;
	s28 =	sshrl.u32 @p0 s6, $0x3  }
0x1e: {  	s6 =	simm.s32 $0x600;
	[dreg:$0x13] =	wrdreg s0;
	s0 =	simm.s32 $0x1  }
.LBB2_1:
0x1f: {  	s13 =	rddreg [dreg:$0x4]  }
0x20: {  	[tilespmem:s3], [sflag:$0x1] =	stream.linear.gather [hbm4b:s13+s3], $0x80, $0x38;
	[tilespmem:$0x1C600] =	vst v63  }
0x21: {  	s16 =	rddreg [dreg:$0x5]  }
0x22: {  	[tilespmem:s17], [sflag:$0x2] =	stream.linear.gather [hbm4b:s16+s3], $0x80, $0x38;
	[tilespmem:$0x1C600] =	vst v63  }
0x23: {  	s20 =	rddreg [dreg:$0x6]  }
0x24: {  	[tilespmem:s31], [sflag:$0x1] =	stream.linear.gather [hbm4b:s20+s3], $0x80, $0x38;
	[tilespmem:$0x1C600] =	vst v63  }
0x25: {  	s23 =	rddreg [dreg:$0x7];
	s14 =	simm.s32 $0x380  }
0x26: {  	[tilespmem:s14], [sflag:$0x2] =	stream.linear.gather [hbm4b:s23+s3], $0x80, $0x38;
	[tilespmem:$0x1C600] =	vst v63  }
0x27: {  	s24 =	rddreg [dreg:$0x8];
	s25 =	simm.s32 $0x100  }
0x28: {  	[tilespmem:s25], [sflag:$0x1] =	stream.linear.gather [hbm4b:s24+s3], $0x80, $0x38;
	[tilespmem:$0x1C600] =	vst v63  }
0x29: {  	s26 =	rddreg [dreg:$0x9];
	s30 =	simm.s32 $0x400  }
0x2a: {  	[tilespmem:s30], [sflag:$0x2] =	stream.linear.gather [hbm4b:s26+s3], $0x80, $0x38;
	[tilespmem:$0x1C600] =	vst v63  }
0x2b: {  	s16 =	rddreg [dreg:$0xa];
	s17 =	simm.s32 $0x180  }
0x2c: {  	[tilespmem:s17], [sflag:$0x1] =	stream.linear.gather [hbm4b:s16+s3], $0x80, $0x38;
	[tilespmem:$0x1C600] =	vst v63  }
0x2d: {  	s20 =	rddreg [dreg:$0xb];
	s23 =	simm.s32 $0x480  }
0x2e: {  	[tilespmem:s23], [sflag:$0x2] =	stream.linear.gather [hbm4b:s20+s3], $0x80, $0x38;
	[tilespmem:$0x1C600] =	vst v63  }
0x2f: {  	s24 =	rddreg [dreg:$0xc];
	s25 =	simm.s32 $0x200  }
0x30: {  	[tilespmem:s25], [sflag:$0x1] =	stream.linear.gather [hbm4b:s24+s3], $0x80, $0x38;
	[tilespmem:$0x1C600] =	vst v63  }
0x31: {  	s26 =	rddreg [dreg:$0xd];
	s30 =	simm.s32 $0x500  }
0x32: {  	[tilespmem:s30], [sflag:$0x2] =	stream.linear.gather [hbm4b:s26+s3], $0x80, $0x38;
	[tilespmem:$0x1C600] =	vst v63  }
0x33: {  	_ =	swait.ge [sflag:s0], $0x80  }
0x34: {  	[sflag:s0] =	ssyncset.done $0x0  }
0x35: {  	[sflag:s0] =	ssyncadd.s32 $0xFFFFFF80  }
0x36: {  	[tilespmem:s6], [sflag:$0x3] =	stream.indirect.gather [hbm4b:s4+s31], $0x80, s3, s31, $0xb8;
	[tilespmem:$0x1C600] =	vst v63  }
0x37: {  	_ =	swait.ge [sflag:s0], $0x80  }
0x38: {  	s13 =	sshll.u32 @p0 s2, $0x6;
	[sflag:s0] =	ssyncset.done $0x0  }
0x39: {  	s13 =	sor.u32 @p0 $0x1C05, s13;
	s14 =	sshrl.u32 @p0 s21, $0x3;
	[sflag:s0] =	ssyncadd.s32 $0xFFFFFF80  }
0x3a: {  	[tilespmem:s7], [sflag:$0x4] =	stream.indirect.gather [hbm4b:s4+s31], $0x80, s31, s31, $0xb8;
	[tilespmem:$0x1C600] =	vst v63  }
0x3b: {  	[spmem:s14], [sflag:s13] =	dma.local @p0 [hbm:s22], $0xF00  }
0x3c: {  	s14 =	simm.s32 @p0 $0x5  }
0x3d: {  	_ =	swait.ge @p0 [sflag:s14], $0xF00  }
0x3e: {  	[sflag:s14] =	ssyncset.done @p0 $0x0  }
0x3f: {  	s16 =	rddreg [dreg:$0x13];
	[sflag:s14] =	ssyncadd.s32 @p0 $0xFFFFF100  }
0x40: {  	[spmem:s16], [sflag:s13] =	dma.local @p0 [hbm:s22], $0xF00  }
0x41: {  	_ =	swait.ge @p0 [sflag:s14], $0xF00  }
0x42: {  	[sflag:s14] =	ssyncset.done @p0 $0x0  }
0x43: {  	[sflag:s14] =	ssyncadd.s32 @p0 $0xFFFFF100  }
0x44: {  	[spmem:s28], [sflag:s13] =	dma.local @p0 [hbm:s22], $0xA00  }
0x45: {  	s13 =	sshll.u32 @!p0 s2, $0x6;
	_ =	swait.ge @p0 [sflag:s14], $0xA00  }
0x46: {  	s13 =	sor.u32 @!p0 $0x1C05, s13;
	[sflag:s14] =	ssyncset.done @p0 $0x0  }
0x47: {  	s16 =	rddreg [dreg:$0x10];
	[sflag:s14] =	ssyncadd.s32 @p0 $0xFFFFF600;
	s14 =	sshrl.u32 @!p0 s19, $0x3  }
0x48: {  	[spmem:s14], [sflag:s13] =	dma.local @!p0 [hbm:s16], $0x2800  }
0x49: {  	s13 =	simm.s32 @!p0 $0x5  }
0x4a: {  	_ =	swait.ge @!p0 [sflag:s13], $0x2800  }
0x4b: {  	[sflag:s13] =	ssyncset.done @!p0 $0x0  }
0x4c: {  	[sflag:s13] =	ssyncadd.s32 @!p0 $0xFFFFD800  }
0x4d: {  	[bflag:$0x0] =	sbarrier.arrive $0xFFFF  }
0x4e: {  	s25 =	smov.u32 s15;
	s17 =	rddreg [dreg:$0xf]  }
0x4f: {  	s14 =	simm.s32 $0x0;
	s13 =	simm.s32 $0x0;
	s16 =	rddreg [dreg:$0xe]  }
.LBB2_2:
0x50: {  	s20 =	smul.u32 $0xAB, s14;
	_ =	sdelay $0x1  }
0x51: {  	s20 =	sshrl.u32 s20, $0xA  }
0x52: {  	s20 =	sand.u32 $0x3F, s20  }
0x53: {  	_ =	swait.ge [sflag:s8], $0x80;
	s20 =	smul.u32 $0x6, s20  }
0x54: {  	[sflag:s8] =	ssyncset.done $0x0  }
0x55: {  	[sflag:s8] =	ssyncadd.s32 $0xFFFFFF80;
	s20 =	ssub.s32 s14, s20  }
0x56: {  	s23 =	sadd.s32 $0x2, s14;
	_ =	swait.ge [sflag:s9], $0x4000;
	s20 =	sand.u32 $0xFF, s20  }
0x57: {  	s24 =	sand.u32 $0xFF, s23;
	[sflag:s9] =	ssyncset.done $0x0;
	s20 =	sshll.u32 s20, $0x7  }
0x58: {  	s24 =	smul.u32 $0xAB, s24;
	[sflag:s9] =	ssyncadd.s32 $0xFFFFC000;
	s20 =	sadd.s32 $0x300, s20  }
0x59: {  	[spmem:s1] =	stream.indirect.scatter.add.f32 [tilespmem:s6], [sflag:$0x5], $0x80, s20, s31, $0xb8;
	[tilespmem:$0x1C600] =	vst v63  }
0x5a: {  	s26 =	sshrl.u32 s24, $0xA;
	_ =	swait.ge [sflag:s10], $0x4000  }
0x5b: {  	s20 =	smul.u32 $0x6, s26;
	[sflag:s10] =	ssyncset.done $0x0  }
0x5c: {  	[sflag:s10] =	ssyncadd.s32 $0xFFFFC000  }
0x5d: {  	p1 =	sgt.u32 s13, $0x24;
	s20 =	ssub.s32 s23, s20;
	_ =	swait.ge [sflag:s0], $0x80  }
0x5e: {  	s23 =	sadd.s32 @!p1 $0x5, s14;
	s20 =	sand.u32 $0xFF, s20;
	[sflag:s0] =	ssyncset.done $0x0  }
0x5f: {  	s24 =	smul.u32 @!p1 $0xAB, s23;
	s20 =	sshll.u32 s20, $0x7;
	[sflag:s0] =	ssyncadd.s32 $0xFFFFFF80  }
0x60: {  	[tilespmem:s6], [sflag:$0x3] =	stream.indirect.gather [hbm4b:s4+s31], $0x80, s20, s31, $0xb8;
	[tilespmem:$0x1C600] =	vst v63  }
0x61: {  	s20 =	sshrl.u32 @!p1 s24, $0xA  }
0x62: {  	s20 =	sand.u32 @!p1 $0x3F, s20  }
0x63: {  	s24 =	sadd.s32 @!p1 s18, s23;
	s20 =	smul.u32 @!p1 $0x6, s20  }
0x64: {  	p2 =	sgt.u32 @!p1 s24, $0x9C3  }
0x65: {  	p3 =	por !p2, p1;
	s20 =	ssub.s32 @!p1 s23, s20  }
0x66: {  	s23 =	sshrl.u32 @!p3 s25, $0x3;
	s20 =	sand.u32 @!p1 $0xFF, s20  }
0x67: {  	s30 =	simm.s32 @!p3 $0x0;
	s23 =	sadd.s32 @!p3 s5, s23;
	s24 =	sshll.u32 @!p3 s20, $0x7  }
0x68: {  	[tilespmem:s24], [sflag:$0x1] =	stream.linear.gather @!p3 [hbm4b:s23+s30], $0x80, $0x38;
	[tilespmem:$0x1C600] =	vst v63  }
0x69: {  	p1 =	por p2, p1;
	s24 =	sadd.s32 @!p3 $0x300, s24  }
0x6a: {  	[tilespmem:s24], [sflag:$0x2] =	stream.linear.gather @!p3 [hbm4b:s23+s30], $0x80, $0x38;
	[tilespmem:$0x1C600] =	vst v63  }
0x6b: {  	s23 =	sadd.s32 @!p1 s17, s29  }
0x6c: {  	s20 =	sshll.u32 @!p1 s20, $0x7;
	s24 =	simm.s32 @!p1 $0x0;
	s23 =	sadd.s32 @!p1 $0x50, s23  }
0x6d: {  	[tilespmem:s20], [sflag:$0x1] =	stream.linear.gather @!p1 [hbm4b:s23+s24], $0x80, $0x38;
	[tilespmem:$0x1C600] =	vst v63  }
0x6e: {  	s23 =	sor.u32 $0x1, s14  }
0x6f: {  	s30 =	sadd.s32 @!p1 s16, s29;
	s26 =	sand.u32 $0xFF, s23  }
0x70: {  	s30 =	sadd.s32 @!p1 $0x50, s30;
	s20 =	sadd.s32 @!p1 $0x300, s20;
	s26 =	smul.u32 $0xAB, s26  }
0x71: {  	[tilespmem:s20], [sflag:$0x2] =	stream.linear.gather @!p1 [hbm4b:s30+s24], $0x80, $0x38;
	[tilespmem:$0x1C600] =	vst v63  }
0x72: {  	s30 =	sshrl.u32 s26, $0xA  }
0x73: {  	_ =	swait.ge [sflag:s8], $0x80;
	s20 =	smul.u32 $0x6, s30  }
0x74: {  	[sflag:s8] =	ssyncset.done $0x0  }
0x75: {  	p1 =	seq.s32 s14, $0x4C;
	[sflag:s8] =	ssyncadd.s32 $0xFFFFFF80;
	s20 =	ssub.s32 s23, s20  }
0x76: {  	_ =	swait.ge [sflag:s11], $0x4000;
	s23 =	sadd.s32 @!p1 $0x3, s14;
	s20 =	sand.u32 $0xFF, s20  }
0x77: {  	[sflag:s11] =	ssyncset.done $0x0;
	s24 =	sand.u32 @!p1 $0xFF, s23;
	s20 =	sshll.u32 s20, $0x7  }
0x78: {  	[sflag:s11] =	ssyncadd.s32 $0xFFFFC000;
	s24 =	smul.u32 @!p1 $0xAB, s24;
	s20 =	sadd.s32 $0x300, s20  }
0x79: {  	[spmem:s1] =	stream.indirect.scatter.add.f32 [tilespmem:s7], [sflag:$0x5], $0x80, s20, s31, $0xb8;
	[tilespmem:$0x1C600] =	vst v63  }
0x7a: {  	p2 =	sgt.u32 @!p1 s13, $0x24;
	s20 =	sshrl.u32 @!p1 s24, $0xA;
	_ =	swait.ge [sflag:s10], $0x4000  }
0x7b: {  	p3 =	por p2, p1;
	s20 =	smul.u32 @!p1 $0x6, s20;
	[sflag:s10] =	ssyncset.done $0x0  }
0x7c: {  	s26 =	simm.s32 @!p1 $0x4600;
	s24 =	simm.s32 @!p1 $0x1;
	[sflag:s10] =	ssyncadd.s32 $0xFFFFC000  }
0x7d: {  	s20 =	ssub.s32 @!p1 s23, s20;
	s23 =	sadd.s32 @!p3 $0x6, s14;
	_ =	swait.ge @!p1 [sflag:s24], $0x80  }
0x7e: {  	s20 =	sand.u32 @!p1 $0xFF, s20;
	s30 =	smul.u32 @!p3 $0xAB, s23;
	[sflag:s24] =	ssyncset.done @!p1 $0x0  }
0x7f: {  	s20 =	sshll.u32 @!p1 s20, $0x7;
	[sflag:s24] =	ssyncadd.s32 @!p1 $0xFFFFFF80;
	s24 =	simm.s32 @!p1 $0x80  }
0x80: {  	[tilespmem:s26], [sflag:$0x4] =	stream.indirect.gather @!p1 [hbm4b:s4+s24], $0x80, s20, s24, $0xb8;
	[tilespmem:$0x1C600] =	vst v63  }
0x81: {  	s20 =	sadd.s32 @!p3 s18, s23;
	s24 =	sshrl.u32 @!p3 s30, $0xA  }
0x82: {  	s24 =	sand.u32 @!p3 $0x3F, s24;
	p4 =	sgt.u32 @!p3 s20, $0x9C3  }
0x83: {  	s20 =	smul.u32 @!p3 $0x6, s24;
	p5 =	por @!p1 !p4, p2  }
0x84: {  	p5 =	por p5, p1  }
0x85: {  	s20 =	ssub.s32 @!p3 s23, s20;
	s23 =	sadd.s32 @!p5 $0x80, s25  }
0x86: {  	p2 =	por @!p1 p4, p2;
	s20 =	sand.u32 @!p3 $0xFF, s20;
	s23 =	sshrl.u32 @!p5 s23, $0x3  }
0x87: {  	s26 =	simm.s32 @!p5 $0x0;
	s24 =	sshll.u32 @!p5 s20, $0x7;
	s23 =	sadd.s32 @!p5 s5, s23  }
0x88: {  	[tilespmem:s24], [sflag:$0x1] =	stream.linear.gather @!p5 [hbm4b:s23+s26], $0x80, $0x38;
	[tilespmem:$0x1C600] =	vst v63  }
0x89: {  	p2 =	por p2, p1;
	s24 =	sadd.s32 @!p5 $0x300, s24  }
0x8a: {  	[tilespmem:s24], [sflag:$0x2] =	stream.linear.gather @!p5 [hbm4b:s23+s26], $0x80, $0x38;
	[tilespmem:$0x1C600] =	vst v63  }
0x8b: {  	s23 =	sadd.s32 @!p2 s17, s29  }
0x8c: {  	s20 =	sshll.u32 @!p2 s20, $0x7;
	s24 =	simm.s32 @!p2 $0x0;
	s23 =	sadd.s32 @!p2 $0x60, s23  }
0x8d: {  	[tilespmem:s20], [sflag:$0x1] =	stream.linear.gather @!p2 [hbm4b:s23+s24], $0x80, $0x38;
	[tilespmem:$0x1C600] =	vst v63  }
0x8e: {  	s23 =	sadd.s32 @!p2 s16, s29  }
0x8f: {  	s14 =	sadd.s32 @!p1 $0x2, s14;
	s20 =	sadd.s32 @!p2 $0x300, s20;
	s23 =	sadd.s32 @!p2 $0x60, s23  }
0x90: {  	[tilespmem:s20], [sflag:$0x2] =	stream.linear.gather @!p2 [hbm4b:s23+s24], $0x80, $0x38;
	[tilespmem:$0x1C600] =	vst v63  }
0x91: {  	p2 =	sne.s32 @!p1 s14, $0x4E  }
0x92: {  	p2 =	por p1, !p2  }
.Ltmp0:
0x93: {  	_ = 	snop;
	(pc) =	sbr.rel @!p2 .LBB2_2-.Ltmp0, $3  }
0x94: {  	_ =	sdelay $0x1  }
0x95: {  	s13 =	sadd.s32 @!p1 $0x1, s13  }
0x96: {  	s25 =	sadd.s32 @!p1 $0x100, s25;
	s17 =	sadd.s32 @!p1 $0x20, s17;
	s16 =	sadd.s32 @!p1 $0x20, s16  }
0x97: {  	_ =	swait.ge [sflag:s8], $0x80  }
0x98: {  	[sflag:s8] =	ssyncset.done $0x0  }
0x99: {  	[sflag:s8] =	ssyncadd.s32 $0xFFFFFF80  }
0x9a: {  	_ =	swait.ge [sflag:s9], $0x4000  }
0x9b: {  	[sflag:s9] =	ssyncset.done $0x0  }
0x9c: {  	s17 =	simm.s32 $0x300;
	[sflag:s9] =	ssyncadd.s32 $0xFFFFC000  }
0x9d: {  	[spmem:s1] =	stream.indirect.scatter.add.f32 [tilespmem:s6], [sflag:$0x5], $0x80, s17, s31, $0xb8;
	[tilespmem:$0x1C600] =	vst v63  }
0x9e: {  	_ =	swait.ge [sflag:s10], $0x4000  }
0x9f: {  	[sflag:s10] =	ssyncset.done $0x0  }
0xa0: {  	[sflag:s10] =	ssyncadd.s32 $0xFFFFC000  }
0xa1: {  	s13 =	sshll.u32 s2, $0x6;
	[bflag:$0x0] =	sbarrier.arrive $0xFFFF  }
0xa2: {  	s14 =	sshrl.u32 s19, $0x3;
	s13 =	sor.u32 $0x1C05, s13;
	s16 =	rddreg [dreg:$0x11]  }
0xa3: {  	[hbm:s16], [sflag:s13] =	dma.local [spmem:s14], $0x2800  }
0xa4: {  	_ =	swait.ge [sflag:s10], $0x2800  }
0xa5: {  	s12 =	sadd.s32 $0x1, s12;
	s30 =	rddreg [dreg:$0x12]  }
0xa6: {  	p1 =	sne.s32 s12, s30  }
.Ltmp1:
0xa7: {  	_ = 	snop;
	(pc) =	sbr.rel @p1 .LBB2_1-.Ltmp1, $3  }
0xa8: {  	_ =	sdelay $0x1  }
0xa9: {  	[sflag:s10] =	ssyncset.done $0x0  }
0xaa: {  	[sflag:s10] =	ssyncadd.s32 $0xFFFFD800  }
0xab: {  	_ =	sfence.sel $0x180000  }
0xac: {  	[bflag:$0x0] =	sbarrier.arrive $0xFFFF  }
0xad: {  	_ =	strace $0x9000004A  }
0xae: {  	[bflag:$0x2] =	sbarrier.arrive $0xFFFF  }
0xaf: {  	p0 =	sne.s32 s2, $0x0;
	s0 =	rddreg [dreg:$0x3]  }
0xb0: {  	s0 =	sadd.s32 @!p0 $0x100000, s0  }
0xb1: {  	[sflag:s0] =	ssyncadd.tile.s32 @!p0 $0x1;
	_ =	shalt  }
.Lfunc_end2:
_tile_overlayer_lowered:
.L_overlay_start_2:
0xb2: {  	(tag) =	ssettag $0x2  }
0xb3: {  	s0 =	rddreg [dreg:$0x0];
	s2 =	stileid.u32  }
0xb4: {  	s1 =	rddreg [dreg:$0x1];
	p0 =	sne.s32 s2, $0x0  }
0xb5: {  	s3 =	rddreg [dreg:$0x2];
	[bflag:$0x3] =	sbarrier.arrive $0xFFFF;
	s2 =	simm.s32 @!p0 $0x1C05  }
0xb6: {  	[timem:s3], [sflag:s2] =	dma.local @!p0 [hbm:s0], s1  }
0xb7: {  	s0 =	simm.s32 @!p0 $0x5  }
0xb8: {  	_ =	swait.ge @!p0 [sflag:s0], s1  }
0xb9: {  	s1 =	ssub.s32 @!p0 $0x0, s1;
	[sflag:s0] =	ssyncset.done @!p0 $0x0  }
0xba: {  	[sflag:s0] =	ssyncadd.s32 @!p0 s1  }
0xbb: {  	[bflag:$0x3] =	sbarrier.arrive $0xFFFF  }
0xbc: {  	_ =	shalt  }

// kernel: kernel.14.cloned.1.call-start
scs
__scs_entry_jumppad:
0x0: {  	(pc) =	sbr.rel $0x88, $3  }
0x1: {  	(tag) =	ssettag $0x0;
	lr =	simm.s32 $0x1  }
0x2: {  	[smem:$0x3F99] =	sst lr;
	_ =	strace $0xD0000000  }
0x3: {  	_ = 	snop  }
0x4: {  	_ = 	snop  }
0x5: {  	_ = 	snop  }
0x6: {  	_ = 	snop  }
0x7: {  	_ = 	snop  }
__scs_overlays_trampoline_lowered:
0x8: {  	[smem:$0x3FA8] =	sst s0  }
0x9: {  	[smem:$0x3FA9] =	sst s1  }
0xa: {  	[smem:$0x3FAA] =	sst s2  }
0xb: {  	[smem:$0x3FAB] =	sst s3  }
0xc: {  	[smem:$0x3FAC] =	sst s4  }
0xd: {  	[smem:$0x3FAD] =	sst s5  }
0xe: {  	[smem:$0x3FAE] =	sst s6  }
0xf: {  	[smem:$0x3FAF] =	sst s7  }
0x10: {  	[smem:$0x3FB0] =	sst s8  }
0x11: {  	[smem:$0x3FB1] =	sst s9;
	s0 =	simm.s32 @!p0 $0x0  }
0x12: {  	s1 =	sld [smem:$0x3F97];
	s0 =	simm.s32 @p0 $0x1  }
0x13: {  	[smem:$0x3FB2] =	sst s0;
	s0 =	simm.s32 @!p1 $0x0  }
0x14: {  	s2 =	sld [smem:$0x3F96];
	s0 =	simm.s32 @p1 $0x1  }
0x15: {  	[smem:$0x3FB3] =	sst s0;
	s0 =	simm.s32 @!p2 $0x0  }
0x16: {  	s3 =	sld [smem:$0x3FDB];
	s0 =	simm.s32 @p2 $0x1  }
0x17: {  	s4 =	simm.s32 $0x1BF5;
	[smem:$0x3FB5] =	sst s0  }
0x18: {  	s0 =	sld [smem:$0x3F98];
	_ =	swait.ge [sflag:s4], $0x0  }
0x19: {  	s7 =	sld [smem:$0x3F99]  }
0x1a: {  	s8 =	sadd.s32 $0xFFFFE003, lr  }
0x1b: {  	s9 =	sadd.s32 $0xFFFFFEF7, lr;
	s5 =	simm.s32 $0xFFFFFFFF;
	p2 =	slt.u32 s8, $0xFFFFF086  }
0x1c: {  	p1 =	slt.u32 s9, $0xF7A;
	s5 =	simm.s32 @!p2 $0x0  }
0x1d: {  	s5 =	simm.s32 @p1 $0x1;
	p0 =	seq.s32 s7, s2  }
0x1e: {  	s7 =	smul.u32 @!p0 $0xF7A, s2;
	p2 =	seq.s32 @!p0 s5, $0x0  }
0x1f: {  	s9 =	smul.u32 $0xF7A, s1;
	s8 =	simm.s32 @!p0 $0x1BF5;
	p2 =	por !p2, p0  }
0x20: {  	[sflag:s8] =	ssyncset.s32 @!p0 $0xFFFFF086;
	s6 =	sadd.s32 @!p0 s3, s7;
	s7 =	simm.s32 @!p0 $0x108  }
0x21: {  	s3 =	sadd.s32 s3, s9;
	s6 =	sadd.s32 @!p0 $0x88, s6;
	s7 =	simm.s32 @p2 $0x1082  }
0x22: {  	[simem:s7], [sflag:s8] =	dma.local @!p0 [hbm:s6], $0xF7A  }
0x23: {  	s9 =	sor.u32 $0xD0000000, s2;
	s6 =	simm.s32 $0x108;
	_ =	swait.ge @!p0 [sflag:s8], $0x0  }
0x24: {  	s3 =	sadd.s32 $0x88, s3;
	s6 =	simm.s32 @!p1 $0x1082;
	[sflag:s4] =	ssyncset.s32 $0xFFFFF086  }
0x25: {  	[simem:s6], [sflag:s4] =	dma.local [hbm:s3], $0xF7A  }
0x26: {  	[smem:$0x3F99] =	sst s1;
	(tag) =	ssettag s2;
	_ =	strace s9  }
0x27: {  	s1 =	sld [smem:$0x3FA9]  }
0x28: {  	s2 =	sld [smem:$0x3FAA]  }
0x29: {  	s4 =	sld [smem:$0x3FAC]  }
0x2a: {  	p0 =	seq.s32 s5, $0x0;
	s5 =	sld [smem:$0x3FAD]  }
0x2b: {  	s6 =	sld [smem:$0x3FAE]  }
0x2c: {  	s7 =	sld [smem:$0x3FAF]  }
0x2d: {  	s3 =	simm.s32 $0x108;
	s8 =	sld [smem:$0x3FB0]  }
0x2e: {  	s3 =	simm.s32 @!p0 $0x1082;
	s9 =	sld [smem:$0x3FB1]  }
0x2f: {  	lr =	sadd.s32 s0, s3;
	s0 =	sld [smem:$0x3FA8]  }
0x30: {  	s3 =	sld [smem:$0x3FAB]  }
0x31: {  	[smem:$0x3FB4] =	sst s10  }
0x32: {  	s10 =	sld [smem:$0x3FB2];
	_ =	sdelay $0x3  }
0x33: {  	p0 =	seq.s32 s10, $0x1;
	s10 =	sld [smem:$0x3FB4];
	_ =	sdelay $0x3  }
0x34: {  	[smem:$0x3FB4] =	sst s10  }
0x35: {  	s10 =	sld [smem:$0x3FB3];
	_ =	sdelay $0x3  }
0x36: {  	p1 =	seq.s32 s10, $0x1;
	s10 =	sld [smem:$0x3FB4];
	_ =	sdelay $0x3  }
0x37: {  	[smem:$0x3FB4] =	sst s10  }
0x38: {  	s10 =	sld [smem:$0x3FB5]  }
0x39: {  	_ = 	snop;
	(pc) =	sbr.ind lr, $3  }
0x3a: {  	_ = 	snop  }
0x3b: {  	_ = 	snop  }
0x3c: {  	p2 =	seq.s32 s10, $0x1;
	s10 =	sld [smem:$0x3FB4]  }
0x3d: {  	_ =	shalt  }
0x3e: {  	_ =	shalt  }
0x3f: {  	_ =	shalt  }
0x40: {  	_ =	shalt  }
0x41: {  	_ =	shalt  }
0x42: {  	_ =	shalt  }
0x43: {  	_ =	shalt  }
0x44: {  	_ =	shalt  }
0x45: {  	_ =	shalt  }
0x46: {  	_ =	shalt  }
0x47: {  	_ =	shalt  }
0x48: {  	_ =	shalt  }
0x49: {  	_ =	shalt  }
0x4a: {  	_ =	shalt  }
0x4b: {  	_ =	shalt  }
0x4c: {  	_ =	shalt  }
0x4d: {  	_ =	shalt  }
0x4e: {  	_ =	shalt  }
0x4f: {  	_ =	shalt  }
0x50: {  	_ =	shalt  }
0x51: {  	_ =	shalt  }
0x52: {  	_ =	shalt  }
0x53: {  	_ =	shalt  }
0x54: {  	_ =	shalt  }
0x55: {  	_ =	shalt  }
0x56: {  	_ =	shalt  }
0x57: {  	_ =	shalt  }
0x58: {  	_ =	shalt  }
0x59: {  	_ =	shalt  }
0x5a: {  	_ =	shalt  }
0x5b: {  	_ =	shalt  }
0x5c: {  	_ =	shalt  }
0x5d: {  	_ =	shalt  }
0x5e: {  	_ =	shalt  }
0x5f: {  	_ =	shalt  }
0x60: {  	_ =	shalt  }
0x61: {  	_ =	shalt  }
0x62: {  	_ =	shalt  }
0x63: {  	_ =	shalt  }
0x64: {  	_ =	shalt  }
0x65: {  	_ =	shalt  }
0x66: {  	_ =	shalt  }
0x67: {  	_ =	shalt  }
0x68: {  	_ =	shalt  }
0x69: {  	_ =	shalt  }
0x6a: {  	_ =	shalt  }
0x6b: {  	_ =	shalt  }
0x6c: {  	_ =	shalt  }
0x6d: {  	_ =	shalt  }
0x6e: {  	_ =	shalt  }
0x6f: {  	_ =	shalt  }
0x70: {  	_ =	shalt  }
0x71: {  	_ =	shalt  }
0x72: {  	_ =	shalt  }
0x73: {  	_ =	shalt  }
0x74: {  	_ =	shalt  }
0x75: {  	_ =	shalt  }
0x76: {  	_ =	shalt  }
0x77: {  	_ =	shalt  }
0x78: {  	_ =	shalt  }
0x79: {  	_ =	shalt  }
0x7a: {  	_ =	shalt  }
0x7b: {  	_ =	shalt  }
0x7c: {  	_ =	shalt  }
0x7d: {  	_ =	shalt  }
0x7e: {  	_ =	shalt  }
0x7f: {  	_ =	shalt  }
0x80: {  	_ =	shalt  }
0x81: {  	_ =	shalt  }
0x82: {  	_ =	shalt  }
0x83: {  	_ =	shalt  }
0x84: {  	_ =	shalt  }
0x85: {  	_ =	shalt  }
0x86: {  	_ =	shalt  }
0x87: {  	_ =	shalt  }
.Lfunc_end0:
.L_simem_size_0:
called_computation.2_lowered:
.L_overlay_start_0:
0x88: {  	s2 =	sld [smem:$0x3FD9]  }
0x89: {  	s3 =	sld [smem:$0x3FFE];
	_ =	sdelay $0x1  }
0x8a: {  	s1 =	srdreg.scid  }
0x8b: {  	s0 =	sand.u32 $0x1, s1  }
0x8c: {  	s14 =	sshll.u32 s0, $0xA;
	s2 =	sadd.s32 s3, s2  }
0x8d: {  	s2 =	sadd.s32 s2, s14  }
0x8e: {  	[smem:$0x3FC0] =	sst s2  }
0x8f: {  	_ = 	snop  }
0x90: {  	s2 =	sld [smem:$0x3FD0];
	_ =	sdelay $0x2  }
0x91: {  	s15 =	simm.s32 $0xA;
	s4 =	simm.s32 $0x10  }
0x92: {  	[smem:s4], [sflag:s15] =	dma.local [hbm:s2], $0x1  }
0x93: {  	_ =	swait.eq [sflag:s15], $0x1  }
0x94: {  	[sflag:s15] =	ssyncset.done $0x0  }
0x95: {  	[sflag:s15] =	ssyncadd.s32 $0xFFFFFFFF  }
0x96: {  	s16 =	sld [smem:$0x10];
	(tm) =	ssettm $0x1  }
0x97: {  	s17 =	sld [smem:$0x3FFB];
	_ =	sdelay $0x3  }
0x98: {  	_ =	strace s17  }
0x99: {  	s3 =	sld [smem:$0x3FFC];
	_ =	sdelay $0x3  }
0x9a: {  	_ =	strace s3  }
0x9b: {  	s3 =	sld [smem:$0x3FFD];
	_ =	sdelay $0x3  }
0x9c: {  	_ =	strace s3  }
0x9d: {  	_ =	strace $0x8FFFFFFF  }
0x9e: {  	s18 =	sld [smem:$0x3FDB];
	_ =	sdelay $0x1  }
0x9f: {  	s19 =	simm.s32 $_scs_section_size  }
0xa0: {  	s5 =	simm.s32 $_size__tile_overlayer_lowered;
	s6 =	simm.s32 $_tile_overlayer_lowered  }
0xa1: {  	s22 =	simm.s32 $0x1BFF;
	s21 =	sshll.u32 s6, $0x1;
	s3 =	sadd.s32 s19, s18  }
0xa2: {  	s7 =	simm.s32 $0x0;
	s20 =	sshll.u32 s5, $0x1;
	s5 =	sadd.s32 s21, s3  }
0xa3: {  	[timem:s7], [sflag:s22] =	dma.local [hbm:s5], s20  }
0xa4: {  	_ =	swait.ge [sflag:s22], s20  }
0xa5: {  	s4 =	ssub.s32 $0x0, s20;
	[sflag:s22] =	ssyncset.done $0x0  }
0xa6: {  	[sflag:s22] =	ssyncadd.s32 s4;
	_ =	sdelay $0x1  }
0xa7: {  	s23 =	simm.s32 $0x1B8B  }
0xa8: {  	_ =	swait.ge [sflag:s23], $0x1  }
0xa9: {  	[sflag:s23] =	ssyncset.done $0x0  }
0xaa: {  	s25 =	simm.s32 $0x1B8E;
	s24 =	sld [smem:$0x3FFE];
	[sflag:s23] =	ssyncadd.s32 $0xFFFFFFFF  }
0xab: {  	s26 =	simm.s32 $execute0_lowered;
	[smem:$0x3FD2] =	sst s25  }
0xac: {  	s5 =	sshll.u32 s26, $0x1;
	_ =	strace $0x8000004C;
	[dreg:$0x1] =	wrdreg $0xFFFFFFFF  }
0xad: {  	s28 =	simm.s32 $_size_execute0_lowered;
	s3 =	sadd.s32 s3, s5;
	[dreg:$0x0] =	wrdreg $0x0  }
0xae: {  	s5 =	sshll.u32 s28, $0x1;
	[dreg:$0x2] =	wrdreg s3  }
0xaf: {  	[dreg:$0x3] =	wrdreg s5  }
0xb0: {  	[dreg:$0x4] =	wrdreg $0xC0  }
0xb1: {  	_ =	task [dreg:s7], $0x5FFFF  }
0xb2: {  	[dreg:$0x1] =	wrdreg $0xFFFFFFFF  }
0xb3: {  	[dreg:$0x0] =	wrdreg $0x60  }
0xb4: {  	[dreg:$0x2] =	wrdreg s24  }
0xb5: {  	[dreg:$0x3] =	wrdreg s16  }
0xb6: {  	[dreg:$0x4] =	wrdreg $0x46000  }
0xb7: {  	[dreg:$0x5] =	wrdreg $0x9  }
0xb8: {  	_ =	task.clear_ibuf [dreg:s7], $0x6FFFF;
	_ =	strace $0x9000004C  }
0xb9: {  	s29 =	simm.s32 $0x9;
	_ =	strace $0x8000004E  }
0xba: {  	_ =	swait.ge [sflag:s29], $0x1  }
0xbb: {  	[sflag:s29] =	ssyncadd.s32 $0xFFFFFFFF  }
0xbc: {  	_ =	strace $0x9000004E  }
0xbd: {  	_ =	sfence  }
0xbe: {  	s30 =	sld [smem:$0x0];
	_ =	sdelay $0x2  }
0xbf: {  	s31 =	sshll.u32 s1, $0xD;
	s1 =	sshrl.u32 s1, $0x2  }
0xc0: {  	s3 =	sand.u32 $0x4000, s31;
	s1 =	sadd.s32 s1, s30  }
0xc1: {  	s0 =	sor.u32 s3, s0;
	s1 =	sshll.u32 s1, $0x11  }
0xc2: {  	s0 =	sor.u32 s1, s0  }
0xc3: {  	s0 =	sadd.s32 $0x8F2B, s0  }
0xc4: {  	[sflag:s0] =	ssyncadd.remote.s32 $0x1  }
0xc5: {  	_ =	sfence.sel $0xFFFF  }
0xc6: {  	[dreg:$0x0] =	wrdreg $0xFFFFFFFF;
	(pc) =	sbr.abs _section_cstart, $3  }
0xc7: {  	[dreg:$0x1] =	wrdreg $0xFFFFFFFF  }
0xc8: {  	_ =	task.clear_ibuf [dreg:s7], $0x2FFFF;
	_ =	strace $0x9FFFFFFF  }
0xc9: {  	(tm) =	ssettm $0x7FFFFFFF  }
tec
execute0_lowered:
.L_overlay_start_1:
0x0: {  	(tag) =	ssettag $0x1  }
0x1: {  	s0 =	rddreg [dreg:$0x0];
	s2 =	stileid.u32  }
0x2: {  	s6 =	rddreg [dreg:$0x1];
	s8 =	smul.u32 $0xA000, s2  }
0x3: {  	s1 =	rddreg [dreg:$0x2];
	s3 =	simm.s32 $0x0;
	s18 =	smul.u32 $0x2780, s2  }
0x4: {  	s4 =	srdreg.scid;
	s31 =	simm.s32 $0x80;
	s22 =	smul.u32 $0x4F, s2  }
0x5: {  	[smem:$0x7FF] =	sst s3;
	s7 =	sand.u32 $0x1, s4;
	s23 =	smul.u32 $0x28000, s2  }
0x6: {  	s4 =	sadd.s32 $0x5C000, s0;
	s10 =	sadd.s32 $0x2200, s0;
	s29 =	smul.u32 $0x4F0, s2  }
0x7: {  	_ =	strace $0x8000004D;
	s5 =	smul.u32 $0xA0000, s7;
	s9 =	sshll.u32 s7, $0x4  }
0x8: {  	s11 =	ssub.s32 $0x2, s7;
	s19 =	smul.u32 $0x4F00, s7;
	s9 =	sor.u32 s2, s9  }
0x9: {  	p0 =	seq.s32 s7, $0x1;
	s13 =	sshrl.u32 s11, $0x1;
	s9 =	smul.u32 $0x4F0, s9  }
0xa: {  	s12 =	sadd.s32 s8, s5;
	s5 =	sadd.s32 $0x2000, s0;
	s11 =	ssub.s32 s11, s13  }
0xb: {  	s12 =	sshrl.u32 s12, $0x3;
	s24 =	sadd.s32 s6, s9;
	s25 =	sadd.s32 s10, s9  }
0xc: {  	s26 =	sadd.s32 $0x10, s9;
	s30 =	sadd.s32 $0x20, s9;
	[dreg:$0x4] =	wrdreg s24  }
0xd: {  	s16 =	sadd.s32 $0x30, s9;
	[dreg:$0x5] =	wrdreg s25;
	s14 =	sadd.s32 s6, s26  }
0xe: {  	s9 =	sadd.s32 $0x40, s9;
	s13 =	sadd.s32 s10, s26;
	[dreg:$0x6] =	wrdreg s14  }
0xf: {  	s15 =	sadd.s32 s6, s30;
	s17 =	sadd.s32 s6, s16;
	[dreg:$0x7] =	wrdreg s13  }
0x10: {  	s24 =	sadd.s32 s12, s0;
	s25 =	sshrl.u32 s8, $0x3;
	[dreg:$0x8] =	wrdreg s15  }
0x11: {  	s12 =	simm.s32 $0x0;
	s13 =	sadd.s32 s10, s30;
	[dreg:$0xa] =	wrdreg s17  }
0x12: {  	s15 =	smul.u32 $0x27800, s7;
	s14 =	sadd.s32 s10, s16;
	[dreg:$0x9] =	wrdreg s13  }
0x13: {  	s16 =	sadd.s32 s6, s9;
	s7 =	smul.u32 $0x4F0, s7;
	[dreg:$0xb] =	wrdreg s14  }
0x14: {  	s9 =	sadd.s32 s10, s9;
	s10 =	sadd.s32 s19, s10;
	[dreg:$0xc] =	wrdreg s16  }
0x15: {  	s6 =	sadd.s32 s19, s6;
	s19 =	sadd.s32 s8, s1;
	[dreg:$0xd] =	wrdreg s9  }
0x16: {  	s26 =	sadd.s32 $0x70000, s24;
	s30 =	smax.u32 s11, $0x1;
	[dreg:$0xe] =	wrdreg s10  }
0x17: {  	s17 =	simm.s32 $0x300;
	s8 =	simm.s32 $0x2;
	[dreg:$0xf] =	wrdreg s6  }
0x18: {  	s11 =	simm.s32 $0x4;
	s6 =	sshrl.u32 s23, $0x2;
	[dreg:$0x11] =	wrdreg s26  }
0x19: {  	[dreg:$0x12] =	wrdreg s30;
	s9 =	simm.s32 $0x3;
	s10 =	simm.s32 $0x5  }
0x1a: {  	s20 =	sadd.s32 s18, s15;
	s18 =	sadd.s32 s22, s7;
	s7 =	sadd.s32 s4, s25  }
0x1b: {  	s21 =	sadd.s32 s6, s1;
	s22 =	sadd.s32 $0x6F880, s0;
	[dreg:$0x10] =	wrdreg s7  }
0x1c: {  	s0 =	sadd.s32 $0x3C00, s21;
	s6 =	sadd.s32 $0x7800, s21;
	s15 =	sadd.s32 $0xFFFB2080, s20  }
0x1d: {  	s7 =	simm.s32 $0x2600;
	s0 =	sshrl.u32 @p0 s0, $0x3;
	s28 =	sshrl.u32 @p0 s6, $0x3  }
0x1e: {  	s6 =	simm.s32 $0x600;
	[dreg:$0x13] =	wrdreg s0;
	s0 =	simm.s32 $0x1  }
.LBB2_1:
0x1f: {  	s13 =	rddreg [dreg:$0x4]  }
0x20: {  	[tilespmem:s3], [sflag:$0x1] =	stream.linear.gather [hbm4b:s13+s3], $0x80, $0x38;
	[tilespmem:$0xE600] =	vst v63  }
0x21: {  	s16 =	rddreg [dreg:$0x5]  }
0x22: {  	[tilespmem:s17], [sflag:$0x2] =	stream.linear.gather [hbm4b:s16+s3], $0x80, $0x38;
	[tilespmem:$0xE600] =	vst v63  }
0x23: {  	s20 =	rddreg [dreg:$0x6]  }
0x24: {  	[tilespmem:s31], [sflag:$0x1] =	stream.linear.gather [hbm4b:s20+s3], $0x80, $0x38;
	[tilespmem:$0xE600] =	vst v63  }
0x25: {  	s23 =	rddreg [dreg:$0x7];
	s14 =	simm.s32 $0x380  }
0x26: {  	[tilespmem:s14], [sflag:$0x2] =	stream.linear.gather [hbm4b:s23+s3], $0x80, $0x38;
	[tilespmem:$0xE600] =	vst v63  }
0x27: {  	s24 =	rddreg [dreg:$0x8];
	s25 =	simm.s32 $0x100  }
0x28: {  	[tilespmem:s25], [sflag:$0x1] =	stream.linear.gather [hbm4b:s24+s3], $0x80, $0x38;
	[tilespmem:$0xE600] =	vst v63  }
0x29: {  	s26 =	rddreg [dreg:$0x9];
	s30 =	simm.s32 $0x400  }
0x2a: {  	[tilespmem:s30], [sflag:$0x2] =	stream.linear.gather [hbm4b:s26+s3], $0x80, $0x38;
	[tilespmem:$0xE600] =	vst v63  }
0x2b: {  	s16 =	rddreg [dreg:$0xa];
	s17 =	simm.s32 $0x180  }
0x2c: {  	[tilespmem:s17], [sflag:$0x1] =	stream.linear.gather [hbm4b:s16+s3], $0x80, $0x38;
	[tilespmem:$0xE600] =	vst v63  }
0x2d: {  	s20 =	rddreg [dreg:$0xb];
	s23 =	simm.s32 $0x480  }
0x2e: {  	[tilespmem:s23], [sflag:$0x2] =	stream.linear.gather [hbm4b:s20+s3], $0x80, $0x38;
	[tilespmem:$0xE600] =	vst v63  }
0x2f: {  	s24 =	rddreg [dreg:$0xc];
	s25 =	simm.s32 $0x200  }
0x30: {  	[tilespmem:s25], [sflag:$0x1] =	stream.linear.gather [hbm4b:s24+s3], $0x80, $0x38;
	[tilespmem:$0xE600] =	vst v63  }
0x31: {  	s26 =	rddreg [dreg:$0xd];
	s30 =	simm.s32 $0x500  }
0x32: {  	[tilespmem:s30], [sflag:$0x2] =	stream.linear.gather [hbm4b:s26+s3], $0x80, $0x38;
	[tilespmem:$0xE600] =	vst v63  }
0x33: {  	_ =	swait.ge [sflag:s0], $0x80  }
0x34: {  	[sflag:s0] =	ssyncset.done $0x0  }
0x35: {  	[sflag:s0] =	ssyncadd.s32 $0xFFFFFF80  }
0x36: {  	[tilespmem:s6], [sflag:$0x3] =	stream.indirect.gather [hbm4b:s4+s31], $0x40, s3, s31, $0xb8;
	[tilespmem:$0xE600] =	vst v63  }
0x37: {  	_ =	swait.ge [sflag:s0], $0x80  }
0x38: {  	s13 =	sshll.u32 @p0 s2, $0x6;
	[sflag:s0] =	ssyncset.done $0x0  }
0x39: {  	s13 =	sor.u32 @p0 $0x1C05, s13;
	s14 =	sshrl.u32 @p0 s21, $0x3;
	[sflag:s0] =	ssyncadd.s32 $0xFFFFFF80  }
0x3a: {  	[tilespmem:s7], [sflag:$0x4] =	stream.indirect.gather [hbm4b:s4+s31], $0x40, s31, s31, $0xb8;
	[tilespmem:$0xE600] =	vst v63  }
0x3b: {  	[spmem:s14], [sflag:s13] =	dma.local @p0 [hbm:s22], $0x780  }
0x3c: {  	s14 =	simm.s32 @p0 $0x5  }
0x3d: {  	_ =	swait.ge @p0 [sflag:s14], $0x780  }
0x3e: {  	[sflag:s14] =	ssyncset.done @p0 $0x0  }
0x3f: {  	s16 =	rddreg [dreg:$0x13];
	[sflag:s14] =	ssyncadd.s32 @p0 $0xFFFFF880  }
0x40: {  	[spmem:s16], [sflag:s13] =	dma.local @p0 [hbm:s22], $0x780  }
0x41: {  	_ =	swait.ge @p0 [sflag:s14], $0x780  }
0x42: {  	[sflag:s14] =	ssyncset.done @p0 $0x0  }
0x43: {  	[sflag:s14] =	ssyncadd.s32 @p0 $0xFFFFF880  }
0x44: {  	[spmem:s28], [sflag:s13] =	dma.local @p0 [hbm:s22], $0x500  }
0x45: {  	s13 =	sshll.u32 @!p0 s2, $0x6;
	_ =	swait.ge @p0 [sflag:s14], $0x500  }
0x46: {  	s13 =	sor.u32 @!p0 $0x1C05, s13;
	[sflag:s14] =	ssyncset.done @p0 $0x0  }
0x47: {  	s16 =	rddreg [dreg:$0x10];
	[sflag:s14] =	ssyncadd.s32 @p0 $0xFFFFFB00;
	s14 =	sshrl.u32 @!p0 s19, $0x3  }
0x48: {  	[spmem:s14], [sflag:s13] =	dma.local @!p0 [hbm:s16], $0x1400  }
0x49: {  	s13 =	simm.s32 @!p0 $0x5  }
0x4a: {  	_ =	swait.ge @!p0 [sflag:s13], $0x1400  }
0x4b: {  	[sflag:s13] =	ssyncset.done @!p0 $0x0  }
0x4c: {  	[sflag:s13] =	ssyncadd.s32 @!p0 $0xFFFFEC00  }
0x4d: {  	[bflag:$0x0] =	sbarrier.arrive $0xFFFF  }
0x4e: {  	s25 =	smov.u32 s15;
	s17 =	rddreg [dreg:$0xf]  }
0x4f: {  	s14 =	simm.s32 $0x0;
	s13 =	simm.s32 $0x0;
	s16 =	rddreg [dreg:$0xe]  }
.LBB2_2:
0x50: {  	s20 =	smul.u32 $0xAB, s14;
	_ =	sdelay $0x1  }
0x51: {  	s20 =	sshrl.u32 s20, $0xA  }
0x52: {  	s20 =	sand.u32 $0x3F, s20  }
0x53: {  	_ =	swait.ge [sflag:s8], $0x80;
	s20 =	smul.u32 $0x6, s20  }
0x54: {  	[sflag:s8] =	ssyncset.done $0x0  }
0x55: {  	[sflag:s8] =	ssyncadd.s32 $0xFFFFFF80;
	s20 =	ssub.s32 s14, s20  }
0x56: {  	s23 =	sadd.s32 $0x2, s14;
	_ =	swait.ge [sflag:s9], $0x2000;
	s20 =	sand.u32 $0xFF, s20  }
0x57: {  	s24 =	sand.u32 $0xFF, s23;
	[sflag:s9] =	ssyncset.done $0x0;
	s20 =	sshll.u32 s20, $0x7  }
0x58: {  	s24 =	smul.u32 $0xAB, s24;
	[sflag:s9] =	ssyncadd.s32 $0xFFFFE000;
	s20 =	sadd.s32 $0x300, s20  }
0x59: {  	[spmem:s1] =	stream.indirect.scatter.add.f32 [tilespmem:s6], [sflag:$0x5], $0x40, s20, s31, $0xb8;
	[tilespmem:$0xE600] =	vst v63  }
0x5a: {  	s26 =	sshrl.u32 s24, $0xA;
	_ =	swait.ge [sflag:s10], $0x2000  }
0x5b: {  	s20 =	smul.u32 $0x6, s26;
	[sflag:s10] =	ssyncset.done $0x0  }
0x5c: {  	[sflag:s10] =	ssyncadd.s32 $0xFFFFE000  }
0x5d: {  	p1 =	sgt.u32 s13, $0x24;
	s20 =	ssub.s32 s23, s20;
	_ =	swait.ge [sflag:s0], $0x80  }
0x5e: {  	s23 =	sadd.s32 @!p1 $0x5, s14;
	s20 =	sand.u32 $0xFF, s20;
	[sflag:s0] =	ssyncset.done $0x0  }
0x5f: {  	s24 =	smul.u32 @!p1 $0xAB, s23;
	s20 =	sshll.u32 s20, $0x7;
	[sflag:s0] =	ssyncadd.s32 $0xFFFFFF80  }
0x60: {  	[tilespmem:s6], [sflag:$0x3] =	stream.indirect.gather [hbm4b:s4+s31], $0x40, s20, s31, $0xb8;
	[tilespmem:$0xE600] =	vst v63  }
0x61: {  	s20 =	sshrl.u32 @!p1 s24, $0xA  }
0x62: {  	s20 =	sand.u32 @!p1 $0x3F, s20  }
0x63: {  	s24 =	sadd.s32 @!p1 s18, s23;
	s20 =	smul.u32 @!p1 $0x6, s20  }
0x64: {  	p2 =	sgt.u32 @!p1 s24, $0x9C3  }
0x65: {  	p3 =	por !p2, p1;
	s20 =	ssub.s32 @!p1 s23, s20  }
0x66: {  	s23 =	sshrl.u32 @!p3 s25, $0x3;
	s20 =	sand.u32 @!p1 $0xFF, s20  }
0x67: {  	s30 =	simm.s32 @!p3 $0x0;
	s23 =	sadd.s32 @!p3 s5, s23;
	s24 =	sshll.u32 @!p3 s20, $0x7  }
0x68: {  	[tilespmem:s24], [sflag:$0x1] =	stream.linear.gather @!p3 [hbm4b:s23+s30], $0x80, $0x38;
	[tilespmem:$0xE600] =	vst v63  }
0x69: {  	p1 =	por p2, p1;
	s24 =	sadd.s32 @!p3 $0x300, s24  }
0x6a: {  	[tilespmem:s24], [sflag:$0x2] =	stream.linear.gather @!p3 [hbm4b:s23+s30], $0x80, $0x38;
	[tilespmem:$0xE600] =	vst v63  }
0x6b: {  	s23 =	sadd.s32 @!p1 s17, s29  }
0x6c: {  	s20 =	sshll.u32 @!p1 s20, $0x7;
	s24 =	simm.s32 @!p1 $0x0;
	s23 =	sadd.s32 @!p1 $0x50, s23  }
0x6d: {  	[tilespmem:s20], [sflag:$0x1] =	stream.linear.gather @!p1 [hbm4b:s23+s24], $0x80, $0x38;
	[tilespmem:$0xE600] =	vst v63  }
0x6e: {  	s23 =	sor.u32 $0x1, s14  }
0x6f: {  	s30 =	sadd.s32 @!p1 s16, s29;
	s26 =	sand.u32 $0xFF, s23  }
0x70: {  	s30 =	sadd.s32 @!p1 $0x50, s30;
	s20 =	sadd.s32 @!p1 $0x300, s20;
	s26 =	smul.u32 $0xAB, s26  }
0x71: {  	[tilespmem:s20], [sflag:$0x2] =	stream.linear.gather @!p1 [hbm4b:s30+s24], $0x80, $0x38;
	[tilespmem:$0xE600] =	vst v63  }
0x72: {  	s30 =	sshrl.u32 s26, $0xA  }
0x73: {  	_ =	swait.ge [sflag:s8], $0x80;
	s20 =	smul.u32 $0x6, s30  }
0x74: {  	[sflag:s8] =	ssyncset.done $0x0  }
0x75: {  	p1 =	seq.s32 s14, $0x4C;
	[sflag:s8] =	ssyncadd.s32 $0xFFFFFF80;
	s20 =	ssub.s32 s23, s20  }
0x76: {  	_ =	swait.ge [sflag:s11], $0x2000;
	s23 =	sadd.s32 @!p1 $0x3, s14;
	s20 =	sand.u32 $0xFF, s20  }
0x77: {  	[sflag:s11] =	ssyncset.done $0x0;
	s24 =	sand.u32 @!p1 $0xFF, s23;
	s20 =	sshll.u32 s20, $0x7  }
0x78: {  	[sflag:s11] =	ssyncadd.s32 $0xFFFFE000;
	s24 =	smul.u32 @!p1 $0xAB, s24;
	s20 =	sadd.s32 $0x300, s20  }
0x79: {  	[spmem:s1] =	stream.indirect.scatter.add.f32 [tilespmem:s7], [sflag:$0x5], $0x40, s20, s31, $0xb8;
	[tilespmem:$0xE600] =	vst v63  }
0x7a: {  	p2 =	sgt.u32 @!p1 s13, $0x24;
	s20 =	sshrl.u32 @!p1 s24, $0xA;
	_ =	swait.ge [sflag:s10], $0x2000  }
0x7b: {  	p3 =	por p2, p1;
	s20 =	smul.u32 @!p1 $0x6, s20;
	[sflag:s10] =	ssyncset.done $0x0  }
0x7c: {  	s26 =	simm.s32 @!p1 $0x2600;
	s24 =	simm.s32 @!p1 $0x1;
	[sflag:s10] =	ssyncadd.s32 $0xFFFFE000  }
0x7d: {  	s20 =	ssub.s32 @!p1 s23, s20;
	s23 =	sadd.s32 @!p3 $0x6, s14;
	_ =	swait.ge @!p1 [sflag:s24], $0x80  }
0x7e: {  	s20 =	sand.u32 @!p1 $0xFF, s20;
	s30 =	smul.u32 @!p3 $0xAB, s23;
	[sflag:s24] =	ssyncset.done @!p1 $0x0  }
0x7f: {  	s20 =	sshll.u32 @!p1 s20, $0x7;
	[sflag:s24] =	ssyncadd.s32 @!p1 $0xFFFFFF80;
	s24 =	simm.s32 @!p1 $0x80  }
0x80: {  	[tilespmem:s26], [sflag:$0x4] =	stream.indirect.gather @!p1 [hbm4b:s4+s24], $0x40, s20, s24, $0xb8;
	[tilespmem:$0xE600] =	vst v63  }
0x81: {  	s20 =	sadd.s32 @!p3 s18, s23;
	s24 =	sshrl.u32 @!p3 s30, $0xA  }
0x82: {  	s24 =	sand.u32 @!p3 $0x3F, s24;
	p4 =	sgt.u32 @!p3 s20, $0x9C3  }
0x83: {  	s20 =	smul.u32 @!p3 $0x6, s24;
	p5 =	por @!p1 !p4, p2  }
0x84: {  	p5 =	por p5, p1  }
0x85: {  	s20 =	ssub.s32 @!p3 s23, s20;
	s23 =	sadd.s32 @!p5 $0x80, s25  }
0x86: {  	p2 =	por @!p1 p4, p2;
	s20 =	sand.u32 @!p3 $0xFF, s20;
	s23 =	sshrl.u32 @!p5 s23, $0x3  }
0x87: {  	s26 =	simm.s32 @!p5 $0x0;
	s24 =	sshll.u32 @!p5 s20, $0x7;
	s23 =	sadd.s32 @!p5 s5, s23  }
0x88: {  	[tilespmem:s24], [sflag:$0x1] =	stream.linear.gather @!p5 [hbm4b:s23+s26], $0x80, $0x38;
	[tilespmem:$0xE600] =	vst v63  }
0x89: {  	p2 =	por p2, p1;
	s24 =	sadd.s32 @!p5 $0x300, s24  }
0x8a: {  	[tilespmem:s24], [sflag:$0x2] =	stream.linear.gather @!p5 [hbm4b:s23+s26], $0x80, $0x38;
	[tilespmem:$0xE600] =	vst v63  }
0x8b: {  	s23 =	sadd.s32 @!p2 s17, s29  }
0x8c: {  	s20 =	sshll.u32 @!p2 s20, $0x7;
	s24 =	simm.s32 @!p2 $0x0;
	s23 =	sadd.s32 @!p2 $0x60, s23  }
0x8d: {  	[tilespmem:s20], [sflag:$0x1] =	stream.linear.gather @!p2 [hbm4b:s23+s24], $0x80, $0x38;
	[tilespmem:$0xE600] =	vst v63  }
0x8e: {  	s23 =	sadd.s32 @!p2 s16, s29  }
0x8f: {  	s14 =	sadd.s32 @!p1 $0x2, s14;
	s20 =	sadd.s32 @!p2 $0x300, s20;
	s23 =	sadd.s32 @!p2 $0x60, s23  }
0x90: {  	[tilespmem:s20], [sflag:$0x2] =	stream.linear.gather @!p2 [hbm4b:s23+s24], $0x80, $0x38;
	[tilespmem:$0xE600] =	vst v63  }
0x91: {  	p2 =	sne.s32 @!p1 s14, $0x4E  }
0x92: {  	p2 =	por p1, !p2  }
.Ltmp0:
0x93: {  	_ = 	snop;
	(pc) =	sbr.rel @!p2 .LBB2_2-.Ltmp0, $3  }
0x94: {  	_ =	sdelay $0x1  }
0x95: {  	s13 =	sadd.s32 @!p1 $0x1, s13  }
0x96: {  	s25 =	sadd.s32 @!p1 $0x100, s25;
	s17 =	sadd.s32 @!p1 $0x20, s17;
	s16 =	sadd.s32 @!p1 $0x20, s16  }
0x97: {  	_ =	swait.ge [sflag:s8], $0x80  }
0x98: {  	[sflag:s8] =	ssyncset.done $0x0  }
0x99: {  	[sflag:s8] =	ssyncadd.s32 $0xFFFFFF80  }
0x9a: {  	_ =	swait.ge [sflag:s9], $0x2000  }
0x9b: {  	[sflag:s9] =	ssyncset.done $0x0  }
0x9c: {  	s17 =	simm.s32 $0x300;
	[sflag:s9] =	ssyncadd.s32 $0xFFFFE000  }
0x9d: {  	[spmem:s1] =	stream.indirect.scatter.add.f32 [tilespmem:s6], [sflag:$0x5], $0x40, s17, s31, $0xb8;
	[tilespmem:$0xE600] =	vst v63  }
0x9e: {  	_ =	swait.ge [sflag:s10], $0x2000  }
0x9f: {  	[sflag:s10] =	ssyncset.done $0x0  }
0xa0: {  	[sflag:s10] =	ssyncadd.s32 $0xFFFFE000  }
0xa1: {  	s13 =	sshll.u32 s2, $0x6;
	[bflag:$0x0] =	sbarrier.arrive $0xFFFF  }
0xa2: {  	s14 =	sshrl.u32 s19, $0x3;
	s13 =	sor.u32 $0x1C05, s13;
	s16 =	rddreg [dreg:$0x11]  }
0xa3: {  	[hbm:s16], [sflag:s13] =	dma.local [spmem:s14], $0x1400  }
0xa4: {  	_ =	swait.ge [sflag:s10], $0x1400  }
0xa5: {  	s12 =	sadd.s32 $0x1, s12;
	s30 =	rddreg [dreg:$0x12]  }
0xa6: {  	p1 =	sne.s32 s12, s30  }
.Ltmp1:
0xa7: {  	_ = 	snop;
	(pc) =	sbr.rel @p1 .LBB2_1-.Ltmp1, $3  }
0xa8: {  	_ =	sdelay $0x1  }
0xa9: {  	[sflag:s10] =	ssyncset.done $0x0  }
0xaa: {  	[sflag:s10] =	ssyncadd.s32 $0xFFFFEC00  }
0xab: {  	_ =	sfence.sel $0x180000  }
0xac: {  	[bflag:$0x0] =	sbarrier.arrive $0xFFFF  }
0xad: {  	_ =	strace $0x9000004D  }
0xae: {  	[bflag:$0x2] =	sbarrier.arrive $0xFFFF  }
0xaf: {  	p0 =	sne.s32 s2, $0x0;
	s0 =	rddreg [dreg:$0x3]  }
0xb0: {  	s0 =	sadd.s32 @!p0 $0x100000, s0  }
0xb1: {  	[sflag:s0] =	ssyncadd.tile.s32 @!p0 $0x1;
	_ =	shalt  }
.Lfunc_end2:
_tile_overlayer_lowered:
.L_overlay_start_2:
0xb2: {  	(tag) =	ssettag $0x2  }
0xb3: {  	s0 =	rddreg [dreg:$0x0];
	s2 =	stileid.u32  }
0xb4: {  	s1 =	rddreg [dreg:$0x1];
	p0 =	sne.s32 s2, $0x0  }
0xb5: {  	s3 =	rddreg [dreg:$0x2];
	[bflag:$0x3] =	sbarrier.arrive $0xFFFF;
	s2 =	simm.s32 @!p0 $0x1C05  }
0xb6: {  	[timem:s3], [sflag:s2] =	dma.local @!p0 [hbm:s0], s1  }
0xb7: {  	s0 =	simm.s32 @!p0 $0x5  }
0xb8: {  	_ =	swait.ge @!p0 [sflag:s0], s1  }
0xb9: {  	s1 =	ssub.s32 @!p0 $0x0, s1;
	[sflag:s0] =	ssyncset.done @!p0 $0x0  }
0xba: {  	[sflag:s0] =	ssyncadd.s32 @!p0 s1  }
0xbb: {  	[bflag:$0x3] =	sbarrier.arrive $0xFFFF  }
0xbc: {  	_ =	shalt  }

// kernel: kernel.8.cloned.1.call-start
scs
__scs_entry_jumppad:
0x0: {  	(pc) =	sbr.rel $0x88, $3  }
0x1: {  	(tag) =	ssettag $0x0;
	lr =	simm.s32 $0x1  }
0x2: {  	[smem:$0x3F99] =	sst lr;
	_ =	strace $0xD0000000  }
0x3: {  	_ = 	snop  }
0x4: {  	_ = 	snop  }
0x5: {  	_ = 	snop  }
0x6: {  	_ = 	snop  }
0x7: {  	_ = 	snop  }
__scs_overlays_trampoline_lowered:
0x8: {  	[smem:$0x3FA8] =	sst s0  }
0x9: {  	[smem:$0x3FA9] =	sst s1  }
0xa: {  	[smem:$0x3FAA] =	sst s2  }
0xb: {  	[smem:$0x3FAB] =	sst s3  }
0xc: {  	[smem:$0x3FAC] =	sst s4  }
0xd: {  	[smem:$0x3FAD] =	sst s5  }
0xe: {  	[smem:$0x3FAE] =	sst s6  }
0xf: {  	[smem:$0x3FAF] =	sst s7  }
0x10: {  	[smem:$0x3FB0] =	sst s8  }
0x11: {  	[smem:$0x3FB1] =	sst s9;
	s0 =	simm.s32 @!p0 $0x0  }
0x12: {  	s1 =	sld [smem:$0x3F97];
	s0 =	simm.s32 @p0 $0x1  }
0x13: {  	[smem:$0x3FB2] =	sst s0;
	s0 =	simm.s32 @!p1 $0x0  }
0x14: {  	s2 =	sld [smem:$0x3F96];
	s0 =	simm.s32 @p1 $0x1  }
0x15: {  	[smem:$0x3FB3] =	sst s0;
	s0 =	simm.s32 @!p2 $0x0  }
0x16: {  	s3 =	sld [smem:$0x3FDB];
	s0 =	simm.s32 @p2 $0x1  }
0x17: {  	s4 =	simm.s32 $0x1BF5;
	[smem:$0x3FB5] =	sst s0  }
0x18: {  	s0 =	sld [smem:$0x3F98];
	_ =	swait.ge [sflag:s4], $0x0  }
0x19: {  	s7 =	sld [smem:$0x3F99]  }
0x1a: {  	s8 =	sadd.s32 $0xFFFFE003, lr  }
0x1b: {  	s9 =	sadd.s32 $0xFFFFFEF7, lr;
	s5 =	simm.s32 $0xFFFFFFFF;
	p2 =	slt.u32 s8, $0xFFFFF086  }
0x1c: {  	p1 =	slt.u32 s9, $0xF7A;
	s5 =	simm.s32 @!p2 $0x0  }
0x1d: {  	s5 =	simm.s32 @p1 $0x1;
	p0 =	seq.s32 s7, s2  }
0x1e: {  	s7 =	smul.u32 @!p0 $0xF7A, s2;
	p2 =	seq.s32 @!p0 s5, $0x0  }
0x1f: {  	s9 =	smul.u32 $0xF7A, s1;
	s8 =	simm.s32 @!p0 $0x1BF5;
	p2 =	por !p2, p0  }
0x20: {  	[sflag:s8] =	ssyncset.s32 @!p0 $0xFFFFF086;
	s6 =	sadd.s32 @!p0 s3, s7;
	s7 =	simm.s32 @!p0 $0x108  }
0x21: {  	s3 =	sadd.s32 s3, s9;
	s6 =	sadd.s32 @!p0 $0x88, s6;
	s7 =	simm.s32 @p2 $0x1082  }
0x22: {  	[simem:s7], [sflag:s8] =	dma.local @!p0 [hbm:s6], $0xF7A  }
0x23: {  	s9 =	sor.u32 $0xD0000000, s2;
	s6 =	simm.s32 $0x108;
	_ =	swait.ge @!p0 [sflag:s8], $0x0  }
0x24: {  	s3 =	sadd.s32 $0x88, s3;
	s6 =	simm.s32 @!p1 $0x1082;
	[sflag:s4] =	ssyncset.s32 $0xFFFFF086  }
0x25: {  	[simem:s6], [sflag:s4] =	dma.local [hbm:s3], $0xF7A  }
0x26: {  	[smem:$0x3F99] =	sst s1;
	(tag) =	ssettag s2;
	_ =	strace s9  }
0x27: {  	s1 =	sld [smem:$0x3FA9]  }
0x28: {  	s2 =	sld [smem:$0x3FAA]  }
0x29: {  	s4 =	sld [smem:$0x3FAC]  }
0x2a: {  	p0 =	seq.s32 s5, $0x0;
	s5 =	sld [smem:$0x3FAD]  }
0x2b: {  	s6 =	sld [smem:$0x3FAE]  }
0x2c: {  	s7 =	sld [smem:$0x3FAF]  }
0x2d: {  	s3 =	simm.s32 $0x108;
	s8 =	sld [smem:$0x3FB0]  }
0x2e: {  	s3 =	simm.s32 @!p0 $0x1082;
	s9 =	sld [smem:$0x3FB1]  }
0x2f: {  	lr =	sadd.s32 s0, s3;
	s0 =	sld [smem:$0x3FA8]  }
0x30: {  	s3 =	sld [smem:$0x3FAB]  }
0x31: {  	[smem:$0x3FB4] =	sst s10  }
0x32: {  	s10 =	sld [smem:$0x3FB2];
	_ =	sdelay $0x3  }
0x33: {  	p0 =	seq.s32 s10, $0x1;
	s10 =	sld [smem:$0x3FB4];
	_ =	sdelay $0x3  }
0x34: {  	[smem:$0x3FB4] =	sst s10  }
0x35: {  	s10 =	sld [smem:$0x3FB3];
	_ =	sdelay $0x3  }
0x36: {  	p1 =	seq.s32 s10, $0x1;
	s10 =	sld [smem:$0x3FB4];
	_ =	sdelay $0x3  }
0x37: {  	[smem:$0x3FB4] =	sst s10  }
0x38: {  	s10 =	sld [smem:$0x3FB5]  }
0x39: {  	_ = 	snop;
	(pc) =	sbr.ind lr, $3  }
0x3a: {  	_ = 	snop  }
0x3b: {  	_ = 	snop  }
0x3c: {  	p2 =	seq.s32 s10, $0x1;
	s10 =	sld [smem:$0x3FB4]  }
0x3d: {  	_ =	shalt  }
0x3e: {  	_ =	shalt  }
0x3f: {  	_ =	shalt  }
0x40: {  	_ =	shalt  }
0x41: {  	_ =	shalt  }
0x42: {  	_ =	shalt  }
0x43: {  	_ =	shalt  }
0x44: {  	_ =	shalt  }
0x45: {  	_ =	shalt  }
0x46: {  	_ =	shalt  }
0x47: {  	_ =	shalt  }
0x48: {  	_ =	shalt  }
0x49: {  	_ =	shalt  }
0x4a: {  	_ =	shalt  }
0x4b: {  	_ =	shalt  }
0x4c: {  	_ =	shalt  }
0x4d: {  	_ =	shalt  }
0x4e: {  	_ =	shalt  }
0x4f: {  	_ =	shalt  }
0x50: {  	_ =	shalt  }
0x51: {  	_ =	shalt  }
0x52: {  	_ =	shalt  }
0x53: {  	_ =	shalt  }
0x54: {  	_ =	shalt  }
0x55: {  	_ =	shalt  }
0x56: {  	_ =	shalt  }
0x57: {  	_ =	shalt  }
0x58: {  	_ =	shalt  }
0x59: {  	_ =	shalt  }
0x5a: {  	_ =	shalt  }
0x5b: {  	_ =	shalt  }
0x5c: {  	_ =	shalt  }
0x5d: {  	_ =	shalt  }
0x5e: {  	_ =	shalt  }
0x5f: {  	_ =	shalt  }
0x60: {  	_ =	shalt  }
0x61: {  	_ =	shalt  }
0x62: {  	_ =	shalt  }
0x63: {  	_ =	shalt  }
0x64: {  	_ =	shalt  }
0x65: {  	_ =	shalt  }
0x66: {  	_ =	shalt  }
0x67: {  	_ =	shalt  }
0x68: {  	_ =	shalt  }
0x69: {  	_ =	shalt  }
0x6a: {  	_ =	shalt  }
0x6b: {  	_ =	shalt  }
0x6c: {  	_ =	shalt  }
0x6d: {  	_ =	shalt  }
0x6e: {  	_ =	shalt  }
0x6f: {  	_ =	shalt  }
0x70: {  	_ =	shalt  }
0x71: {  	_ =	shalt  }
0x72: {  	_ =	shalt  }
0x73: {  	_ =	shalt  }
0x74: {  	_ =	shalt  }
0x75: {  	_ =	shalt  }
0x76: {  	_ =	shalt  }
0x77: {  	_ =	shalt  }
0x78: {  	_ =	shalt  }
0x79: {  	_ =	shalt  }
0x7a: {  	_ =	shalt  }
0x7b: {  	_ =	shalt  }
0x7c: {  	_ =	shalt  }
0x7d: {  	_ =	shalt  }
0x7e: {  	_ =	shalt  }
0x7f: {  	_ =	shalt  }
0x80: {  	_ =	shalt  }
0x81: {  	_ =	shalt  }
0x82: {  	_ =	shalt  }
0x83: {  	_ =	shalt  }
0x84: {  	_ =	shalt  }
0x85: {  	_ =	shalt  }
0x86: {  	_ =	shalt  }
0x87: {  	_ =	shalt  }
.Lfunc_end0:
.L_simem_size_0:
called_computation_lowered:
.L_overlay_start_0:
0x88: {  	s2 =	sld [smem:$0x3FD9]  }
0x89: {  	s3 =	sld [smem:$0x3FFE];
	_ =	sdelay $0x1  }
0x8a: {  	s1 =	srdreg.scid  }
0x8b: {  	s0 =	sand.u32 $0x1, s1  }
0x8c: {  	s14 =	sshll.u32 s0, $0xA;
	s2 =	sadd.s32 s3, s2  }
0x8d: {  	s2 =	sadd.s32 s2, s14  }
0x8e: {  	[smem:$0x3FC0] =	sst s2  }
0x8f: {  	_ = 	snop  }
0x90: {  	s2 =	sld [smem:$0x3FD0];
	_ =	sdelay $0x2  }
0x91: {  	s15 =	simm.s32 $0xA;
	s4 =	simm.s32 $0x10  }
0x92: {  	[smem:s4], [sflag:s15] =	dma.local [hbm:s2], $0x1  }
0x93: {  	_ =	swait.eq [sflag:s15], $0x1  }
0x94: {  	[sflag:s15] =	ssyncset.done $0x0  }
0x95: {  	[sflag:s15] =	ssyncadd.s32 $0xFFFFFFFF  }
0x96: {  	s16 =	sld [smem:$0x11];
	(tm) =	ssettm $0x1  }
0x97: {  	s17 =	sld [smem:$0x3FFB];
	_ =	sdelay $0x3  }
0x98: {  	_ =	strace s17  }
0x99: {  	s3 =	sld [smem:$0x3FFC];
	_ =	sdelay $0x3  }
0x9a: {  	_ =	strace s3  }
0x9b: {  	s3 =	sld [smem:$0x3FFD];
	_ =	sdelay $0x3  }
0x9c: {  	_ =	strace s3  }
0x9d: {  	_ =	strace $0x8FFFFFFF  }
0x9e: {  	s18 =	sld [smem:$0x3FDB];
	_ =	sdelay $0x1  }
0x9f: {  	s19 =	simm.s32 $_scs_section_size  }
0xa0: {  	s5 =	simm.s32 $_size__tile_overlayer_lowered;
	s6 =	simm.s32 $_tile_overlayer_lowered  }
0xa1: {  	s22 =	simm.s32 $0x1BFF;
	s21 =	sshll.u32 s6, $0x1;
	s3 =	sadd.s32 s19, s18  }
0xa2: {  	s7 =	simm.s32 $0x0;
	s20 =	sshll.u32 s5, $0x1;
	s5 =	sadd.s32 s21, s3  }
0xa3: {  	[timem:s7], [sflag:s22] =	dma.local [hbm:s5], s20  }
0xa4: {  	_ =	swait.ge [sflag:s22], s20  }
0xa5: {  	s4 =	ssub.s32 $0x0, s20;
	[sflag:s22] =	ssyncset.done $0x0  }
0xa6: {  	[sflag:s22] =	ssyncadd.s32 s4;
	_ =	sdelay $0x1  }
0xa7: {  	s23 =	simm.s32 $0x1B8B  }
0xa8: {  	_ =	swait.ge [sflag:s23], $0x1  }
0xa9: {  	[sflag:s23] =	ssyncset.done $0x0  }
0xaa: {  	s25 =	simm.s32 $0x1B8E;
	s24 =	sld [smem:$0x3FFE];
	[sflag:s23] =	ssyncadd.s32 $0xFFFFFFFF  }
0xab: {  	s26 =	simm.s32 $execute0_lowered;
	[smem:$0x3FD2] =	sst s25  }
0xac: {  	s5 =	sshll.u32 s26, $0x1;
	_ =	strace $0x80000046;
	[dreg:$0x1] =	wrdreg $0xFFFFFFFF  }
0xad: {  	s28 =	simm.s32 $_size_execute0_lowered;
	s3 =	sadd.s32 s3, s5;
	[dreg:$0x0] =	wrdreg $0x0  }
0xae: {  	s5 =	sshll.u32 s28, $0x1;
	[dreg:$0x2] =	wrdreg s3  }
0xaf: {  	[dreg:$0x3] =	wrdreg s5  }
0xb0: {  	[dreg:$0x4] =	wrdreg $0xC0  }
0xb1: {  	_ =	task [dreg:s7], $0x5FFFF  }
0xb2: {  	[dreg:$0x1] =	wrdreg $0xFFFFFFFF  }
0xb3: {  	[dreg:$0x0] =	wrdreg $0x60  }
0xb4: {  	[dreg:$0x2] =	wrdreg s24  }
0xb5: {  	[dreg:$0x3] =	wrdreg s16  }
0xb6: {  	[dreg:$0x4] =	wrdreg $0x2F800  }
0xb7: {  	[dreg:$0x5] =	wrdreg $0x9  }
0xb8: {  	_ =	task.clear_ibuf [dreg:s7], $0x6FFFF;
	_ =	strace $0x90000046  }
0xb9: {  	s29 =	simm.s32 $0x9;
	_ =	strace $0x80000048  }
0xba: {  	_ =	swait.ge [sflag:s29], $0x1  }
0xbb: {  	[sflag:s29] =	ssyncadd.s32 $0xFFFFFFFF  }
0xbc: {  	_ =	strace $0x90000048  }
0xbd: {  	_ =	sfence  }
0xbe: {  	s30 =	sld [smem:$0x0];
	_ =	sdelay $0x2  }
0xbf: {  	s31 =	sshll.u32 s1, $0xD;
	s1 =	sshrl.u32 s1, $0x2  }
0xc0: {  	s3 =	sand.u32 $0x4000, s31;
	s1 =	sadd.s32 s1, s30  }
0xc1: {  	s0 =	sor.u32 s3, s0;
	s1 =	sshll.u32 s1, $0x11  }
0xc2: {  	s0 =	sor.u32 s1, s0  }
0xc3: {  	s0 =	sadd.s32 $0x8F2B, s0  }
0xc4: {  	[sflag:s0] =	ssyncadd.remote.s32 $0x1  }
0xc5: {  	_ =	sfence.sel $0xFFFF  }
0xc6: {  	[dreg:$0x0] =	wrdreg $0xFFFFFFFF;
	(pc) =	sbr.abs _section_cstart, $3  }
0xc7: {  	[dreg:$0x1] =	wrdreg $0xFFFFFFFF  }
0xc8: {  	_ =	task.clear_ibuf [dreg:s7], $0x2FFFF;
	_ =	strace $0x9FFFFFFF  }
0xc9: {  	(tm) =	ssettm $0x7FFFFFFF  }
tec
execute0_lowered:
.L_overlay_start_1:
0x0: {  	(tag) =	ssettag $0x1  }
0x1: {  	s6 =	rddreg [dreg:$0x0]  }
0x2: {  	s8 =	rddreg [dreg:$0x1]  }
0x3: {  	s0 =	srdreg.scid;
	s1 =	stileid.u32  }
0x4: {  	s2 =	rddreg [dreg:$0x2];
	s9 =	smul.u32 $0x2800, s1  }
0x5: {  	s3 =	simm.s32 $0x0;
	s16 =	simm.s32 $0x0;
	s14 =	smul.u32 $0x2780, s1  }
0x6: {  	s7 =	sand.u32 $0x1, s0;
	s0 =	rddreg [dreg:$0x3];
	s15 =	smul.u32 $0x4F0, s1  }
0x7: {  	[smem:$0x7FF] =	sst s3;
	s4 =	sshll.u32 s7, $0x4;
	s5 =	smul.u32 $0x4F00, s7  }
0x8: {  	_ =	strace $0x80000047;
	s10 =	smul.u32 $0x28000, s7;
	s12 =	ssub.s32 $0x2, s7  }
0x9: {  	s13 =	smul.u32 $0x27800, s7;
	s4 =	sor.u32 s1, s4;
	s30 =	sshrl.u32 s12, $0x1  }
0xa: {  	s7 =	sadd.s32 s9, s2;
	s4 =	smul.u32 $0x4F, s4;
	s11 =	sadd.s32 s5, s6  }
0xb: {  	s5 =	sadd.s32 $0x2000, s6;
	s6 =	sadd.s32 $0xC000, s6;
	s10 =	sadd.s32 s9, s10  }
0xc: {  	s12 =	ssub.s32 s12, s30;
	s31 =	sadd.s32 s14, s13;
	s13 =	simm.s32 $0x2  }
0xd: {  	s14 =	simm.s32 $0x80;
	s10 =	sshrl.u32 s10, $0x3;
	s9 =	smax.u32 s12, $0x1  }
0xe: {  	s11 =	sadd.s32 s15, s11;
	s12 =	simm.s32 $0x1;
	s15 =	simm.s32 $0x2780  }
0xf: {  	v0 =	vimm.f32 $1.000000000e+00;
	s8 =	sadd.s32 s8, s10;
	s10 =	sadd.s32 $0xFFFB1E00, s31;
	s11 =	sadd.s32 $0x2200, s11  }
.LBB2_1:
0x10: {  	s17 =	sadd.s32 $0x0, s4;
	s18 =	sshrl.u32 s10, $0x3  }
0x11: {  	p0 =	slt.u32 s17, $0x9C4;
	s17 =	sadd.s32 s5, s18  }
0x12: {  	s19 =	smov.u32 s11;
	s17 =	smov.u32 @p0 s11  }
0x13: {  	[tilespmem:s3], [sflag:$0x1] =	stream.linear.gather [hbm4b:s17+s3], $0x80, $0x38;
	[tilespmem:$0x5780] =	vst v63  }
0x14: {  	s20 =	simm.s32 $0x0;
	s18 =	smov.u32 s10;
	s17 =	simm.s32 $0x1  }
.LBB2_2:
0x15: {  	p0 =	sne.s32 s17, $0x4E  }
.Ltmp0:
0x16: {  	s21 =	sadd.s32 s17, s4;
	s18 =	sadd.s32 $0x80, s18;
	(pc) =	sbr.rel @p0 .LBB2_2-.Ltmp0, $4  }
0x17: {  	s17 =	sadd.s32 $0x1, s17;
	s22 =	sshrl.u32 s18, $0x3  }
0x18: {  	s19 =	sadd.s32 $0x10, s19;
	p1 =	slt.u32 s21, $0x9C4;
	s21 =	sadd.s32 s5, s22  }
0x19: {  	s20 =	sadd.s32 $0x80, s20;
	s21 =	smov.u32 @p1 s19  }
0x1a: {  	[tilespmem:s20], [sflag:$0x1] =	stream.linear.gather [hbm4b:s21+s3], $0x80, $0x38;
	[tilespmem:$0x5780] =	vst v63  }
0x1b: {  	s17 =	simm.s32 $0x4F  }
.LBB2_4:
0x1c: {  	p0 =	sne.s32 s17, $0x1  }
.Ltmp1:
0x1d: {  	_ = 	snop;
	(pc) =	sbr.rel @p0 .LBB2_4-.Ltmp1, $4  }
0x1e: {  	_ = 	snop  }
0x1f: {  	_ =	swait.ge [sflag:s12], $0x80  }
0x20: {  	[sflag:s12] =	ssyncset.done $0x0  }
0x21: {  	s17 =	sadd.s32 $0xFFFFFFFF, s17;
	[sflag:s12] =	ssyncadd.s32 $0xFFFFFF80  }
0x22: {  	s17 =	simm.s32 $0x40;
	s18 =	simm.s32 $0x0  }
.LBB2_6:
0x23: {  	p0 =	sne.s32 s17, $0x1FC0;
	[tilespmem:s18+$0x2780] =	vst v0;
	s18 =	smov.u32 s17;
	s17 =	sadd.s32 $0x40, s17  }
.Ltmp2:
0x24: {  	(pc) =	sbr.rel @p0 .LBB2_6-.Ltmp2, $2  }
0x25: {  	_ =	sdelay $0x2  }
0x26: {  	s18 =	sshra.s32 s18, $0x2  }
0x27: {  	s17 =	sshll.u32 s1, $0x6  }
0x28: {  	[tilespmem:s18+$0x2780] =	vst v0;
	s18 =	sshrl.u32 s7, $0x3;
	s17 =	sor.u32 $0x1C02, s17  }
0x29: {  	[spmem:s18], [sflag:s17] =	dma.local [hbm:s6], $0x500  }
0x2a: {  	_ =	swait.ge [sflag:s13], $0x500  }
0x2b: {  	[sflag:s13] =	ssyncset.done $0x0  }
0x2c: {  	[sflag:s13] =	ssyncadd.s32 $0xFFFFFB00  }
0x2d: {  	s19 =	simm.s32 $0x0;
	[bflag:$0x0] =	sbarrier.arrive $0xFFFF  }
0x2e: {  	[spmem:s2] =	stream.indirect.scatter.add.f32 [tilespmem:s15], [sflag:$0x2], $0x10, s19, s14, $0xb8;
	[tilespmem:$0x5780] =	vst v63  }
0x2f: {  	_ =	swait.ge [sflag:s13], $0x800  }
0x30: {  	s19 =	simm.s32 $0x200;
	[sflag:s13] =	ssyncset.done $0x0  }
.LBB2_8:
0x31: {  	s20 =	sshra.s32 s19, $0x2;
	[sflag:s13] =	ssyncadd.s32 $0xFFFFF800;
	p0 =	sne.s32 s19, $0x9C00  }
0x32: {  	[spmem:s2] =	stream.indirect.scatter.add.f32 [tilespmem:s15], [sflag:$0x2], $0x10, s20, s14, $0xb8;
	[tilespmem:$0x5780] =	vst v63  }
.Ltmp3:
0x33: {  	_ = 	snop;
	(pc) =	sbr.rel @p0 .LBB2_8-.Ltmp3, $4  }
0x34: {  	_ = 	snop  }
0x35: {  	s19 =	sadd.s32 $0x200, s19  }
0x36: {  	_ =	swait.ge [sflag:s13], $0x800  }
0x37: {  	[sflag:s13] =	ssyncset.done $0x0  }
0x38: {  	s16 =	sadd.s32 $0x1, s16  }
0x39: {  	[sflag:s13] =	ssyncadd.s32 $0xFFFFF800;
	p0 =	sne.s32 s16, s9  }
.Ltmp4:
0x3a: {  	[bflag:$0x0] =	sbarrier.arrive $0xFFFF;
	(pc) =	sbr.rel @p0 .LBB2_1-.Ltmp4, $4  }
0x3b: {  	[hbm:s8], [sflag:s17] =	dma.local [spmem:s18], $0x500  }
0x3c: {  	_ =	swait.ge [sflag:s13], $0x500  }
0x3d: {  	[sflag:s13] =	ssyncset.done $0x0  }
0x3e: {  	[sflag:s13] =	ssyncadd.s32 $0xFFFFFB00  }
0x3f: {  	_ =	sfence.sel $0x180000  }
0x40: {  	[bflag:$0x0] =	sbarrier.arrive $0xFFFF  }
0x41: {  	p0 =	sne.s32 s1, $0x0;
	_ =	strace $0x90000047  }
0x42: {  	s0 =	sadd.s32 @!p0 $0x100000, s0;
	[bflag:$0x2] =	sbarrier.arrive $0xFFFF  }
0x43: {  	[sflag:s0] =	ssyncadd.tile.s32 @!p0 $0x1;
	_ =	shalt  }
.Lfunc_end2:
_tile_overlayer_lowered:
.L_overlay_start_2:
0x44: {  	(tag) =	ssettag $0x2  }
0x45: {  	s0 =	rddreg [dreg:$0x0];
	s2 =	stileid.u32  }
0x46: {  	s1 =	rddreg [dreg:$0x1];
	p0 =	sne.s32 s2, $0x0  }
0x47: {  	s3 =	rddreg [dreg:$0x2];
	[bflag:$0x3] =	sbarrier.arrive $0xFFFF;
	s2 =	simm.s32 @!p0 $0x1C02  }
0x48: {  	[timem:s3], [sflag:s2] =	dma.local @!p0 [hbm:s0], s1  }
0x49: {  	s0 =	simm.s32 @!p0 $0x2  }
0x4a: {  	_ =	swait.ge @!p0 [sflag:s0], s1  }
0x4b: {  	s1 =	ssub.s32 @!p0 $0x0, s1;
	[sflag:s0] =	ssyncset.done @!p0 $0x0  }
0x4c: {  	[sflag:s0] =	ssyncadd.s32 @!p0 s1  }
0x4d: {  	[bflag:$0x3] =	sbarrier.arrive $0xFFFF  }
0x4e: {  	_ =	shalt  }

</sc_bundles>
